<compile_context>
chip_gen: v7x
topology: tpu7x:2x2x1
jax: 0.10.2.dev20260603
libtpu: 0.0.44.dev20260713+nightly
codegen_flags: <defaults>
</compile_context>

<pallas_src>
import functools

import jax
import jax.numpy as jnp
from jax import lax
from jax.experimental import pallas as pl
from jax.experimental.pallas import tpu as pltpu
from jax.experimental.pallas import tpu_sc as plsc

N = 10000
E = 320000
D = 128

NC = 2
NS = 16
NW = NC * NS
EPW = E // NW
CH = 128
NFULL = EPW // CH
TAIL = EPW - NFULL * CH
GCH = 40
GFULL = EPW // GCH
GTAIL = EPW - GFULL * GCH
ZCH = 624
ZTAIL = N - NS * ZCH

_MESH = plsc.VectorSubcoreMesh(core_axis_name="c", subcore_axis_name="s")


def _deg_body(rc_hbm, hist_hbm, ones_v, zeros_v, idx_all, ones_t, hist_sh, ssem):
    cid = lax.axis_index("c")
    sid = lax.axis_index("s")
    wid = sid * NC + cid

    one16 = jnp.full((16,), 1.0, jnp.float32)
    zero16 = jnp.zeros((16,), jnp.float32)

    def fill_ones(i, c):
        ones_v[pl.ds(i * 16, 16)] = one16
        return c

    lax.fori_loop(0, CH // 16, fill_ones, 0)
    ones_t[...] = one16

    def fill_zeros(i, c):
        zeros_v[pl.ds(i * 16, 16)] = zero16
        return c

    lax.fori_loop(0, ZCH // 16, fill_zeros, 0)

    base = wid * EPW
    pltpu.sync_copy(rc_hbm.at[pl.ds(base, EPW)], idx_all)

    pltpu.sync_copy(zeros_v, hist_sh.at[pl.ds(sid * ZCH, ZCH)])

    @pl.when(sid == 0)
    def _():
        pltpu.sync_copy(zeros_v.at[pl.ds(0, ZTAIL)],
                        hist_sh.at[pl.ds(NS * ZCH, ZTAIL)])

    plsc.subcore_barrier()

    def fire(j, c):
        pltpu.async_copy(ones_v, hist_sh.at[idx_all.at[pl.ds(j * CH, CH)]],
                         ssem, add=True)
        return c

    lax.fori_loop(0, NFULL, fire, 0)
    pltpu.sync_copy(ones_t, hist_sh.at[idx_all.at[pl.ds(NFULL * CH, TAIL)]],
                    add=True)

    def drain(j, c):
        pltpu.make_async_copy(ones_v, hist_sh.at[idx_all.at[pl.ds(0, CH)]],
                              ssem).wait()
        return c

    lax.fori_loop(0, NFULL, drain, 0)

    plsc.subcore_barrier()

    hbase = cid * N
    pltpu.sync_copy(hist_sh.at[pl.ds(sid * ZCH, ZCH)], zeros_v)
    pltpu.sync_copy(zeros_v, hist_hbm.at[pl.ds(hbase + sid * ZCH, ZCH)])

    @pl.when(sid == 0)
    def _():
        pltpu.sync_copy(hist_sh.at[pl.ds(NS * ZCH, ZTAIL)], ones_t)
        pltpu.sync_copy(ones_t, hist_hbm.at[pl.ds(hbase + NS * ZCH, ZTAIL)])


_deg_hist = pl.kernel(
    _deg_body,
    out_type=jax.ShapeDtypeStruct((NC * N,), jnp.float32),
    mesh=_MESH,
    scratch_types=[
        pltpu.VMEM((CH,), jnp.float32),
        pltpu.VMEM((ZCH,), jnp.float32),
        pltpu.VMEM((EPW,), jnp.int32),
        pltpu.VMEM((TAIL,), jnp.float32),
        pltpu.VMEM_SHARED((N,), jnp.float32),
        pltpu.SemaphoreType.DMA,
    ],
)


NBUF = 5
NGRP = GFULL // NBUF


def _scatter_body(y_hbm, rc_hbm, part_hbm,
                  cidx_all, ridx_all, gbuf0, gbuf1, gbuf2, gbuf3, gbuf4,
                  gsem0, gsem1, gsem2, gsem3, gsem4,
                  ssem0, ssem1, ssem2, ssem3, ssem4, tsem, acc_sh):
    cid = lax.axis_index("c")
    sid = lax.axis_index("s")
    wid = sid * NC + cid
    gbufs = [gbuf0, gbuf1, gbuf2, gbuf3, gbuf4]
    gsems = [gsem0, gsem1, gsem2, gsem3, gsem4]
    ssems = [ssem0, ssem1, ssem2, ssem3, ssem4]

    base = wid * EPW
    pltpu.async_copy(rc_hbm.at[pl.ds(E + base, EPW)], cidx_all, tsem)
    pltpu.async_copy(rc_hbm.at[pl.ds(base, EPW)], ridx_all, tsem)

    zero16 = jnp.zeros((16,), jnp.float32)

    def zrow(r, c):
        for k in range(D // 16):
            gbuf4[r, pl.ds(k * 16, 16)] = zero16
        return c

    lax.fori_loop(0, GCH, zrow, 0)

    pltpu.make_async_copy(rc_hbm.at[pl.ds(E + base, EPW)], cidx_all, tsem).wait()
    pltpu.make_async_copy(rc_hbm.at[pl.ds(base, EPW)], ridx_all, tsem).wait()

    def cidx(cj):
        return cidx_all.at[pl.ds(cj * GCH, GCH)]

    def ridx(cj):
        return ridx_all.at[pl.ds(cj * GCH, GCH)]

    for b in range(NBUF - 1):
        pltpu.async_copy(y_hbm.at[cidx(b)], gbufs[b], gsems[b])

    rbase = sid * ZCH
    for k in range(ZCH // GCH):
        pltpu.sync_copy(gbuf4, acc_sh.at[pl.ds(rbase + k * GCH, GCH)])
    if ZCH % GCH:
        pltpu.sync_copy(gbuf4.at[pl.ds(0, ZCH % GCH)],
                        acc_sh.at[pl.ds(rbase + (ZCH // GCH) * GCH, ZCH % GCH)])

    @pl.when(sid == 0)
    def _():
        pltpu.sync_copy(gbuf4.at[pl.ds(0, ZTAIL)], acc_sh.at[pl.ds(NS * ZCH, ZTAIL)])

    pltpu.async_copy(y_hbm.at[cidx(NBUF - 1)], gbufs[NBUF - 1], gsems[NBUF - 1])

    plsc.subcore_barrier()

    def grp(j, c):
        for b in range(NBUF):
            cj = j * NBUF + b
            pltpu.make_async_copy(y_hbm.at[cidx(cj)], gbufs[b], gsems[b]).wait()
            pltpu.async_copy(gbufs[b], acc_sh.at[ridx(cj)], ssems[b], add=True)
            pltpu.make_async_copy(gbufs[b], acc_sh.at[ridx(cj)], ssems[b]).wait()
            pltpu.async_copy(y_hbm.at[cidx(cj + NBUF)], gbufs[b], gsems[b])
        return c

    lax.fori_loop(0, NGRP - 1, grp, 0)

    for b in range(NBUF):
        cj = (NGRP - 1) * NBUF + b
        pltpu.make_async_copy(y_hbm.at[cidx(cj)], gbufs[b], gsems[b]).wait()
        pltpu.async_copy(gbufs[b], acc_sh.at[ridx(cj)], ssems[b], add=True)
        pltpu.make_async_copy(gbufs[b], acc_sh.at[ridx(cj)], ssems[b]).wait()

    if GTAIL:
        off = GFULL * GCH
        pltpu.async_copy(y_hbm.at[cidx_all.at[pl.ds(off, GTAIL)]],
                         gbuf0.at[pl.ds(0, GTAIL)], tsem).wait()
        pltpu.sync_copy(gbuf0.at[pl.ds(0, GTAIL)],
                        acc_sh.at[ridx_all.at[pl.ds(off, GTAIL)]], add=True)

    plsc.subcore_barrier()

    pbase = cid * N + rbase
    wbufs = (gbuf0, gbuf1)
    for k in range(ZCH // GCH):
        b = k % 2
        if k >= 2:
            pltpu.make_async_copy(wbufs[b], part_hbm.at[pl.ds(pbase, GCH)],
                                  ssems[b]).wait()
        pltpu.async_copy(acc_sh.at[pl.ds(rbase + k * GCH, GCH)], wbufs[b],
                         gsems[b])
        pltpu.make_async_copy(acc_sh.at[pl.ds(rbase + k * GCH, GCH)], wbufs[b],
                              gsems[b]).wait()
        pltpu.async_copy(wbufs[b], part_hbm.at[pl.ds(pbase + k * GCH, GCH)],
                         ssems[b])
    for b in range(2):
        pltpu.make_async_copy(wbufs[b], part_hbm.at[pl.ds(pbase, GCH)],
                              ssems[b]).wait()
    if ZCH % GCH:
        rem = ZCH % GCH
        roff = (ZCH // GCH) * GCH
        pltpu.sync_copy(acc_sh.at[pl.ds(rbase + roff, rem)],
                        gbuf0.at[pl.ds(0, rem)])
        pltpu.sync_copy(gbuf0.at[pl.ds(0, rem)],
                        part_hbm.at[pl.ds(pbase + roff, rem)])

    @pl.when(sid == 0)
    def _():
        pltpu.sync_copy(acc_sh.at[pl.ds(NS * ZCH, ZTAIL)], gbuf1.at[pl.ds(0, ZTAIL)])
        pltpu.sync_copy(gbuf1.at[pl.ds(0, ZTAIL)],
                        part_hbm.at[pl.ds(cid * N + NS * ZCH, ZTAIL)])


_edge_scatter = pl.kernel(
    _scatter_body,
    out_type=jax.ShapeDtypeStruct((NC * N, D), jnp.float32),
    mesh=_MESH,
    scratch_types=[
        pltpu.VMEM((EPW,), jnp.int32),
        pltpu.VMEM((EPW,), jnp.int32),
        pltpu.VMEM((GCH, D), jnp.float32),
        pltpu.VMEM((GCH, D), jnp.float32),
        pltpu.VMEM((GCH, D), jnp.float32),
        pltpu.VMEM((GCH, D), jnp.float32),
        pltpu.VMEM((GCH, D), jnp.float32),
        pltpu.SemaphoreType.DMA,
        pltpu.SemaphoreType.DMA,
        pltpu.SemaphoreType.DMA,
        pltpu.SemaphoreType.DMA,
        pltpu.SemaphoreType.DMA,
        pltpu.SemaphoreType.DMA,
        pltpu.SemaphoreType.DMA,
        pltpu.SemaphoreType.DMA,
        pltpu.SemaphoreType.DMA,
        pltpu.SemaphoreType.DMA,
        pltpu.SemaphoreType.DMA,
        pltpu.VMEM_SHARED((N, D), jnp.float32),
    ],
)


def _cvt_body(ei_ref, rc_ref):
    rc_ref[pl.ds(0, E)] = ei_ref[0, :]
    rc_ref[pl.ds(E, E)] = ei_ref[1, :]


_cvt = pl.pallas_call(
    _cvt_body,
    out_shape=jax.ShapeDtypeStruct((2 * E,), jnp.int32),
)


def _mm_body(x_ref, w_ref, xw_ref):
    xw_ref[...] = lax.dot_general(x_ref[...], w_ref[...],
                                  (((1,), (1,)), ((), ())),
                                  preferred_element_type=jnp.float32)


_mm = pl.pallas_call(
    _mm_body,
    out_shape=jax.ShapeDtypeStruct((N, D), jnp.float32),
)


def _scale_body(hist_ref, xw_ref, y_ref, dis_ref):
    deg = hist_ref[pl.ds(0, N)] + hist_ref[pl.ds(N, N)] + 1.0
    dis = lax.rsqrt(deg)
    dis_ref[...] = dis
    y_ref[...] = xw_ref[...] * dis[:, None]


_scale = pl.pallas_call(
    _scale_body,
    out_shape=(jax.ShapeDtypeStruct((N, D), jnp.float32),
               jax.ShapeDtypeStruct((N,), jnp.float32)),
)


def _fin_body(p_ref, y_ref, dis_ref, o_ref):
    o_ref[...] = ((p_ref[pl.ds(0, N), :] + p_ref[pl.ds(N, N), :] + y_ref[...])
                  * dis_ref[...][:, None])


_fin = pl.pallas_call(
    _fin_body,
    out_shape=jax.ShapeDtypeStruct((N, D), jnp.float32),
)


@jax.jit
def kernel(x, edge_index, W):
    x = x.astype(jnp.float32)
    W = W.astype(jnp.float32)
    rc = _cvt(edge_index.astype(jnp.int32))
    hist = _deg_hist(rc)
    xw = _mm(x, W)
    y, dis = _scale(hist, xw)
    part = _edge_scatter(y, rc)
    return _fin(part, y, dis)

# --- scband reference (transcript-rebuilt; emitter-appended) ---
"""Pipeline reference for scband-simple-gcnlayer-17721035063937 (READ-ONLY COPY).

The authoritative reference and input builder live on the scoring server;
editing this copy changes nothing except your own understanding.
"""

import jax, jax.numpy as jnp
import numpy as np

N = 10000
E = 320000
D_IN = 128
D_OUT = 128


def setup_inputs(seed: int = 0) -> dict:
    key = jax.random.key(seed)
    k1, k2, k3 = jax.random.split(key, 3)
    x = jax.random.normal(k1, (N, D_IN), dtype=jnp.float32)
    edge_index = jax.random.randint(k2, (2, E), 0, N)
    # nn.Linear(in, out, bias=False) weight has shape [out, in]
    W = jax.random.normal(k3, (D_OUT, D_IN), dtype=jnp.float32) * 0.05
    return {"x": x, "edge_index": edge_index, "W": W}


def reference(x, edge_index, W):
    n = x.shape[0]
    row, col = edge_index[0], edge_index[1]
    loop_idx = jnp.arange(n, dtype=edge_index.dtype)
    row2 = jnp.concatenate([row, loop_idx], axis=0)
    col2 = jnp.concatenate([col, loop_idx], axis=0)
    deg = jnp.bincount(row2, length=n).astype(jnp.float32)
    deg_inv_sqrt = jnp.power(deg, -0.5)
    deg_inv_sqrt = jnp.where(jnp.isinf(deg_inv_sqrt), 0.0, deg_inv_sqrt)
    xw = x @ W.T
    norm = deg_inv_sqrt[row2] * deg_inv_sqrt[col2]
    msgs = norm[:, None] * xw[col2]
    out = jnp.zeros_like(xw).at[row2].add(msgs)
    return out

if __name__ == "__main__":
    import jax
    _d = setup_inputs()
    print(jax.jit(kernel)(*tuple(_d.values())))

</pallas_src>

<mosaic_0001>
#map = affine_map<(d0, d1) -> (0)>
module attributes {stable_mosaic.version = 14 : i64} {
  func.func @_deg_body(%arg0: i32, %arg1: i32, %arg2: memref<640000xi32, #tpu.memory_space<hbm>>, %arg3: memref<20000xf32, #tpu.memory_space<hbm>>, %arg4: memref<128xf32, #tpu.memory_space<vmem>>, %arg5: memref<624xf32, #tpu.memory_space<vmem>>, %arg6: memref<10000xi32, #tpu.memory_space<vmem>>, %arg7: memref<16xf32, #tpu.memory_space<vmem>>, %arg8: memref<10000xf32, #tpu.memory_space<vmem_shared>>, %arg9: memref<!tpu.dma_semaphore, #tpu.memory_space<semaphore_mem>>) attributes {dimension_semantics = [#tpu.dimension_semantics<core_parallel>, #tpu.dimension_semantics<subcore_parallel>], iteration_bounds = array<i64: 2, 16>, scalar_prefetch = 0 : i64, scratch_operands = 6 : i64, tpu.core_type = #tpu.core_type<sc_vector_subcore>, window_params = [{transform_indices = #map}, {transform_indices = #map}]} {
    %mul3A = arith.constant 2 : i32
    %mul3A_0 = arith.muli %arg1, %mul3A : i32
    %add3A = arith.addi %mul3A_0, %arg0 : i32
    %broadcast_in_dim3A = arith.constant 1.000000e+00 : f32
    %broadcast_in_dim3A_1 = vector.broadcast %broadcast_in_dim3A : f32 to vector<16xf32>
    %broadcast_in_dim3A_2 = arith.constant 0.000000e+00 : f32
    %broadcast_in_dim3A_3 = vector.broadcast %broadcast_in_dim3A_2 : f32 to vector<16xf32>
    %scan3A = arith.constant 0 : i32
    %scan3A_4 = arith.constant 0 : i32
    %scan3A_5 = arith.constant 8 : i32
    %scan3A_6 = arith.addi %scan3A_4, %scan3A_5 : i32
    %scan3A_7 = arith.constant 1 : i32
    scf.for %scan3A_49 = %scan3A_4 to %scan3A_6 step %scan3A_7  : i32 {
      %mul3A_50 = arith.constant 16 : i32
      %mul3A_51 = arith.muli %scan3A_49, %mul3A_50 : i32
      %swap3A_52 = arith.index_cast %mul3A_51 : i32 to index
      %swap3A_53 = tpu.vector_load %arg4[%swap3A_52] {strides = array<i32>} : memref<128xf32, #tpu.memory_space<vmem>>, vector<16xf32>,
      %swap3A_54 = vector.shape_cast %swap3A_53 : vector<16xf32> to vector<16xf32>
      %swap3A_55 = vector.shape_cast %broadcast_in_dim3A_1 : vector<16xf32> to vector<16xf32>
      tpu.vector_store %arg4[%swap3A_52], %swap3A_55 {strides = array<i32>} : memref<128xf32, #tpu.memory_space<vmem>>, vector<16xf32>,
    }
    %scan3A_8 = arith.constant 8 : i32
    %swap3A = arith.constant 0 : index
    %swap3A_9 = tpu.vector_load %arg7[%swap3A] {strides = array<i32>} : memref<16xf32, #tpu.memory_space<vmem>>, vector<16xf32>,
    %swap3A_10 = vector.shape_cast %swap3A_9 : vector<16xf32> to vector<16xf32>
    %swap3A_11 = vector.shape_cast %broadcast_in_dim3A_1 : vector<16xf32> to vector<16xf32>
    tpu.vector_store %arg7[%swap3A], %swap3A_11 {strides = array<i32>} : memref<16xf32, #tpu.memory_space<vmem>>, vector<16xf32>,
    %scan3A_12 = arith.constant 0 : i32
    %scan3A_13 = arith.constant 0 : i32
    %scan3A_14 = arith.constant 39 : i32
    %scan3A_15 = arith.addi %scan3A_13, %scan3A_14 : i32
    %scan3A_16 = arith.constant 1 : i32
    scf.for %scan3A_49 = %scan3A_13 to %scan3A_15 step %scan3A_16  : i32 {
      %mul3A_50 = arith.constant 16 : i32
      %mul3A_51 = arith.muli %scan3A_49, %mul3A_50 : i32
      %swap3A_52 = arith.index_cast %mul3A_51 : i32 to index
      %swap3A_53 = tpu.vector_load %arg5[%swap3A_52] {strides = array<i32>} : memref<624xf32, #tpu.memory_space<vmem>>, vector<16xf32>,
      %swap3A_54 = vector.shape_cast %swap3A_53 : vector<16xf32> to vector<16xf32>
      %swap3A_55 = vector.shape_cast %broadcast_in_dim3A_3 : vector<16xf32> to vector<16xf32>
      tpu.vector_store %arg5[%swap3A_52], %swap3A_55 {strides = array<i32>} : memref<624xf32, #tpu.memory_space<vmem>>, vector<16xf32>,
    }
    %scan3A_17 = arith.constant 39 : i32
    %mul3A_18 = arith.constant 10000 : i32
    %mul3A_19 = arith.muli %add3A, %mul3A_18 : i32
    "tpu.region"() ({
      %run_scoped3A = tpu.sem_alloc : memref<!tpu.dma_semaphore, #tpu.memory_space<semaphore_mem>>
      %dma_start3A = tpu.memref_slice %arg2[%mul3A_19] : memref<640000xi32, #tpu.memory_space<hbm>> -> memref<10000xi32, #tpu.memory_space<hbm>>
      %dma_start3A_49 = tpu.memref_slice %arg2[%mul3A_19] : memref<640000xi32, #tpu.memory_space<hbm>> -> memref<10000xi32, #tpu.memory_space<hbm>>
      tpu.enqueue_dma source(%dma_start3A_49 : memref<10000xi32, #tpu.memory_space<hbm>>) target(%arg6 : memref<10000xi32, #tpu.memory_space<vmem>>) target_semaphore(%run_scoped3A : memref<!tpu.dma_semaphore, #tpu.memory_space<semaphore_mem>>)
      %dma_wait3A = tpu.memref_slice %arg2[%mul3A_19] : memref<640000xi32, #tpu.memory_space<hbm>> -> memref<10000xi32, #tpu.memory_space<hbm>>
      %dma_wait3A_50 = tpu.memref_slice %arg2[%mul3A_19] : memref<640000xi32, #tpu.memory_space<hbm>> -> memref<10000xi32, #tpu.memory_space<hbm>>
      tpu.wait_dma2 semaphore(%run_scoped3A : memref<!tpu.dma_semaphore, #tpu.memory_space<semaphore_mem>>) src(%dma_wait3A_50 : memref<10000xi32, #tpu.memory_space<hbm>>) dst(%arg6 : memref<10000xi32, #tpu.memory_space<vmem>>)
      tpu.yield
    }) : () -> ()
    %mul3A_20 = arith.constant 624 : i32
    %mul3A_21 = arith.muli %arg1, %mul3A_20 : i32
    "tpu.region"() ({
      %run_scoped3A = tpu.sem_alloc : memref<!tpu.dma_semaphore, #tpu.memory_space<semaphore_mem>>
      %dma_start3A = tpu.memref_slice %arg8[%mul3A_21] : memref<10000xf32, #tpu.memory_space<vmem_shared>> -> memref<624xf32, #tpu.memory_space<vmem_shared>>
      %dma_start3A_49 = tpu.memref_slice %arg8[%mul3A_21] : memref<10000xf32, #tpu.memory_space<vmem_shared>> -> memref<624xf32, #tpu.memory_space<vmem_shared>>
      tpu.enqueue_dma source(%arg5 : memref<624xf32, #tpu.memory_space<vmem>>) target(%dma_start3A_49 : memref<624xf32, #tpu.memory_space<vmem_shared>>) target_semaphore(%run_scoped3A : memref<!tpu.dma_semaphore, #tpu.memory_space<semaphore_mem>>)
      %dma_wait3A = tpu.memref_slice %arg8[%mul3A_21] : memref<10000xf32, #tpu.memory_space<vmem_shared>> -> memref<624xf32, #tpu.memory_space<vmem_shared>>
      %dma_wait3A_50 = tpu.memref_slice %arg8[%mul3A_21] : memref<10000xf32, #tpu.memory_space<vmem_shared>> -> memref<624xf32, #tpu.memory_space<vmem_shared>>
      tpu.wait_dma2 semaphore(%run_scoped3A : memref<!tpu.dma_semaphore, #tpu.memory_space<semaphore_mem>>) src(%arg5 : memref<624xf32, #tpu.memory_space<vmem>>) dst(%dma_wait3A_50 : memref<624xf32, #tpu.memory_space<vmem_shared>>)
      tpu.yield
    }) : () -> ()
    %eq3A = arith.constant 0 : i32
    %eq3A_22 = arith.cmpi eq, %arg1, %eq3A : i32
    %convert_element_type3A = arith.extui %eq3A_22 : i1 to i32
    %cond3A = arith.constant 0 : i32
    %cond3A_23 = arith.cmpi ne, %convert_element_type3A, %cond3A : i32
    scf.if %cond3A_23 {
      "tpu.region"() ({
        %run_scoped3A = tpu.sem_alloc : memref<!tpu.dma_semaphore, #tpu.memory_space<semaphore_mem>>
        %dma_start3A = arith.constant 0 : i32
        %dma_start3A_49 = tpu.memref_slice %arg5[%dma_start3A] : memref<624xf32, #tpu.memory_space<vmem>> -> memref<16xf32, #tpu.memory_space<vmem>>
        %dma_start3A_50 = arith.constant 9984 : i32
        %dma_start3A_51 = tpu.memref_slice %arg8[%dma_start3A_50] : memref<10000xf32, #tpu.memory_space<vmem_shared>> -> memref<16xf32, #tpu.memory_space<vmem_shared>>
        %dma_start3A_52 = arith.constant 9984 : i32
        %dma_start3A_53 = tpu.memref_slice %arg8[%dma_start3A_52] : memref<10000xf32, #tpu.memory_space<vmem_shared>> -> memref<16xf32, #tpu.memory_space<vmem_shared>>
        %dma_start3A_54 = arith.constant 0 : i32
        %dma_start3A_55 = tpu.memref_slice %arg5[%dma_start3A_54] : memref<624xf32, #tpu.memory_space<vmem>> -> memref<16xf32, #tpu.memory_space<vmem>>
        tpu.enqueue_dma source(%dma_start3A_55 : memref<16xf32, #tpu.memory_space<vmem>>) target(%dma_start3A_53 : memref<16xf32, #tpu.memory_space<vmem_shared>>) target_semaphore(%run_scoped3A : memref<!tpu.dma_semaphore, #tpu.memory_space<semaphore_mem>>)
        %dma_wait3A = arith.constant 0 : i32
        %dma_wait3A_56 = tpu.memref_slice %arg5[%dma_wait3A] : memref<624xf32, #tpu.memory_space<vmem>> -> memref<16xf32, #tpu.memory_space<vmem>>
        %dma_wait3A_57 = arith.constant 9984 : i32
        %dma_wait3A_58 = tpu.memref_slice %arg8[%dma_wait3A_57] : memref<10000xf32, #tpu.memory_space<vmem_shared>> -> memref<16xf32, #tpu.memory_space<vmem_shared>>
        %dma_wait3A_59 = arith.constant 9984 : i32
        %dma_wait3A_60 = tpu.memref_slice %arg8[%dma_wait3A_59] : memref<10000xf32, #tpu.memory_space<vmem_shared>> -> memref<16xf32, #tpu.memory_space<vmem_shared>>
        %dma_wait3A_61 = arith.constant 0 : i32
        %dma_wait3A_62 = tpu.memref_slice %arg5[%dma_wait3A_61] : memref<624xf32, #tpu.memory_space<vmem>> -> memref<16xf32, #tpu.memory_space<vmem>>
        tpu.wait_dma2 semaphore(%run_scoped3A : memref<!tpu.dma_semaphore, #tpu.memory_space<semaphore_mem>>) src(%dma_wait3A_62 : memref<16xf32, #tpu.memory_space<vmem>>) dst(%dma_wait3A_60 : memref<16xf32, #tpu.memory_space<vmem_shared>>)
        tpu.yield
      }) : () -> ()
    } else {
    }
    %barrier3A = arith.constant 0 : index
    tpu.barrier barrier_id(%barrier3A)
    %scan3A_24 = arith.constant 0 : i32
    %scan3A_25 = arith.constant 0 : i32
    %scan3A_26 = arith.constant 78 : i32
    %scan3A_27 = arith.addi %scan3A_25, %scan3A_26 : i32
    %scan3A_28 = arith.constant 1 : i32
    scf.for %scan3A_49 = %scan3A_25 to %scan3A_27 step %scan3A_28  : i32 {
      %mul3A_50 = arith.constant 128 : i32
      %mul3A_51 = arith.muli %scan3A_49, %mul3A_50 : i32
      %dma_start3A = tpu.memref_slice %arg6[%mul3A_51] : memref<10000xi32, #tpu.memory_space<vmem>> -> memref<128xi32, #tpu.memory_space<vmem>>
      %dma_start3A_52 = arith.constant 0 : i32
      %dma_start3A_53 = tpu.memref_slice %arg8[%dma_start3A_52] : memref<10000xf32, #tpu.memory_space<vmem_shared>> -> memref<10000xf32, #tpu.memory_space<vmem_shared>>
      tpu.enqueue_indirect_dma source(%arg4 : memref<128xf32, #tpu.memory_space<vmem>>) target(%dma_start3A_53 : memref<10000xf32, #tpu.memory_space<vmem_shared>>) offsets(%dma_start3A : memref<128xi32, #tpu.memory_space<vmem>>) semaphore(%arg9 : memref<!tpu.dma_semaphore, #tpu.memory_space<semaphore_mem>>) {add = true}
    }
    %scan3A_29 = arith.constant 78 : i32
    "tpu.region"() ({
      %run_scoped3A = tpu.sem_alloc : memref<!tpu.dma_semaphore, #tpu.memory_space<semaphore_mem>>
      %dma_start3A = arith.constant 9984 : i32
      %dma_start3A_49 = tpu.memref_slice %arg6[%dma_start3A] : memref<10000xi32, #tpu.memory_space<vmem>> -> memref<16xi32, #tpu.memory_space<vmem>>
      %dma_start3A_50 = arith.constant 0 : i32
      %dma_start3A_51 = tpu.memref_slice %arg8[%dma_start3A_50] : memref<10000xf32, #tpu.memory_space<vmem_shared>> -> memref<10000xf32, #tpu.memory_space<vmem_shared>>
      tpu.enqueue_indirect_dma source(%arg7 : memref<16xf32, #tpu.memory_space<vmem>>) target(%dma_start3A_51 : memref<10000xf32, #tpu.memory_space<vmem_shared>>) offsets(%dma_start3A_49 : memref<16xi32, #tpu.memory_space<vmem>>) semaphore(%run_scoped3A : memref<!tpu.dma_semaphore, #tpu.memory_space<semaphore_mem>>) {add = true}
      %dma_wait3A = arith.constant 9984 : i32
      %dma_wait3A_52 = tpu.memref_slice %arg6[%dma_wait3A] : memref<10000xi32, #tpu.memory_space<vmem>> -> memref<16xi32, #tpu.memory_space<vmem>>
      %dma_wait3A_53 = arith.constant 0 : i32
      %dma_wait3A_54 = tpu.memref_slice %arg8[%dma_wait3A_53] : memref<10000xf32, #tpu.memory_space<vmem_shared>> -> memref<10000xf32, #tpu.memory_space<vmem_shared>>
      tpu.wait_indirect_dma semaphore(%run_scoped3A : memref<!tpu.dma_semaphore, #tpu.memory_space<semaphore_mem>>) src(%arg7 : memref<16xf32, #tpu.memory_space<vmem>>) dst(%dma_wait3A_54 : memref<10000xf32, #tpu.memory_space<vmem_shared>>)
      tpu.yield
    }) : () -> ()
    %scan3A_30 = arith.constant 0 : i32
    %scan3A_31 = arith.constant 0 : i32
    %scan3A_32 = arith.constant 78 : i32
    %scan3A_33 = arith.addi %scan3A_31, %scan3A_32 : i32
    %scan3A_34 = arith.constant 1 : i32
    scf.for %scan3A_49 = %scan3A_31 to %scan3A_33 step %scan3A_34  : i32 {
      %dma_wait3A = arith.constant 0 : i32
      %dma_wait3A_50 = tpu.memref_slice %arg6[%dma_wait3A] : memref<10000xi32, #tpu.memory_space<vmem>> -> memref<128xi32, #tpu.memory_space<vmem>>
      %dma_wait3A_51 = arith.constant 0 : i32
      %dma_wait3A_52 = tpu.memref_slice %arg8[%dma_wait3A_51] : memref<10000xf32, #tpu.memory_space<vmem_shared>> -> memref<10000xf32, #tpu.memory_space<vmem_shared>>
      tpu.wait_indirect_dma semaphore(%arg9 : memref<!tpu.dma_semaphore, #tpu.memory_space<semaphore_mem>>) src(%arg4 : memref<128xf32, #tpu.memory_space<vmem>>) dst(%dma_wait3A_52 : memref<10000xf32, #tpu.memory_space<vmem_shared>>)
    }
    %scan3A_35 = arith.constant 78 : i32
    %barrier3A_36 = arith.constant 0 : index
    tpu.barrier barrier_id(%barrier3A_36)
    %mul3A_37 = arith.constant 10000 : i32
    %mul3A_38 = arith.muli %arg0, %mul3A_37 : i32
    %mul3A_39 = arith.constant 624 : i32
    %mul3A_40 = arith.muli %arg1, %mul3A_39 : i32
    "tpu.region"() ({
      %run_scoped3A = tpu.sem_alloc : memref<!tpu.dma_semaphore, #tpu.memory_space<semaphore_mem>>
      %dma_start3A = tpu.memref_slice %arg8[%mul3A_40] : memref<10000xf32, #tpu.memory_space<vmem_shared>> -> memref<624xf32, #tpu.memory_space<vmem_shared>>
      %dma_start3A_49 = tpu.memref_slice %arg8[%mul3A_40] : memref<10000xf32, #tpu.memory_space<vmem_shared>> -> memref<624xf32, #tpu.memory_space<vmem_shared>>
      tpu.enqueue_dma source(%dma_start3A_49 : memref<624xf32, #tpu.memory_space<vmem_shared>>) target(%arg5 : memref<624xf32, #tpu.memory_space<vmem>>) target_semaphore(%run_scoped3A : memref<!tpu.dma_semaphore, #tpu.memory_space<semaphore_mem>>)
      %dma_wait3A = tpu.memref_slice %arg8[%mul3A_40] : memref<10000xf32, #tpu.memory_space<vmem_shared>> -> memref<624xf32, #tpu.memory_space<vmem_shared>>
      %dma_wait3A_50 = tpu.memref_slice %arg8[%mul3A_40] : memref<10000xf32, #tpu.memory_space<vmem_shared>> -> memref<624xf32, #tpu.memory_space<vmem_shared>>
      tpu.wait_dma2 semaphore(%run_scoped3A : memref<!tpu.dma_semaphore, #tpu.memory_space<semaphore_mem>>) src(%dma_wait3A_50 : memref<624xf32, #tpu.memory_space<vmem_shared>>) dst(%arg5 : memref<624xf32, #tpu.memory_space<vmem>>)
      tpu.yield
    }) : () -> ()
    %mul3A_41 = arith.constant 624 : i32
    %mul3A_42 = arith.muli %arg1, %mul3A_41 : i32
    %add3A_43 = arith.addi %mul3A_38, %mul3A_42 : i32
    "tpu.region"() ({
      %run_scoped3A = tpu.sem_alloc : memref<!tpu.dma_semaphore, #tpu.memory_space<semaphore_mem>>
      %dma_start3A = tpu.memref_slice %arg3[%add3A_43] : memref<20000xf32, #tpu.memory_space<hbm>> -> memref<624xf32, #tpu.memory_space<hbm>>
      %dma_start3A_49 = tpu.memref_slice %arg3[%add3A_43] : memref<20000xf32, #tpu.memory_space<hbm>> -> memref<624xf32, #tpu.memory_space<hbm>>
      tpu.enqueue_dma source(%arg5 : memref<624xf32, #tpu.memory_space<vmem>>) target(%dma_start3A_49 : memref<624xf32, #tpu.memory_space<hbm>>) target_semaphore(%run_scoped3A : memref<!tpu.dma_semaphore, #tpu.memory_space<semaphore_mem>>)
      %dma_wait3A = tpu.memref_slice %arg3[%add3A_43] : memref<20000xf32, #tpu.memory_space<hbm>> -> memref<624xf32, #tpu.memory_space<hbm>>
      %dma_wait3A_50 = tpu.memref_slice %arg3[%add3A_43] : memref<20000xf32, #tpu.memory_space<hbm>> -> memref<624xf32, #tpu.memory_space<hbm>>
      tpu.wait_dma2 semaphore(%run_scoped3A : memref<!tpu.dma_semaphore, #tpu.memory_space<semaphore_mem>>) src(%arg5 : memref<624xf32, #tpu.memory_space<vmem>>) dst(%dma_wait3A_50 : memref<624xf32, #tpu.memory_space<hbm>>)
      tpu.yield
    }) : () -> ()
    %eq3A_44 = arith.constant 0 : i32
    %eq3A_45 = arith.cmpi eq, %arg1, %eq3A_44 : i32
    %convert_element_type3A_46 = arith.extui %eq3A_45 : i1 to i32
    %cond3A_47 = arith.constant 0 : i32
    %cond3A_48 = arith.cmpi ne, %convert_element_type3A_46, %cond3A_47 : i32
    scf.if %cond3A_48 {
      "tpu.region"() ({
        %run_scoped3A = tpu.sem_alloc : memref<!tpu.dma_semaphore, #tpu.memory_space<semaphore_mem>>
        %dma_start3A = arith.constant 9984 : i32
        %dma_start3A_51 = tpu.memref_slice %arg8[%dma_start3A] : memref<10000xf32, #tpu.memory_space<vmem_shared>> -> memref<16xf32, #tpu.memory_space<vmem_shared>>
        %dma_start3A_52 = arith.constant 9984 : i32
        %dma_start3A_53 = tpu.memref_slice %arg8[%dma_start3A_52] : memref<10000xf32, #tpu.memory_space<vmem_shared>> -> memref<16xf32, #tpu.memory_space<vmem_shared>>
        tpu.enqueue_dma source(%dma_start3A_53 : memref<16xf32, #tpu.memory_space<vmem_shared>>) target(%arg7 : memref<16xf32, #tpu.memory_space<vmem>>) target_semaphore(%run_scoped3A : memref<!tpu.dma_semaphore, #tpu.memory_space<semaphore_mem>>)
        %dma_wait3A = arith.constant 9984 : i32
        %dma_wait3A_54 = tpu.memref_slice %arg8[%dma_wait3A] : memref<10000xf32, #tpu.memory_space<vmem_shared>> -> memref<16xf32, #tpu.memory_space<vmem_shared>>
        %dma_wait3A_55 = arith.constant 9984 : i32
        %dma_wait3A_56 = tpu.memref_slice %arg8[%dma_wait3A_55] : memref<10000xf32, #tpu.memory_space<vmem_shared>> -> memref<16xf32, #tpu.memory_space<vmem_shared>>
        tpu.wait_dma2 semaphore(%run_scoped3A : memref<!tpu.dma_semaphore, #tpu.memory_space<semaphore_mem>>) src(%dma_wait3A_56 : memref<16xf32, #tpu.memory_space<vmem_shared>>) dst(%arg7 : memref<16xf32, #tpu.memory_space<vmem>>)
        tpu.yield
      }) : () -> ()
      %add3A_49 = arith.constant 9984 : i32
      %add3A_50 = arith.addi %mul3A_38, %add3A_49 : i32
      "tpu.region"() ({
        %run_scoped3A = tpu.sem_alloc : memref<!tpu.dma_semaphore, #tpu.memory_space<semaphore_mem>>
        %dma_start3A = tpu.memref_slice %arg3[%add3A_50] : memref<20000xf32, #tpu.memory_space<hbm>> -> memref<16xf32, #tpu.memory_space<hbm>>
        %dma_start3A_51 = tpu.memref_slice %arg3[%add3A_50] : memref<20000xf32, #tpu.memory_space<hbm>> -> memref<16xf32, #tpu.memory_space<hbm>>
        tpu.enqueue_dma source(%arg7 : memref<16xf32, #tpu.memory_space<vmem>>) target(%dma_start3A_51 : memref<16xf32, #tpu.memory_space<hbm>>) target_semaphore(%run_scoped3A : memref<!tpu.dma_semaphore, #tpu.memory_space<semaphore_mem>>)
        %dma_wait3A = tpu.memref_slice %arg3[%add3A_50] : memref<20000xf32, #tpu.memory_space<hbm>> -> memref<16xf32, #tpu.memory_space<hbm>>
        %dma_wait3A_52 = tpu.memref_slice %arg3[%add3A_50] : memref<20000xf32, #tpu.memory_space<hbm>> -> memref<16xf32, #tpu.memory_space<hbm>>
        tpu.wait_dma2 semaphore(%run_scoped3A : memref<!tpu.dma_semaphore, #tpu.memory_space<semaphore_mem>>) src(%arg7 : memref<16xf32, #tpu.memory_space<vmem>>) dst(%dma_wait3A_52 : memref<16xf32, #tpu.memory_space<hbm>>)
        tpu.yield
      }) : () -> ()
    } else {
    }
    return
  }
}

#map = affine_map<(d0, d1) -> (0, 0)>
#map1 = affine_map<(d0, d1) -> (0)>
module attributes {stable_mosaic.version = 14 : i64} {
  func.func @_scatter_body(%arg0: i32, %arg1: i32, %arg2: memref<10000x128xf32, #tpu.memory_space<hbm>>, %arg3: memref<640000xi32, #tpu.memory_space<hbm>>, %arg4: memref<20000x128xf32, #tpu.memory_space<hbm>>, %arg5: memref<10000xi32, #tpu.memory_space<vmem>>, %arg6: memref<10000xi32, #tpu.memory_space<vmem>>, %arg7: memref<40x128xf32, #tpu.memory_space<vmem>>, %arg8: memref<40x128xf32, #tpu.memory_space<vmem>>, %arg9: memref<40x128xf32, #tpu.memory_space<vmem>>, %arg10: memref<40x128xf32, #tpu.memory_space<vmem>>, %arg11: memref<40x128xf32, #tpu.memory_space<vmem>>, %arg12: memref<!tpu.dma_semaphore, #tpu.memory_space<semaphore_mem>>, %arg13: memref<!tpu.dma_semaphore, #tpu.memory_space<semaphore_mem>>, %arg14: memref<!tpu.dma_semaphore, #tpu.memory_space<semaphore_mem>>, %arg15: memref<!tpu.dma_semaphore, #tpu.memory_space<semaphore_mem>>, %arg16: memref<!tpu.dma_semaphore, #tpu.memory_space<semaphore_mem>>, %arg17: memref<!tpu.dma_semaphore, #tpu.memory_space<semaphore_mem>>, %arg18: memref<!tpu.dma_semaphore, #tpu.memory_space<semaphore_mem>>, %arg19: memref<!tpu.dma_semaphore, #tpu.memory_space<semaphore_mem>>, %arg20: memref<!tpu.dma_semaphore, #tpu.memory_space<semaphore_mem>>, %arg21: memref<!tpu.dma_semaphore, #tpu.memory_space<semaphore_mem>>, %arg22: memref<!tpu.dma_semaphore, #tpu.memory_space<semaphore_mem>>, %arg23: memref<10000x128xf32, #tpu.memory_space<vmem_shared>>) attributes {dimension_semantics = [#tpu.dimension_semantics<core_parallel>, #tpu.dimension_semantics<subcore_parallel>], iteration_bounds = array<i64: 2, 16>, scalar_prefetch = 0 : i64, scratch_operands = 19 : i64, tpu.core_type = #tpu.core_type<sc_vector_subcore>, window_params = [{transform_indices = #map}, {transform_indices = #map1}, {transform_indices = #map}]} {
    %mul3A = arith.constant 2 : i32
    %mul3A_0 = arith.muli %arg1, %mul3A : i32
    %add3A = arith.addi %mul3A_0, %arg0 : i32
    %mul3A_1 = arith.constant 10000 : i32
    %mul3A_2 = arith.muli %add3A, %mul3A_1 : i32
    %add3A_3 = arith.constant 320000 : i32
    %add3A_4 = arith.addi %add3A_3, %mul3A_2 : i32
    %dma_start3A = tpu.memref_slice %arg3[%add3A_4] : memref<640000xi32, #tpu.memory_space<hbm>> -> memref<10000xi32, #tpu.memory_space<hbm>>
    %dma_start3A_5 = tpu.memref_slice %arg3[%add3A_4] : memref<640000xi32, #tpu.memory_space<hbm>> -> memref<10000xi32, #tpu.memory_space<hbm>>
    tpu.enqueue_dma source(%dma_start3A_5 : memref<10000xi32, #tpu.memory_space<hbm>>) target(%arg5 : memref<10000xi32, #tpu.memory_space<vmem>>) target_semaphore(%arg22 : memref<!tpu.dma_semaphore, #tpu.memory_space<semaphore_mem>>)
    %dma_start3A_6 = tpu.memref_slice %arg3[%mul3A_2] : memref<640000xi32, #tpu.memory_space<hbm>> -> memref<10000xi32, #tpu.memory_space<hbm>>
    %dma_start3A_7 = tpu.memref_slice %arg3[%mul3A_2] : memref<640000xi32, #tpu.memory_space<hbm>> -> memref<10000xi32, #tpu.memory_space<hbm>>
    tpu.enqueue_dma source(%dma_start3A_7 : memref<10000xi32, #tpu.memory_space<hbm>>) target(%arg6 : memref<10000xi32, #tpu.memory_space<vmem>>) target_semaphore(%arg22 : memref<!tpu.dma_semaphore, #tpu.memory_space<semaphore_mem>>)
    %broadcast_in_dim3A = arith.constant 0.000000e+00 : f32
    %broadcast_in_dim3A_8 = vector.broadcast %broadcast_in_dim3A : f32 to vector<16xf32>
    %scan3A = arith.constant 0 : i32
    %scan3A_9 = arith.constant 0 : i32
    %scan3A_10 = arith.constant 40 : i32
    %scan3A_11 = arith.addi %scan3A_9, %scan3A_10 : i32
    %scan3A_12 = arith.constant 1 : i32
    scf.for %scan3A_504 = %scan3A_9 to %scan3A_11 step %scan3A_12  : i32 {
      %swap3A = arith.index_cast %scan3A_504 : i32 to index
      %swap3A_505 = arith.constant 0 : index
      %swap3A_506 = tpu.vector_load %arg11[%swap3A, %swap3A_505] {strides = array<i32>} : memref<40x128xf32, #tpu.memory_space<vmem>>, vector<1x16xf32>,
      %swap3A_507 = vector.shape_cast %swap3A_506 : vector<1x16xf32> to vector<16xf32>
      %swap3A_508 = vector.shape_cast %broadcast_in_dim3A_8 : vector<16xf32> to vector<1x16xf32>
      tpu.vector_store %arg11[%swap3A, %swap3A_505], %swap3A_508 {strides = array<i32>} : memref<40x128xf32, #tpu.memory_space<vmem>>, vector<1x16xf32>,
      %swap3A_509 = arith.index_cast %scan3A_504 : i32 to index
      %swap3A_510 = arith.constant 16 : index
      %swap3A_511 = tpu.vector_load %arg11[%swap3A_509, %swap3A_510] {strides = array<i32>} : memref<40x128xf32, #tpu.memory_space<vmem>>, vector<1x16xf32>,
      %swap3A_512 = vector.shape_cast %swap3A_511 : vector<1x16xf32> to vector<16xf32>
      %swap3A_513 = vector.shape_cast %broadcast_in_dim3A_8 : vector<16xf32> to vector<1x16xf32>
      tpu.vector_store %arg11[%swap3A_509, %swap3A_510], %swap3A_513 {strides = array<i32>} : memref<40x128xf32, #tpu.memory_space<vmem>>, vector<1x16xf32>,
      %swap3A_514 = arith.index_cast %scan3A_504 : i32 to index
      %swap3A_515 = arith.constant 32 : index
      %swap3A_516 = tpu.vector_load %arg11[%swap3A_514, %swap3A_515] {strides = array<i32>} : memref<40x128xf32, #tpu.memory_space<vmem>>, vector<1x16xf32>,
      %swap3A_517 = vector.shape_cast %swap3A_516 : vector<1x16xf32> to vector<16xf32>
      %swap3A_518 = vector.shape_cast %broadcast_in_dim3A_8 : vector<16xf32> to vector<1x16xf32>
      tpu.vector_store %arg11[%swap3A_514, %swap3A_515], %swap3A_518 {strides = array<i32>} : memref<40x128xf32, #tpu.memory_space<vmem>>, vector<1x16xf32>,
      %swap3A_519 = arith.index_cast %scan3A_504 : i32 to index
      %swap3A_520 = arith.constant 48 : index
      %swap3A_521 = tpu.vector_load %arg11[%swap3A_519, %swap3A_520] {strides = array<i32>} : memref<40x128xf32, #tpu.memory_space<vmem>>, vector<1x16xf32>,
      %swap3A_522 = vector.shape_cast %swap3A_521 : vector<1x16xf32> to vector<16xf32>
      %swap3A_523 = vector.shape_cast %broadcast_in_dim3A_8 : vector<16xf32> to vector<1x16xf32>
      tpu.vector_store %arg11[%swap3A_519, %swap3A_520], %swap3A_523 {strides = array<i32>} : memref<40x128xf32, #tpu.memory_space<vmem>>, vector<1x16xf32>,
      %swap3A_524 = arith.index_cast %scan3A_504 : i32 to index
      %swap3A_525 = arith.constant 64 : index
      %swap3A_526 = tpu.vector_load %arg11[%swap3A_524, %swap3A_525] {strides = array<i32>} : memref<40x128xf32, #tpu.memory_space<vmem>>, vector<1x16xf32>,
      %swap3A_527 = vector.shape_cast %swap3A_526 : vector<1x16xf32> to vector<16xf32>
      %swap3A_528 = vector.shape_cast %broadcast_in_dim3A_8 : vector<16xf32> to vector<1x16xf32>
      tpu.vector_store %arg11[%swap3A_524, %swap3A_525], %swap3A_528 {strides = array<i32>} : memref<40x128xf32, #tpu.memory_space<vmem>>, vector<1x16xf32>,
      %swap3A_529 = arith.index_cast %scan3A_504 : i32 to index
      %swap3A_530 = arith.constant 80 : index
      %swap3A_531 = tpu.vector_load %arg11[%swap3A_529, %swap3A_530] {strides = array<i32>} : memref<40x128xf32, #tpu.memory_space<vmem>>, vector<1x16xf32>,
      %swap3A_532 = vector.shape_cast %swap3A_531 : vector<1x16xf32> to vector<16xf32>
      %swap3A_533 = vector.shape_cast %broadcast_in_dim3A_8 : vector<16xf32> to vector<1x16xf32>
      tpu.vector_store %arg11[%swap3A_529, %swap3A_530], %swap3A_533 {strides = array<i32>} : memref<40x128xf32, #tpu.memory_space<vmem>>, vector<1x16xf32>,
      %swap3A_534 = arith.index_cast %scan3A_504 : i32 to index
      %swap3A_535 = arith.constant 96 : index
      %swap3A_536 = tpu.vector_load %arg11[%swap3A_534, %swap3A_535] {strides = array<i32>} : memref<40x128xf32, #tpu.memory_space<vmem>>, vector<1x16xf32>,
      %swap3A_537 = vector.shape_cast %swap3A_536 : vector<1x16xf32> to vector<16xf32>
      %swap3A_538 = vector.shape_cast %broadcast_in_dim3A_8 : vector<16xf32> to vector<1x16xf32>
      tpu.vector_store %arg11[%swap3A_534, %swap3A_535], %swap3A_538 {strides = array<i32>} : memref<40x128xf32, #tpu.memory_space<vmem>>, vector<1x16xf32>,
      %swap3A_539 = arith.index_cast %scan3A_504 : i32 to index
      %swap3A_540 = arith.constant 112 : index
      %swap3A_541 = tpu.vector_load %arg11[%swap3A_539, %swap3A_540] {strides = array<i32>} : memref<40x128xf32, #tpu.memory_space<vmem>>, vector<1x16xf32>,
      %swap3A_542 = vector.shape_cast %swap3A_541 : vector<1x16xf32> to vector<16xf32>
      %swap3A_543 = vector.shape_cast %broadcast_in_dim3A_8 : vector<16xf32> to vector<1x16xf32>
      tpu.vector_store %arg11[%swap3A_539, %swap3A_540], %swap3A_543 {strides = array<i32>} : memref<40x128xf32, #tpu.memory_space<vmem>>, vector<1x16xf32>,
    }
    %scan3A_13 = arith.constant 40 : i32
    %add3A_14 = arith.constant 320000 : i32
    %add3A_15 = arith.addi %add3A_14, %mul3A_2 : i32
    %dma_wait3A = tpu.memref_slice %arg3[%add3A_15] : memref<640000xi32, #tpu.memory_space<hbm>> -> memref<10000xi32, #tpu.memory_space<hbm>>
    %dma_wait3A_16 = tpu.memref_slice %arg3[%add3A_15] : memref<640000xi32, #tpu.memory_space<hbm>> -> memref<10000xi32, #tpu.memory_space<hbm>>
    tpu.wait_dma2 semaphore(%arg22 : memref<!tpu.dma_semaphore, #tpu.memory_space<semaphore_mem>>) src(%dma_wait3A_16 : memref<10000xi32, #tpu.memory_space<hbm>>) dst(%arg5 : memref<10000xi32, #tpu.memory_space<vmem>>)
    %dma_wait3A_17 = tpu.memref_slice %arg3[%mul3A_2] : memref<640000xi32, #tpu.memory_space<hbm>> -> memref<10000xi32, #tpu.memory_space<hbm>>
    %dma_wait3A_18 = tpu.memref_slice %arg3[%mul3A_2] : memref<640000xi32, #tpu.memory_space<hbm>> -> memref<10000xi32, #tpu.memory_space<hbm>>
    tpu.wait_dma2 semaphore(%arg22 : memref<!tpu.dma_semaphore, #tpu.memory_space<semaphore_mem>>) src(%dma_wait3A_18 : memref<10000xi32, #tpu.memory_space<hbm>>) dst(%arg6 : memref<10000xi32, #tpu.memory_space<vmem>>)
    %dma_start3A_19 = arith.constant 0 : i32
    %dma_start3A_20 = tpu.memref_slice %arg5[%dma_start3A_19] : memref<10000xi32, #tpu.memory_space<vmem>> -> memref<40xi32, #tpu.memory_space<vmem>>
    %dma_start3A_21 = arith.constant 0 : i32
    %dma_start3A_22 = arith.constant 0 : i32
    %dma_start3A_23 = tpu.memref_slice %arg2[%dma_start3A_21, %dma_start3A_22] : memref<10000x128xf32, #tpu.memory_space<hbm>> -> memref<10000x128xf32, #tpu.memory_space<hbm>>
    tpu.enqueue_indirect_dma source(%dma_start3A_23 : memref<10000x128xf32, #tpu.memory_space<hbm>>) target(%arg7 : memref<40x128xf32, #tpu.memory_space<vmem>>) offsets(%dma_start3A_20 : memref<40xi32, #tpu.memory_space<vmem>>) semaphore(%arg12 : memref<!tpu.dma_semaphore, #tpu.memory_space<semaphore_mem>>)
    %dma_start3A_24 = arith.constant 40 : i32
    %dma_start3A_25 = tpu.memref_slice %arg5[%dma_start3A_24] : memref<10000xi32, #tpu.memory_space<vmem>> -> memref<40xi32, #tpu.memory_space<vmem>>
    %dma_start3A_26 = arith.constant 0 : i32
    %dma_start3A_27 = arith.constant 0 : i32
    %dma_start3A_28 = tpu.memref_slice %arg2[%dma_start3A_26, %dma_start3A_27] : memref<10000x128xf32, #tpu.memory_space<hbm>> -> memref<10000x128xf32, #tpu.memory_space<hbm>>
    tpu.enqueue_indirect_dma source(%dma_start3A_28 : memref<10000x128xf32, #tpu.memory_space<hbm>>) target(%arg8 : memref<40x128xf32, #tpu.memory_space<vmem>>) offsets(%dma_start3A_25 : memref<40xi32, #tpu.memory_space<vmem>>) semaphore(%arg13 : memref<!tpu.dma_semaphore, #tpu.memory_space<semaphore_mem>>)
    %dma_start3A_29 = arith.constant 80 : i32
    %dma_start3A_30 = tpu.memref_slice %arg5[%dma_start3A_29] : memref<10000xi32, #tpu.memory_space<vmem>> -> memref<40xi32, #tpu.memory_space<vmem>>
    %dma_start3A_31 = arith.constant 0 : i32
    %dma_start3A_32 = arith.constant 0 : i32
    %dma_start3A_33 = tpu.memref_slice %arg2[%dma_start3A_31, %dma_start3A_32] : memref<10000x128xf32, #tpu.memory_space<hbm>> -> memref<10000x128xf32, #tpu.memory_space<hbm>>
    tpu.enqueue_indirect_dma source(%dma_start3A_33 : memref<10000x128xf32, #tpu.memory_space<hbm>>) target(%arg9 : memref<40x128xf32, #tpu.memory_space<vmem>>) offsets(%dma_start3A_30 : memref<40xi32, #tpu.memory_space<vmem>>) semaphore(%arg14 : memref<!tpu.dma_semaphore, #tpu.memory_space<semaphore_mem>>)
    %dma_start3A_34 = arith.constant 120 : i32
    %dma_start3A_35 = tpu.memref_slice %arg5[%dma_start3A_34] : memref<10000xi32, #tpu.memory_space<vmem>> -> memref<40xi32, #tpu.memory_space<vmem>>
    %dma_start3A_36 = arith.constant 0 : i32
    %dma_start3A_37 = arith.constant 0 : i32
    %dma_start3A_38 = tpu.memref_slice %arg2[%dma_start3A_36, %dma_start3A_37] : memref<10000x128xf32, #tpu.memory_space<hbm>> -> memref<10000x128xf32, #tpu.memory_space<hbm>>
    tpu.enqueue_indirect_dma source(%dma_start3A_38 : memref<10000x128xf32, #tpu.memory_space<hbm>>) target(%arg10 : memref<40x128xf32, #tpu.memory_space<vmem>>) offsets(%dma_start3A_35 : memref<40xi32, #tpu.memory_space<vmem>>) semaphore(%arg15 : memref<!tpu.dma_semaphore, #tpu.memory_space<semaphore_mem>>)
    %mul3A_39 = arith.constant 624 : i32
    %mul3A_40 = arith.muli %arg1, %mul3A_39 : i32
    %add3A_41 = arith.constant 0 : i32
    %add3A_42 = arith.addi %mul3A_40, %add3A_41 : i32
    "tpu.region"() ({
      %run_scoped3A = tpu.sem_alloc : memref<!tpu.dma_semaphore, #tpu.memory_space<semaphore_mem>>
      %dma_start3A_504 = arith.constant 0 : i32
      %dma_start3A_505 = tpu.memref_slice %arg23[%add3A_42, %dma_start3A_504] : memref<10000x128xf32, #tpu.memory_space<vmem_shared>> -> memref<40x128xf32, #tpu.memory_space<vmem_shared>>
      %dma_start3A_506 = arith.constant 0 : i32
      %dma_start3A_507 = tpu.memref_slice %arg23[%add3A_42, %dma_start3A_506] : memref<10000x128xf32, #tpu.memory_space<vmem_shared>> -> memref<40x128xf32, #tpu.memory_space<vmem_shared>>
      tpu.enqueue_dma source(%arg11 : memref<40x128xf32, #tpu.memory_space<vmem>>) target(%dma_start3A_507 : memref<40x128xf32, #tpu.memory_space<vmem_shared>>) target_semaphore(%run_scoped3A : memref<!tpu.dma_semaphore, #tpu.memory_space<semaphore_mem>>)
      %dma_wait3A_508 = arith.constant 0 : i32
      %dma_wait3A_509 = tpu.memref_slice %arg23[%add3A_42, %dma_wait3A_508] : memref<10000x128xf32, #tpu.memory_space<vmem_shared>> -> memref<40x128xf32, #tpu.memory_space<vmem_shared>>
      %dma_wait3A_510 = arith.constant 0 : i32
      %dma_wait3A_511 = tpu.memref_slice %arg23[%add3A_42, %dma_wait3A_510] : memref<10000x128xf32, #tpu.memory_space<vmem_shared>> -> memref<40x128xf32, #tpu.memory_space<vmem_shared>>
      tpu.wait_dma2 semaphore(%run_scoped3A : memref<!tpu.dma_semaphore, #tpu.memory_space<semaphore_mem>>) src(%arg11 : memref<40x128xf32, #tpu.memory_space<vmem>>) dst(%dma_wait3A_511 : memref<40x128xf32, #tpu.memory_space<vmem_shared>>)
      tpu.yield
    }) : () -> ()
    %add3A_43 = arith.constant 40 : i32
    %add3A_44 = arith.addi %mul3A_40, %add3A_43 : i32
    "tpu.region"() ({
      %run_scoped3A = tpu.sem_alloc : memref<!tpu.dma_semaphore, #tpu.memory_space<semaphore_mem>>
      %dma_start3A_504 = arith.constant 0 : i32
      %dma_start3A_505 = tpu.memref_slice %arg23[%add3A_44, %dma_start3A_504] : memref<10000x128xf32, #tpu.memory_space<vmem_shared>> -> memref<40x128xf32, #tpu.memory_space<vmem_shared>>
      %dma_start3A_506 = arith.constant 0 : i32
      %dma_start3A_507 = tpu.memref_slice %arg23[%add3A_44, %dma_start3A_506] : memref<10000x128xf32, #tpu.memory_space<vmem_shared>> -> memref<40x128xf32, #tpu.memory_space<vmem_shared>>
      tpu.enqueue_dma source(%arg11 : memref<40x128xf32, #tpu.memory_space<vmem>>) target(%dma_start3A_507 : memref<40x128xf32, #tpu.memory_space<vmem_shared>>) target_semaphore(%run_scoped3A : memref<!tpu.dma_semaphore, #tpu.memory_space<semaphore_mem>>)
      %dma_wait3A_508 = arith.constant 0 : i32
      %dma_wait3A_509 = tpu.memref_slice %arg23[%add3A_44, %dma_wait3A_508] : memref<10000x128xf32, #tpu.memory_space<vmem_shared>> -> memref<40x128xf32, #tpu.memory_space<vmem_shared>>
      %dma_wait3A_510 = arith.constant 0 : i32
      %dma_wait3A_511 = tpu.memref_slice %arg23[%add3A_44, %dma_wait3A_510] : memref<10000x128xf32, #tpu.memory_space<vmem_shared>> -> memref<40x128xf32, #tpu.memory_space<vmem_shared>>
      tpu.wait_dma2 semaphore(%run_scoped3A : memref<!tpu.dma_semaphore, #tpu.memory_space<semaphore_mem>>) src(%arg11 : memref<40x128xf32, #tpu.memory_space<vmem>>) dst(%dma_wait3A_511 : memref<40x128xf32, #tpu.memory_space<vmem_shared>>)
      tpu.yield
    }) : () -> ()
    %add3A_45 = arith.constant 80 : i32
    %add3A_46 = arith.addi %mul3A_40, %add3A_45 : i32
    "tpu.region"() ({
      %run_scoped3A = tpu.sem_alloc : memref<!tpu.dma_semaphore, #tpu.memory_space<semaphore_mem>>
      %dma_start3A_504 = arith.constant 0 : i32
      %dma_start3A_505 = tpu.memref_slice %arg23[%add3A_46, %dma_start3A_504] : memref<10000x128xf32, #tpu.memory_space<vmem_shared>> -> memref<40x128xf32, #tpu.memory_space<vmem_shared>>
      %dma_start3A_506 = arith.constant 0 : i32
      %dma_start3A_507 = tpu.memref_slice %arg23[%add3A_46, %dma_start3A_506] : memref<10000x128xf32, #tpu.memory_space<vmem_shared>> -> memref<40x128xf32, #tpu.memory_space<vmem_shared>>
      tpu.enqueue_dma source(%arg11 : memref<40x128xf32, #tpu.memory_space<vmem>>) target(%dma_start3A_507 : memref<40x128xf32, #tpu.memory_space<vmem_shared>>) target_semaphore(%run_scoped3A : memref<!tpu.dma_semaphore, #tpu.memory_space<semaphore_mem>>)
      %dma_wait3A_508 = arith.constant 0 : i32
      %dma_wait3A_509 = tpu.memref_slice %arg23[%add3A_46, %dma_wait3A_508] : memref<10000x128xf32, #tpu.memory_space<vmem_shared>> -> memref<40x128xf32, #tpu.memory_space<vmem_shared>>
      %dma_wait3A_510 = arith.constant 0 : i32
      %dma_wait3A_511 = tpu.memref_slice %arg23[%add3A_46, %dma_wait3A_510] : memref<10000x128xf32, #tpu.memory_space<vmem_shared>> -> memref<40x128xf32, #tpu.memory_space<vmem_shared>>
      tpu.wait_dma2 semaphore(%run_scoped3A : memref<!tpu.dma_semaphore, #tpu.memory_space<semaphore_mem>>) src(%arg11 : memref<40x128xf32, #tpu.memory_space<vmem>>) dst(%dma_wait3A_511 : memref<40x128xf32, #tpu.memory_space<vmem_shared>>)
      tpu.yield
    }) : () -> ()
    %add3A_47 = arith.constant 120 : i32
    %add3A_48 = arith.addi %mul3A_40, %add3A_47 : i32
    "tpu.region"() ({
      %run_scoped3A = tpu.sem_alloc : memref<!tpu.dma_semaphore, #tpu.memory_space<semaphore_mem>>
      %dma_start3A_504 = arith.constant 0 : i32
      %dma_start3A_505 = tpu.memref_slice %arg23[%add3A_48, %dma_start3A_504] : memref<10000x128xf32, #tpu.memory_space<vmem_shared>> -> memref<40x128xf32, #tpu.memory_space<vmem_shared>>
      %dma_start3A_506 = arith.constant 0 : i32
      %dma_start3A_507 = tpu.memref_slice %arg23[%add3A_48, %dma_start3A_506] : memref<10000x128xf32, #tpu.memory_space<vmem_shared>> -> memref<40x128xf32, #tpu.memory_space<vmem_shared>>
      tpu.enqueue_dma source(%arg11 : memref<40x128xf32, #tpu.memory_space<vmem>>) target(%dma_start3A_507 : memref<40x128xf32, #tpu.memory_space<vmem_shared>>) target_semaphore(%run_scoped3A : memref<!tpu.dma_semaphore, #tpu.memory_space<semaphore_mem>>)
      %dma_wait3A_508 = arith.constant 0 : i32
      %dma_wait3A_509 = tpu.memref_slice %arg23[%add3A_48, %dma_wait3A_508] : memref<10000x128xf32, #tpu.memory_space<vmem_shared>> -> memref<40x128xf32, #tpu.memory_space<vmem_shared>>
      %dma_wait3A_510 = arith.constant 0 : i32
      %dma_wait3A_511 = tpu.memref_slice %arg23[%add3A_48, %dma_wait3A_510] : memref<10000x128xf32, #tpu.memory_space<vmem_shared>> -> memref<40x128xf32, #tpu.memory_space<vmem_shared>>
      tpu.wait_dma2 semaphore(%run_scoped3A : memref<!tpu.dma_semaphore, #tpu.memory_space<semaphore_mem>>) src(%arg11 : memref<40x128xf32, #tpu.memory_space<vmem>>) dst(%dma_wait3A_511 : memref<40x128xf32, #tpu.memory_space<vmem_shared>>)
      tpu.yield
    }) : () -> ()
    %add3A_49 = arith.constant 160 : i32
    %add3A_50 = arith.addi %mul3A_40, %add3A_49 : i32
    "tpu.region"() ({
      %run_scoped3A = tpu.sem_alloc : memref<!tpu.dma_semaphore, #tpu.memory_space<semaphore_mem>>
      %dma_start3A_504 = arith.constant 0 : i32
      %dma_start3A_505 = tpu.memref_slice %arg23[%add3A_50, %dma_start3A_504] : memref<10000x128xf32, #tpu.memory_space<vmem_shared>> -> memref<40x128xf32, #tpu.memory_space<vmem_shared>>
      %dma_start3A_506 = arith.constant 0 : i32
      %dma_start3A_507 = tpu.memref_slice %arg23[%add3A_50, %dma_start3A_506] : memref<10000x128xf32, #tpu.memory_space<vmem_shared>> -> memref<40x128xf32, #tpu.memory_space<vmem_shared>>
      tpu.enqueue_dma source(%arg11 : memref<40x128xf32, #tpu.memory_space<vmem>>) target(%dma_start3A_507 : memref<40x128xf32, #tpu.memory_space<vmem_shared>>) target_semaphore(%run_scoped3A : memref<!tpu.dma_semaphore, #tpu.memory_space<semaphore_mem>>)
      %dma_wait3A_508 = arith.constant 0 : i32
      %dma_wait3A_509 = tpu.memref_slice %arg23[%add3A_50, %dma_wait3A_508] : memref<10000x128xf32, #tpu.memory_space<vmem_shared>> -> memref<40x128xf32, #tpu.memory_space<vmem_shared>>
      %dma_wait3A_510 = arith.constant 0 : i32
      %dma_wait3A_511 = tpu.memref_slice %arg23[%add3A_50, %dma_wait3A_510] : memref<10000x128xf32, #tpu.memory_space<vmem_shared>> -> memref<40x128xf32, #tpu.memory_space<vmem_shared>>
      tpu.wait_dma2 semaphore(%run_scoped3A : memref<!tpu.dma_semaphore, #tpu.memory_space<semaphore_mem>>) src(%arg11 : memref<40x128xf32, #tpu.memory_space<vmem>>) dst(%dma_wait3A_511 : memref<40x128xf32, #tpu.memory_space<vmem_shared>>)
      tpu.yield
    }) : () -> ()
    %add3A_51 = arith.constant 200 : i32
    %add3A_52 = arith.addi %mul3A_40, %add3A_51 : i32
    "tpu.region"() ({
      %run_scoped3A = tpu.sem_alloc : memref<!tpu.dma_semaphore, #tpu.memory_space<semaphore_mem>>
      %dma_start3A_504 = arith.constant 0 : i32
      %dma_start3A_505 = tpu.memref_slice %arg23[%add3A_52, %dma_start3A_504] : memref<10000x128xf32, #tpu.memory_space<vmem_shared>> -> memref<40x128xf32, #tpu.memory_space<vmem_shared>>
      %dma_start3A_506 = arith.constant 0 : i32
      %dma_start3A_507 = tpu.memref_slice %arg23[%add3A_52, %dma_start3A_506] : memref<10000x128xf32, #tpu.memory_space<vmem_shared>> -> memref<40x128xf32, #tpu.memory_space<vmem_shared>>
      tpu.enqueue_dma source(%arg11 : memref<40x128xf32, #tpu.memory_space<vmem>>) target(%dma_start3A_507 : memref<40x128xf32, #tpu.memory_space<vmem_shared>>) target_semaphore(%run_scoped3A : memref<!tpu.dma_semaphore, #tpu.memory_space<semaphore_mem>>)
      %dma_wait3A_508 = arith.constant 0 : i32
      %dma_wait3A_509 = tpu.memref_slice %arg23[%add3A_52, %dma_wait3A_508] : memref<10000x128xf32, #tpu.memory_space<vmem_shared>> -> memref<40x128xf32, #tpu.memory_space<vmem_shared>>
      %dma_wait3A_510 = arith.constant 0 : i32
      %dma_wait3A_511 = tpu.memref_slice %arg23[%add3A_52, %dma_wait3A_510] : memref<10000x128xf32, #tpu.memory_space<vmem_shared>> -> memref<40x128xf32, #tpu.memory_space<vmem_shared>>
      tpu.wait_dma2 semaphore(%run_scoped3A : memref<!tpu.dma_semaphore, #tpu.memory_space<semaphore_mem>>) src(%arg11 : memref<40x128xf32, #tpu.memory_space<vmem>>) dst(%dma_wait3A_511 : memref<40x128xf32, #tpu.memory_space<vmem_shared>>)
      tpu.yield
    }) : () -> ()
    %add3A_53 = arith.constant 240 : i32
    %add3A_54 = arith.addi %mul3A_40, %add3A_53 : i32
    "tpu.region"() ({
      %run_scoped3A = tpu.sem_alloc : memref<!tpu.dma_semaphore, #tpu.memory_space<semaphore_mem>>
      %dma_start3A_504 = arith.constant 0 : i32
      %dma_start3A_505 = tpu.memref_slice %arg23[%add3A_54, %dma_start3A_504] : memref<10000x128xf32, #tpu.memory_space<vmem_shared>> -> memref<40x128xf32, #tpu.memory_space<vmem_shared>>
      %dma_start3A_506 = arith.constant 0 : i32
      %dma_start3A_507 = tpu.memref_slice %arg23[%add3A_54, %dma_start3A_506] : memref<10000x128xf32, #tpu.memory_space<vmem_shared>> -> memref<40x128xf32, #tpu.memory_space<vmem_shared>>
      tpu.enqueue_dma source(%arg11 : memref<40x128xf32, #tpu.memory_space<vmem>>) target(%dma_start3A_507 : memref<40x128xf32, #tpu.memory_space<vmem_shared>>) target_semaphore(%run_scoped3A : memref<!tpu.dma_semaphore, #tpu.memory_space<semaphore_mem>>)
      %dma_wait3A_508 = arith.constant 0 : i32
      %dma_wait3A_509 = tpu.memref_slice %arg23[%add3A_54, %dma_wait3A_508] : memref<10000x128xf32, #tpu.memory_space<vmem_shared>> -> memref<40x128xf32, #tpu.memory_space<vmem_shared>>
      %dma_wait3A_510 = arith.constant 0 : i32
      %dma_wait3A_511 = tpu.memref_slice %arg23[%add3A_54, %dma_wait3A_510] : memref<10000x128xf32, #tpu.memory_space<vmem_shared>> -> memref<40x128xf32, #tpu.memory_space<vmem_shared>>
      tpu.wait_dma2 semaphore(%run_scoped3A : memref<!tpu.dma_semaphore, #tpu.memory_space<semaphore_mem>>) src(%arg11 : memref<40x128xf32, #tpu.memory_space<vmem>>) dst(%dma_wait3A_511 : memref<40x128xf32, #tpu.memory_space<vmem_shared>>)
      tpu.yield
    }) : () -> ()
    %add3A_55 = arith.constant 280 : i32
    %add3A_56 = arith.addi %mul3A_40, %add3A_55 : i32
    "tpu.region"() ({
      %run_scoped3A = tpu.sem_alloc : memref<!tpu.dma_semaphore, #tpu.memory_space<semaphore_mem>>
      %dma_start3A_504 = arith.constant 0 : i32
      %dma_start3A_505 = tpu.memref_slice %arg23[%add3A_56, %dma_start3A_504] : memref<10000x128xf32, #tpu.memory_space<vmem_shared>> -> memref<40x128xf32, #tpu.memory_space<vmem_shared>>
      %dma_start3A_506 = arith.constant 0 : i32
      %dma_start3A_507 = tpu.memref_slice %arg23[%add3A_56, %dma_start3A_506] : memref<10000x128xf32, #tpu.memory_space<vmem_shared>> -> memref<40x128xf32, #tpu.memory_space<vmem_shared>>
      tpu.enqueue_dma source(%arg11 : memref<40x128xf32, #tpu.memory_space<vmem>>) target(%dma_start3A_507 : memref<40x128xf32, #tpu.memory_space<vmem_shared>>) target_semaphore(%run_scoped3A : memref<!tpu.dma_semaphore, #tpu.memory_space<semaphore_mem>>)
      %dma_wait3A_508 = arith.constant 0 : i32
      %dma_wait3A_509 = tpu.memref_slice %arg23[%add3A_56, %dma_wait3A_508] : memref<10000x128xf32, #tpu.memory_space<vmem_shared>> -> memref<40x128xf32, #tpu.memory_space<vmem_shared>>
      %dma_wait3A_510 = arith.constant 0 : i32
      %dma_wait3A_511 = tpu.memref_slice %arg23[%add3A_56, %dma_wait3A_510] : memref<10000x128xf32, #tpu.memory_space<vmem_shared>> -> memref<40x128xf32, #tpu.memory_space<vmem_shared>>
      tpu.wait_dma2 semaphore(%run_scoped3A : memref<!tpu.dma_semaphore, #tpu.memory_space<semaphore_mem>>) src(%arg11 : memref<40x128xf32, #tpu.memory_space<vmem>>) dst(%dma_wait3A_511 : memref<40x128xf32, #tpu.memory_space<vmem_shared>>)
      tpu.yield
    }) : () -> ()
    %add3A_57 = arith.constant 320 : i32
    %add3A_58 = arith.addi %mul3A_40, %add3A_57 : i32
    "tpu.region"() ({
      %run_scoped3A = tpu.sem_alloc : memref<!tpu.dma_semaphore, #tpu.memory_space<semaphore_mem>>
      %dma_start3A_504 = arith.constant 0 : i32
      %dma_start3A_505 = tpu.memref_slice %arg23[%add3A_58, %dma_start3A_504] : memref<10000x128xf32, #tpu.memory_space<vmem_shared>> -> memref<40x128xf32, #tpu.memory_space<vmem_shared>>
      %dma_start3A_506 = arith.constant 0 : i32
      %dma_start3A_507 = tpu.memref_slice %arg23[%add3A_58, %dma_start3A_506] : memref<10000x128xf32, #tpu.memory_space<vmem_shared>> -> memref<40x128xf32, #tpu.memory_space<vmem_shared>>
      tpu.enqueue_dma source(%arg11 : memref<40x128xf32, #tpu.memory_space<vmem>>) target(%dma_start3A_507 : memref<40x128xf32, #tpu.memory_space<vmem_shared>>) target_semaphore(%run_scoped3A : memref<!tpu.dma_semaphore, #tpu.memory_space<semaphore_mem>>)
      %dma_wait3A_508 = arith.constant 0 : i32
      %dma_wait3A_509 = tpu.memref_slice %arg23[%add3A_58, %dma_wait3A_508] : memref<10000x128xf32, #tpu.memory_space<vmem_shared>> -> memref<40x128xf32, #tpu.memory_space<vmem_shared>>
      %dma_wait3A_510 = arith.constant 0 : i32
      %dma_wait3A_511 = tpu.memref_slice %arg23[%add3A_58, %dma_wait3A_510] : memref<10000x128xf32, #tpu.memory_space<vmem_shared>> -> memref<40x128xf32, #tpu.memory_space<vmem_shared>>
      tpu.wait_dma2 semaphore(%run_scoped3A : memref<!tpu.dma_semaphore, #tpu.memory_space<semaphore_mem>>) src(%arg11 : memref<40x128xf32, #tpu.memory_space<vmem>>) dst(%dma_wait3A_511 : memref<40x128xf32, #tpu.memory_space<vmem_shared>>)
      tpu.yield
    }) : () -> ()
    %add3A_59 = arith.constant 360 : i32
    %add3A_60 = arith.addi %mul3A_40, %add3A_59 : i32
    "tpu.region"() ({
      %run_scoped3A = tpu.sem_alloc : memref<!tpu.dma_semaphore, #tpu.memory_space<semaphore_mem>>
      %dma_start3A_504 = arith.constant 0 : i32
      %dma_start3A_505 = tpu.memref_slice %arg23[%add3A_60, %dma_start3A_504] : memref<10000x128xf32, #tpu.memory_space<vmem_shared>> -> memref<40x128xf32, #tpu.memory_space<vmem_shared>>
      %dma_start3A_506 = arith.constant 0 : i32
      %dma_start3A_507 = tpu.memref_slice %arg23[%add3A_60, %dma_start3A_506] : memref<10000x128xf32, #tpu.memory_space<vmem_shared>> -> memref<40x128xf32, #tpu.memory_space<vmem_shared>>
      tpu.enqueue_dma source(%arg11 : memref<40x128xf32, #tpu.memory_space<vmem>>) target(%dma_start3A_507 : memref<40x128xf32, #tpu.memory_space<vmem_shared>>) target_semaphore(%run_scoped3A : memref<!tpu.dma_semaphore, #tpu.memory_space<semaphore_mem>>)
      %dma_wait3A_508 = arith.constant 0 : i32
      %dma_wait3A_509 = tpu.memref_slice %arg23[%add3A_60, %dma_wait3A_508] : memref<10000x128xf32, #tpu.memory_space<vmem_shared>> -> memref<40x128xf32, #tpu.memory_space<vmem_shared>>
      %dma_wait3A_510 = arith.constant 0 : i32
      %dma_wait3A_511 = tpu.memref_slice %arg23[%add3A_60, %dma_wait3A_510] : memref<10000x128xf32, #tpu.memory_space<vmem_shared>> -> memref<40x128xf32, #tpu.memory_space<vmem_shared>>
      tpu.wait_dma2 semaphore(%run_scoped3A : memref<!tpu.dma_semaphore, #tpu.memory_space<semaphore_mem>>) src(%arg11 : memref<40x128xf32, #tpu.memory_space<vmem>>) dst(%dma_wait3A_511 : memref<40x128xf32, #tpu.memory_space<vmem_shared>>)
      tpu.yield
    }) : () -> ()
    %add3A_61 = arith.constant 400 : i32
    %add3A_62 = arith.addi %mul3A_40, %add3A_61 : i32
    "tpu.region"() ({
      %run_scoped3A = tpu.sem_alloc : memref<!tpu.dma_semaphore, #tpu.memory_space<semaphore_mem>>
      %dma_start3A_504 = arith.constant 0 : i32
      %dma_start3A_505 = tpu.memref_slice %arg23[%add3A_62, %dma_start3A_504] : memref<10000x128xf32, #tpu.memory_space<vmem_shared>> -> memref<40x128xf32, #tpu.memory_space<vmem_shared>>
      %dma_start3A_506 = arith.constant 0 : i32
      %dma_start3A_507 = tpu.memref_slice %arg23[%add3A_62, %dma_start3A_506] : memref<10000x128xf32, #tpu.memory_space<vmem_shared>> -> memref<40x128xf32, #tpu.memory_space<vmem_shared>>
      tpu.enqueue_dma source(%arg11 : memref<40x128xf32, #tpu.memory_space<vmem>>) target(%dma_start3A_507 : memref<40x128xf32, #tpu.memory_space<vmem_shared>>) target_semaphore(%run_scoped3A : memref<!tpu.dma_semaphore, #tpu.memory_space<semaphore_mem>>)
      %dma_wait3A_508 = arith.constant 0 : i32
      %dma_wait3A_509 = tpu.memref_slice %arg23[%add3A_62, %dma_wait3A_508] : memref<10000x128xf32, #tpu.memory_space<vmem_shared>> -> memref<40x128xf32, #tpu.memory_space<vmem_shared>>
      %dma_wait3A_510 = arith.constant 0 : i32
      %dma_wait3A_511 = tpu.memref_slice %arg23[%add3A_62, %dma_wait3A_510] : memref<10000x128xf32, #tpu.memory_space<vmem_shared>> -> memref<40x128xf32, #tpu.memory_space<vmem_shared>>
      tpu.wait_dma2 semaphore(%run_scoped3A : memref<!tpu.dma_semaphore, #tpu.memory_space<semaphore_mem>>) src(%arg11 : memref<40x128xf32, #tpu.memory_space<vmem>>) dst(%dma_wait3A_511 : memref<40x128xf32, #tpu.memory_space<vmem_shared>>)
      tpu.yield
    }) : () -> ()
    %add3A_63 = arith.constant 440 : i32
    %add3A_64 = arith.addi %mul3A_40, %add3A_63 : i32
    "tpu.region"() ({
      %run_scoped3A = tpu.sem_alloc : memref<!tpu.dma_semaphore, #tpu.memory_space<semaphore_mem>>
      %dma_start3A_504 = arith.constant 0 : i32
      %dma_start3A_505 = tpu.memref_slice %arg23[%add3A_64, %dma_start3A_504] : memref<10000x128xf32, #tpu.memory_space<vmem_shared>> -> memref<40x128xf32, #tpu.memory_space<vmem_shared>>
      %dma_start3A_506 = arith.constant 0 : i32
      %dma_start3A_507 = tpu.memref_slice %arg23[%add3A_64, %dma_start3A_506] : memref<10000x128xf32, #tpu.memory_space<vmem_shared>> -> memref<40x128xf32, #tpu.memory_space<vmem_shared>>
      tpu.enqueue_dma source(%arg11 : memref<40x128xf32, #tpu.memory_space<vmem>>) target(%dma_start3A_507 : memref<40x128xf32, #tpu.memory_space<vmem_shared>>) target_semaphore(%run_scoped3A : memref<!tpu.dma_semaphore, #tpu.memory_space<semaphore_mem>>)
      %dma_wait3A_508 = arith.constant 0 : i32
      %dma_wait3A_509 = tpu.memref_slice %arg23[%add3A_64, %dma_wait3A_508] : memref<10000x128xf32, #tpu.memory_space<vmem_shared>> -> memref<40x128xf32, #tpu.memory_space<vmem_shared>>
      %dma_wait3A_510 = arith.constant 0 : i32
      %dma_wait3A_511 = tpu.memref_slice %arg23[%add3A_64, %dma_wait3A_510] : memref<10000x128xf32, #tpu.memory_space<vmem_shared>> -> memref<40x128xf32, #tpu.memory_space<vmem_shared>>
      tpu.wait_dma2 semaphore(%run_scoped3A : memref<!tpu.dma_semaphore, #tpu.memory_space<semaphore_mem>>) src(%arg11 : memref<40x128xf32, #tpu.memory_space<vmem>>) dst(%dma_wait3A_511 : memref<40x128xf32, #tpu.memory_space<vmem_shared>>)
      tpu.yield
    }) : () -> ()
    %add3A_65 = arith.constant 480 : i32
    %add3A_66 = arith.addi %mul3A_40, %add3A_65 : i32
    "tpu.region"() ({
      %run_scoped3A = tpu.sem_alloc : memref<!tpu.dma_semaphore, #tpu.memory_space<semaphore_mem>>
      %dma_start3A_504 = arith.constant 0 : i32
      %dma_start3A_505 = tpu.memref_slice %arg23[%add3A_66, %dma_start3A_504] : memref<10000x128xf32, #tpu.memory_space<vmem_shared>> -> memref<40x128xf32, #tpu.memory_space<vmem_shared>>
      %dma_start3A_506 = arith.constant 0 : i32
      %dma_start3A_507 = tpu.memref_slice %arg23[%add3A_66, %dma_start3A_506] : memref<10000x128xf32, #tpu.memory_space<vmem_shared>> -> memref<40x128xf32, #tpu.memory_space<vmem_shared>>
      tpu.enqueue_dma source(%arg11 : memref<40x128xf32, #tpu.memory_space<vmem>>) target(%dma_start3A_507 : memref<40x128xf32, #tpu.memory_space<vmem_shared>>) target_semaphore(%run_scoped3A : memref<!tpu.dma_semaphore, #tpu.memory_space<semaphore_mem>>)
      %dma_wait3A_508 = arith.constant 0 : i32
      %dma_wait3A_509 = tpu.memref_slice %arg23[%add3A_66, %dma_wait3A_508] : memref<10000x128xf32, #tpu.memory_space<vmem_shared>> -> memref<40x128xf32, #tpu.memory_space<vmem_shared>>
      %dma_wait3A_510 = arith.constant 0 : i32
      %dma_wait3A_511 = tpu.memref_slice %arg23[%add3A_66, %dma_wait3A_510] : memref<10000x128xf32, #tpu.memory_space<vmem_shared>> -> memref<40x128xf32, #tpu.memory_space<vmem_shared>>
      tpu.wait_dma2 semaphore(%run_scoped3A : memref<!tpu.dma_semaphore, #tpu.memory_space<semaphore_mem>>) src(%arg11 : memref<40x128xf32, #tpu.memory_space<vmem>>) dst(%dma_wait3A_511 : memref<40x128xf32, #tpu.memory_space<vmem_shared>>)
      tpu.yield
    }) : () -> ()
    %add3A_67 = arith.constant 520 : i32
    %add3A_68 = arith.addi %mul3A_40, %add3A_67 : i32
    "tpu.region"() ({
      %run_scoped3A = tpu.sem_alloc : memref<!tpu.dma_semaphore, #tpu.memory_space<semaphore_mem>>
      %dma_start3A_504 = arith.constant 0 : i32
      %dma_start3A_505 = tpu.memref_slice %arg23[%add3A_68, %dma_start3A_504] : memref<10000x128xf32, #tpu.memory_space<vmem_shared>> -> memref<40x128xf32, #tpu.memory_space<vmem_shared>>
      %dma_start3A_506 = arith.constant 0 : i32
      %dma_start3A_507 = tpu.memref_slice %arg23[%add3A_68, %dma_start3A_506] : memref<10000x128xf32, #tpu.memory_space<vmem_shared>> -> memref<40x128xf32, #tpu.memory_space<vmem_shared>>
      tpu.enqueue_dma source(%arg11 : memref<40x128xf32, #tpu.memory_space<vmem>>) target(%dma_start3A_507 : memref<40x128xf32, #tpu.memory_space<vmem_shared>>) target_semaphore(%run_scoped3A : memref<!tpu.dma_semaphore, #tpu.memory_space<semaphore_mem>>)
      %dma_wait3A_508 = arith.constant 0 : i32
      %dma_wait3A_509 = tpu.memref_slice %arg23[%add3A_68, %dma_wait3A_508] : memref<10000x128xf32, #tpu.memory_space<vmem_shared>> -> memref<40x128xf32, #tpu.memory_space<vmem_shared>>
      %dma_wait3A_510 = arith.constant 0 : i32
      %dma_wait3A_511 = tpu.memref_slice %arg23[%add3A_68, %dma_wait3A_510] : memref<10000x128xf32, #tpu.memory_space<vmem_shared>> -> memref<40x128xf32, #tpu.memory_space<vmem_shared>>
      tpu.wait_dma2 semaphore(%run_scoped3A : memref<!tpu.dma_semaphore, #tpu.memory_space<semaphore_mem>>) src(%arg11 : memref<40x128xf32, #tpu.memory_space<vmem>>) dst(%dma_wait3A_511 : memref<40x128xf32, #tpu.memory_space<vmem_shared>>)
      tpu.yield
    }) : () -> ()
    %add3A_69 = arith.constant 560 : i32
    %add3A_70 = arith.addi %mul3A_40, %add3A_69 : i32
    "tpu.region"() ({
      %run_scoped3A = tpu.sem_alloc : memref<!tpu.dma_semaphore, #tpu.memory_space<semaphore_mem>>
      %dma_start3A_504 = arith.constant 0 : i32
      %dma_start3A_505 = tpu.memref_slice %arg23[%add3A_70, %dma_start3A_504] : memref<10000x128xf32, #tpu.memory_space<vmem_shared>> -> memref<40x128xf32, #tpu.memory_space<vmem_shared>>
      %dma_start3A_506 = arith.constant 0 : i32
      %dma_start3A_507 = tpu.memref_slice %arg23[%add3A_70, %dma_start3A_506] : memref<10000x128xf32, #tpu.memory_space<vmem_shared>> -> memref<40x128xf32, #tpu.memory_space<vmem_shared>>
      tpu.enqueue_dma source(%arg11 : memref<40x128xf32, #tpu.memory_space<vmem>>) target(%dma_start3A_507 : memref<40x128xf32, #tpu.memory_space<vmem_shared>>) target_semaphore(%run_scoped3A : memref<!tpu.dma_semaphore, #tpu.memory_space<semaphore_mem>>)
      %dma_wait3A_508 = arith.constant 0 : i32
      %dma_wait3A_509 = tpu.memref_slice %arg23[%add3A_70, %dma_wait3A_508] : memref<10000x128xf32, #tpu.memory_space<vmem_shared>> -> memref<40x128xf32, #tpu.memory_space<vmem_shared>>
      %dma_wait3A_510 = arith.constant 0 : i32
      %dma_wait3A_511 = tpu.memref_slice %arg23[%add3A_70, %dma_wait3A_510] : memref<10000x128xf32, #tpu.memory_space<vmem_shared>> -> memref<40x128xf32, #tpu.memory_space<vmem_shared>>
      tpu.wait_dma2 semaphore(%run_scoped3A : memref<!tpu.dma_semaphore, #tpu.memory_space<semaphore_mem>>) src(%arg11 : memref<40x128xf32, #tpu.memory_space<vmem>>) dst(%dma_wait3A_511 : memref<40x128xf32, #tpu.memory_space<vmem_shared>>)
      tpu.yield
    }) : () -> ()
    %add3A_71 = arith.constant 600 : i32
    %add3A_72 = arith.addi %mul3A_40, %add3A_71 : i32
    "tpu.region"() ({
      %run_scoped3A = tpu.sem_alloc : memref<!tpu.dma_semaphore, #tpu.memory_space<semaphore_mem>>
      %dma_start3A_504 = arith.constant 0 : i32
      %dma_start3A_505 = arith.constant 0 : i32
      %dma_start3A_506 = tpu.memref_slice %arg11[%dma_start3A_504, %dma_start3A_505] : memref<40x128xf32, #tpu.memory_space<vmem>> -> memref<24x128xf32, #tpu.memory_space<vmem>>
      %dma_start3A_507 = arith.constant 0 : i32
      %dma_start3A_508 = tpu.memref_slice %arg23[%add3A_72, %dma_start3A_507] : memref<10000x128xf32, #tpu.memory_space<vmem_shared>> -> memref<24x128xf32, #tpu.memory_space<vmem_shared>>
      %dma_start3A_509 = arith.constant 0 : i32
      %dma_start3A_510 = tpu.memref_slice %arg23[%add3A_72, %dma_start3A_509] : memref<10000x128xf32, #tpu.memory_space<vmem_shared>> -> memref<24x128xf32, #tpu.memory_space<vmem_shared>>
      %dma_start3A_511 = arith.constant 0 : i32
      %dma_start3A_512 = arith.constant 0 : i32
      %dma_start3A_513 = tpu.memref_slice %arg11[%dma_start3A_511, %dma_start3A_512] : memref<40x128xf32, #tpu.memory_space<vmem>> -> memref<24x128xf32, #tpu.memory_space<vmem>>
      tpu.enqueue_dma source(%dma_start3A_513 : memref<24x128xf32, #tpu.memory_space<vmem>>) target(%dma_start3A_510 : memref<24x128xf32, #tpu.memory_space<vmem_shared>>) target_semaphore(%run_scoped3A : memref<!tpu.dma_semaphore, #tpu.memory_space<semaphore_mem>>)
      %dma_wait3A_514 = arith.constant 0 : i32
      %dma_wait3A_515 = arith.constant 0 : i32
      %dma_wait3A_516 = tpu.memref_slice %arg11[%dma_wait3A_514, %dma_wait3A_515] : memref<40x128xf32, #tpu.memory_space<vmem>> -> memref<24x128xf32, #tpu.memory_space<vmem>>
      %dma_wait3A_517 = arith.constant 0 : i32
      %dma_wait3A_518 = tpu.memref_slice %arg23[%add3A_72, %dma_wait3A_517] : memref<10000x128xf32, #tpu.memory_space<vmem_shared>> -> memref<24x128xf32, #tpu.memory_space<vmem_shared>>
      %dma_wait3A_519 = arith.constant 0 : i32
      %dma_wait3A_520 = tpu.memref_slice %arg23[%add3A_72, %dma_wait3A_519] : memref<10000x128xf32, #tpu.memory_space<vmem_shared>> -> memref<24x128xf32, #tpu.memory_space<vmem_shared>>
      %dma_wait3A_521 = arith.constant 0 : i32
      %dma_wait3A_522 = arith.constant 0 : i32
      %dma_wait3A_523 = tpu.memref_slice %arg11[%dma_wait3A_521, %dma_wait3A_522] : memref<40x128xf32, #tpu.memory_space<vmem>> -> memref<24x128xf32, #tpu.memory_space<vmem>>
      tpu.wait_dma2 semaphore(%run_scoped3A : memref<!tpu.dma_semaphore, #tpu.memory_space<semaphore_mem>>) src(%dma_wait3A_523 : memref<24x128xf32, #tpu.memory_space<vmem>>) dst(%dma_wait3A_520 : memref<24x128xf32, #tpu.memory_space<vmem_shared>>)
      tpu.yield
    }) : () -> ()
    %eq3A = arith.constant 0 : i32
    %eq3A_73 = arith.cmpi eq, %arg1, %eq3A : i32
    %convert_element_type3A = arith.extui %eq3A_73 : i1 to i32
    %cond3A = arith.constant 0 : i32
    %cond3A_74 = arith.cmpi ne, %convert_element_type3A, %cond3A : i32
    scf.if %cond3A_74 {
      "tpu.region"() ({
        %run_scoped3A = tpu.sem_alloc : memref<!tpu.dma_semaphore, #tpu.memory_space<semaphore_mem>>
        %dma_start3A_504 = arith.constant 0 : i32
        %dma_start3A_505 = arith.constant 0 : i32
        %dma_start3A_506 = tpu.memref_slice %arg11[%dma_start3A_504, %dma_start3A_505] : memref<40x128xf32, #tpu.memory_space<vmem>> -> memref<16x128xf32, #tpu.memory_space<vmem>>
        %dma_start3A_507 = arith.constant 9984 : i32
        %dma_start3A_508 = arith.constant 0 : i32
        %dma_start3A_509 = tpu.memref_slice %arg23[%dma_start3A_507, %dma_start3A_508] : memref<10000x128xf32, #tpu.memory_space<vmem_shared>> -> memref<16x128xf32, #tpu.memory_space<vmem_shared>>
        %dma_start3A_510 = arith.constant 9984 : i32
        %dma_start3A_511 = arith.constant 0 : i32
        %dma_start3A_512 = tpu.memref_slice %arg23[%dma_start3A_510, %dma_start3A_511] : memref<10000x128xf32, #tpu.memory_space<vmem_shared>> -> memref<16x128xf32, #tpu.memory_space<vmem_shared>>
        %dma_start3A_513 = arith.constant 0 : i32
        %dma_start3A_514 = arith.constant 0 : i32
        %dma_start3A_515 = tpu.memref_slice %arg11[%dma_start3A_513, %dma_start3A_514] : memref<40x128xf32, #tpu.memory_space<vmem>> -> memref<16x128xf32, #tpu.memory_space<vmem>>
        tpu.enqueue_dma source(%dma_start3A_515 : memref<16x128xf32, #tpu.memory_space<vmem>>) target(%dma_start3A_512 : memref<16x128xf32, #tpu.memory_space<vmem_shared>>) target_semaphore(%run_scoped3A : memref<!tpu.dma_semaphore, #tpu.memory_space<semaphore_mem>>)
        %dma_wait3A_516 = arith.constant 0 : i32
        %dma_wait3A_517 = arith.constant 0 : i32
        %dma_wait3A_518 = tpu.memref_slice %arg11[%dma_wait3A_516, %dma_wait3A_517] : memref<40x128xf32, #tpu.memory_space<vmem>> -> memref<16x128xf32, #tpu.memory_space<vmem>>
        %dma_wait3A_519 = arith.constant 9984 : i32
        %dma_wait3A_520 = arith.constant 0 : i32
        %dma_wait3A_521 = tpu.memref_slice %arg23[%dma_wait3A_519, %dma_wait3A_520] : memref<10000x128xf32, #tpu.memory_space<vmem_shared>> -> memref<16x128xf32, #tpu.memory_space<vmem_shared>>
        %dma_wait3A_522 = arith.constant 9984 : i32
        %dma_wait3A_523 = arith.constant 0 : i32
        %dma_wait3A_524 = tpu.memref_slice %arg23[%dma_wait3A_522, %dma_wait3A_523] : memref<10000x128xf32, #tpu.memory_space<vmem_shared>> -> memref<16x128xf32, #tpu.memory_space<vmem_shared>>
        %dma_wait3A_525 = arith.constant 0 : i32
        %dma_wait3A_526 = arith.constant 0 : i32
        %dma_wait3A_527 = tpu.memref_slice %arg11[%dma_wait3A_525, %dma_wait3A_526] : memref<40x128xf32, #tpu.memory_space<vmem>> -> memref<16x128xf32, #tpu.memory_space<vmem>>
        tpu.wait_dma2 semaphore(%run_scoped3A : memref<!tpu.dma_semaphore, #tpu.memory_space<semaphore_mem>>) src(%dma_wait3A_527 : memref<16x128xf32, #tpu.memory_space<vmem>>) dst(%dma_wait3A_524 : memref<16x128xf32, #tpu.memory_space<vmem_shared>>)
        tpu.yield
      }) : () -> ()
    } else {
    }
    %dma_start3A_75 = arith.constant 160 : i32
    %dma_start3A_76 = tpu.memref_slice %arg5[%dma_start3A_75] : memref<10000xi32, #tpu.memory_space<vmem>> -> memref<40xi32, #tpu.memory_space<vmem>>
    %dma_start3A_77 = arith.constant 0 : i32
    %dma_start3A_78 = arith.constant 0 : i32
    %dma_start3A_79 = tpu.memref_slice %arg2[%dma_start3A_77, %dma_start3A_78] : memref<10000x128xf32, #tpu.memory_space<hbm>> -> memref<10000x128xf32, #tpu.memory_space<hbm>>
    tpu.enqueue_indirect_dma source(%dma_start3A_79 : memref<10000x128xf32, #tpu.memory_space<hbm>>) target(%arg11 : memref<40x128xf32, #tpu.memory_space<vmem>>) offsets(%dma_start3A_76 : memref<40xi32, #tpu.memory_space<vmem>>) semaphore(%arg16 : memref<!tpu.dma_semaphore, #tpu.memory_space<semaphore_mem>>)
    %barrier3A = arith.constant 0 : index
    tpu.barrier barrier_id(%barrier3A)
    %scan3A_80 = arith.constant 0 : i32
    %scan3A_81 = arith.constant 0 : i32
    %scan3A_82 = arith.constant 49 : i32
    %scan3A_83 = arith.addi %scan3A_81, %scan3A_82 : i32
    %scan3A_84 = arith.constant 1 : i32
    scf.for %scan3A_504 = %scan3A_81 to %scan3A_83 step %scan3A_84  : i32 {
      %mul3A_505 = arith.constant 5 : i32
      %mul3A_506 = arith.muli %scan3A_504, %mul3A_505 : i32
      %add3A_507 = arith.constant 0 : i32
      %add3A_508 = arith.addi %mul3A_506, %add3A_507 : i32
      %mul3A_509 = arith.constant 40 : i32
      %mul3A_510 = arith.muli %add3A_508, %mul3A_509 : i32
      %dma_wait3A_511 = tpu.memref_slice %arg5[%mul3A_510] : memref<10000xi32, #tpu.memory_space<vmem>> -> memref<40xi32, #tpu.memory_space<vmem>>
      %dma_wait3A_512 = arith.constant 0 : i32
      %dma_wait3A_513 = arith.constant 0 : i32
      %dma_wait3A_514 = tpu.memref_slice %arg2[%dma_wait3A_512, %dma_wait3A_513] : memref<10000x128xf32, #tpu.memory_space<hbm>> -> memref<10000x128xf32, #tpu.memory_space<hbm>>
      tpu.wait_indirect_dma semaphore(%arg12 : memref<!tpu.dma_semaphore, #tpu.memory_space<semaphore_mem>>) src(%dma_wait3A_514 : memref<10000x128xf32, #tpu.memory_space<hbm>>) dst(%arg7 : memref<40x128xf32, #tpu.memory_space<vmem>>)
      %mul3A_515 = arith.constant 40 : i32
      %mul3A_516 = arith.muli %add3A_508, %mul3A_515 : i32
      %dma_start3A_517 = tpu.memref_slice %arg6[%mul3A_516] : memref<10000xi32, #tpu.memory_space<vmem>> -> memref<40xi32, #tpu.memory_space<vmem>>
      %dma_start3A_518 = arith.constant 0 : i32
      %dma_start3A_519 = arith.constant 0 : i32
      %dma_start3A_520 = tpu.memref_slice %arg23[%dma_start3A_518, %dma_start3A_519] : memref<10000x128xf32, #tpu.memory_space<vmem_shared>> -> memref<10000x128xf32, #tpu.memory_space<vmem_shared>>
      tpu.enqueue_indirect_dma source(%arg7 : memref<40x128xf32, #tpu.memory_space<vmem>>) target(%dma_start3A_520 : memref<10000x128xf32, #tpu.memory_space<vmem_shared>>) offsets(%dma_start3A_517 : memref<40xi32, #tpu.memory_space<vmem>>) semaphore(%arg17 : memref<!tpu.dma_semaphore, #tpu.memory_space<semaphore_mem>>) {add = true}
      %mul3A_521 = arith.constant 40 : i32
      %mul3A_522 = arith.muli %add3A_508, %mul3A_521 : i32
      %dma_wait3A_523 = tpu.memref_slice %arg6[%mul3A_522] : memref<10000xi32, #tpu.memory_space<vmem>> -> memref<40xi32, #tpu.memory_space<vmem>>
      %dma_wait3A_524 = arith.constant 0 : i32
      %dma_wait3A_525 = arith.constant 0 : i32
      %dma_wait3A_526 = tpu.memref_slice %arg23[%dma_wait3A_524, %dma_wait3A_525] : memref<10000x128xf32, #tpu.memory_space<vmem_shared>> -> memref<10000x128xf32, #tpu.memory_space<vmem_shared>>
      tpu.wait_indirect_dma semaphore(%arg17 : memref<!tpu.dma_semaphore, #tpu.memory_space<semaphore_mem>>) src(%arg7 : memref<40x128xf32, #tpu.memory_space<vmem>>) dst(%dma_wait3A_526 : memref<10000x128xf32, #tpu.memory_space<vmem_shared>>)
      %add3A_527 = arith.constant 5 : i32
      %add3A_528 = arith.addi %add3A_508, %add3A_527 : i32
      %mul3A_529 = arith.constant 40 : i32
      %mul3A_530 = arith.muli %add3A_528, %mul3A_529 : i32
      %dma_start3A_531 = tpu.memref_slice %arg5[%mul3A_530] : memref<10000xi32, #tpu.memory_space<vmem>> -> memref<40xi32, #tpu.memory_space<vmem>>
      %dma_start3A_532 = arith.constant 0 : i32
      %dma_start3A_533 = arith.constant 0 : i32
      %dma_start3A_534 = tpu.memref_slice %arg2[%dma_start3A_532, %dma_start3A_533] : memref<10000x128xf32, #tpu.memory_space<hbm>> -> memref<10000x128xf32, #tpu.memory_space<hbm>>
      tpu.enqueue_indirect_dma source(%dma_start3A_534 : memref<10000x128xf32, #tpu.memory_space<hbm>>) target(%arg7 : memref<40x128xf32, #tpu.memory_space<vmem>>) offsets(%dma_start3A_531 : memref<40xi32, #tpu.memory_space<vmem>>) semaphore(%arg12 : memref<!tpu.dma_semaphore, #tpu.memory_space<semaphore_mem>>)
      %mul3A_535 = arith.constant 5 : i32
      %mul3A_536 = arith.muli %scan3A_504, %mul3A_535 : i32
      %add3A_537 = arith.constant 1 : i32
      %add3A_538 = arith.addi %mul3A_536, %add3A_537 : i32
      %mul3A_539 = arith.constant 40 : i32
      %mul3A_540 = arith.muli %add3A_538, %mul3A_539 : i32
      %dma_wait3A_541 = tpu.memref_slice %arg5[%mul3A_540] : memref<10000xi32, #tpu.memory_space<vmem>> -> memref<40xi32, #tpu.memory_space<vmem>>
      %dma_wait3A_542 = arith.constant 0 : i32
      %dma_wait3A_543 = arith.constant 0 : i32
      %dma_wait3A_544 = tpu.memref_slice %arg2[%dma_wait3A_542, %dma_wait3A_543] : memref<10000x128xf32, #tpu.memory_space<hbm>> -> memref<10000x128xf32, #tpu.memory_space<hbm>>
      tpu.wait_indirect_dma semaphore(%arg13 : memref<!tpu.dma_semaphore, #tpu.memory_space<semaphore_mem>>) src(%dma_wait3A_544 : memref<10000x128xf32, #tpu.memory_space<hbm>>) dst(%arg8 : memref<40x128xf32, #tpu.memory_space<vmem>>)
      %mul3A_545 = arith.constant 40 : i32
      %mul3A_546 = arith.muli %add3A_538, %mul3A_545 : i32
      %dma_start3A_547 = tpu.memref_slice %arg6[%mul3A_546] : memref<10000xi32, #tpu.memory_space<vmem>> -> memref<40xi32, #tpu.memory_space<vmem>>
      %dma_start3A_548 = arith.constant 0 : i32
      %dma_start3A_549 = arith.constant 0 : i32
      %dma_start3A_550 = tpu.memref_slice %arg23[%dma_start3A_548, %dma_start3A_549] : memref<10000x128xf32, #tpu.memory_space<vmem_shared>> -> memref<10000x128xf32, #tpu.memory_space<vmem_shared>>
      tpu.enqueue_indirect_dma source(%arg8 : memref<40x128xf32, #tpu.memory_space<vmem>>) target(%dma_start3A_550 : memref<10000x128xf32, #tpu.memory_space<vmem_shared>>) offsets(%dma_start3A_547 : memref<40xi32, #tpu.memory_space<vmem>>) semaphore(%arg18 : memref<!tpu.dma_semaphore, #tpu.memory_space<semaphore_mem>>) {add = true}
      %mul3A_551 = arith.constant 40 : i32
      %mul3A_552 = arith.muli %add3A_538, %mul3A_551 : i32
      %dma_wait3A_553 = tpu.memref_slice %arg6[%mul3A_552] : memref<10000xi32, #tpu.memory_space<vmem>> -> memref<40xi32, #tpu.memory_space<vmem>>
      %dma_wait3A_554 = arith.constant 0 : i32
      %dma_wait3A_555 = arith.constant 0 : i32
      %dma_wait3A_556 = tpu.memref_slice %arg23[%dma_wait3A_554, %dma_wait3A_555] : memref<10000x128xf32, #tpu.memory_space<vmem_shared>> -> memref<10000x128xf32, #tpu.memory_space<vmem_shared>>
      tpu.wait_indirect_dma semaphore(%arg18 : memref<!tpu.dma_semaphore, #tpu.memory_space<semaphore_mem>>) src(%arg8 : memref<40x128xf32, #tpu.memory_space<vmem>>) dst(%dma_wait3A_556 : memref<10000x128xf32, #tpu.memory_space<vmem_shared>>)
      %add3A_557 = arith.constant 5 : i32
      %add3A_558 = arith.addi %add3A_538, %add3A_557 : i32
      %mul3A_559 = arith.constant 40 : i32
      %mul3A_560 = arith.muli %add3A_558, %mul3A_559 : i32
      %dma_start3A_561 = tpu.memref_slice %arg5[%mul3A_560] : memref<10000xi32, #tpu.memory_space<vmem>> -> memref<40xi32, #tpu.memory_space<vmem>>
      %dma_start3A_562 = arith.constant 0 : i32
      %dma_start3A_563 = arith.constant 0 : i32
      %dma_start3A_564 = tpu.memref_slice %arg2[%dma_start3A_562, %dma_start3A_563] : memref<10000x128xf32, #tpu.memory_space<hbm>> -> memref<10000x128xf32, #tpu.memory_space<hbm>>
      tpu.enqueue_indirect_dma source(%dma_start3A_564 : memref<10000x128xf32, #tpu.memory_space<hbm>>) target(%arg8 : memref<40x128xf32, #tpu.memory_space<vmem>>) offsets(%dma_start3A_561 : memref<40xi32, #tpu.memory_space<vmem>>) semaphore(%arg13 : memref<!tpu.dma_semaphore, #tpu.memory_space<semaphore_mem>>)
      %mul3A_565 = arith.constant 5 : i32
      %mul3A_566 = arith.muli %scan3A_504, %mul3A_565 : i32
      %add3A_567 = arith.constant 2 : i32
      %add3A_568 = arith.addi %mul3A_566, %add3A_567 : i32
      %mul3A_569 = arith.constant 40 : i32
      %mul3A_570 = arith.muli %add3A_568, %mul3A_569 : i32
      %dma_wait3A_571 = tpu.memref_slice %arg5[%mul3A_570] : memref<10000xi32, #tpu.memory_space<vmem>> -> memref<40xi32, #tpu.memory_space<vmem>>
      %dma_wait3A_572 = arith.constant 0 : i32
      %dma_wait3A_573 = arith.constant 0 : i32
      %dma_wait3A_574 = tpu.memref_slice %arg2[%dma_wait3A_572, %dma_wait3A_573] : memref<10000x128xf32, #tpu.memory_space<hbm>> -> memref<10000x128xf32, #tpu.memory_space<hbm>>
      tpu.wait_indirect_dma semaphore(%arg14 : memref<!tpu.dma_semaphore, #tpu.memory_space<semaphore_mem>>) src(%dma_wait3A_574 : memref<10000x128xf32, #tpu.memory_space<hbm>>) dst(%arg9 : memref<40x128xf32, #tpu.memory_space<vmem>>)
      %mul3A_575 = arith.constant 40 : i32
      %mul3A_576 = arith.muli %add3A_568, %mul3A_575 : i32
      %dma_start3A_577 = tpu.memref_slice %arg6[%mul3A_576] : memref<10000xi32, #tpu.memory_space<vmem>> -> memref<40xi32, #tpu.memory_space<vmem>>
      %dma_start3A_578 = arith.constant 0 : i32
      %dma_start3A_579 = arith.constant 0 : i32
      %dma_start3A_580 = tpu.memref_slice %arg23[%dma_start3A_578, %dma_start3A_579] : memref<10000x128xf32, #tpu.memory_space<vmem_shared>> -> memref<10000x128xf32, #tpu.memory_space<vmem_shared>>
      tpu.enqueue_indirect_dma source(%arg9 : memref<40x128xf32, #tpu.memory_space<vmem>>) target(%dma_start3A_580 : memref<10000x128xf32, #tpu.memory_space<vmem_shared>>) offsets(%dma_start3A_577 : memref<40xi32, #tpu.memory_space<vmem>>) semaphore(%arg19 : memref<!tpu.dma_semaphore, #tpu.memory_space<semaphore_mem>>) {add = true}
      %mul3A_581 = arith.constant 40 : i32
      %mul3A_582 = arith.muli %add3A_568, %mul3A_581 : i32
      %dma_wait3A_583 = tpu.memref_slice %arg6[%mul3A_582] : memref<10000xi32, #tpu.memory_space<vmem>> -> memref<40xi32, #tpu.memory_space<vmem>>
      %dma_wait3A_584 = arith.constant 0 : i32
      %dma_wait3A_585 = arith.constant 0 : i32
      %dma_wait3A_586 = tpu.memref_slice %arg23[%dma_wait3A_584, %dma_wait3A_585] : memref<10000x128xf32, #tpu.memory_space<vmem_shared>> -> memref<10000x128xf32, #tpu.memory_space<vmem_shared>>
      tpu.wait_indirect_dma semaphore(%arg19 : memref<!tpu.dma_semaphore, #tpu.memory_space<semaphore_mem>>) src(%arg9 : memref<40x128xf32, #tpu.memory_space<vmem>>) dst(%dma_wait3A_586 : memref<10000x128xf32, #tpu.memory_space<vmem_shared>>)
      %add3A_587 = arith.constant 5 : i32
      %add3A_588 = arith.addi %add3A_568, %add3A_587 : i32
      %mul3A_589 = arith.constant 40 : i32
      %mul3A_590 = arith.muli %add3A_588, %mul3A_589 : i32
      %dma_start3A_591 = tpu.memref_slice %arg5[%mul3A_590] : memref<10000xi32, #tpu.memory_space<vmem>> -> memref<40xi32, #tpu.memory_space<vmem>>
      %dma_start3A_592 = arith.constant 0 : i32
      %dma_start3A_593 = arith.constant 0 : i32
      %dma_start3A_594 = tpu.memref_slice %arg2[%dma_start3A_592, %dma_start3A_593] : memref<10000x128xf32, #tpu.memory_space<hbm>> -> memref<10000x128xf32, #tpu.memory_space<hbm>>
      tpu.enqueue_indirect_dma source(%dma_start3A_594 : memref<10000x128xf32, #tpu.memory_space<hbm>>) target(%arg9 : memref<40x128xf32, #tpu.memory_space<vmem>>) offsets(%dma_start3A_591 : memref<40xi32, #tpu.memory_space<vmem>>) semaphore(%arg14 : memref<!tpu.dma_semaphore, #tpu.memory_space<semaphore_mem>>)
      %mul3A_595 = arith.constant 5 : i32
      %mul3A_596 = arith.muli %scan3A_504, %mul3A_595 : i32
      %add3A_597 = arith.constant 3 : i32
      %add3A_598 = arith.addi %mul3A_596, %add3A_597 : i32
      %mul3A_599 = arith.constant 40 : i32
      %mul3A_600 = arith.muli %add3A_598, %mul3A_599 : i32
      %dma_wait3A_601 = tpu.memref_slice %arg5[%mul3A_600] : memref<10000xi32, #tpu.memory_space<vmem>> -> memref<40xi32, #tpu.memory_space<vmem>>
      %dma_wait3A_602 = arith.constant 0 : i32
      %dma_wait3A_603 = arith.constant 0 : i32
      %dma_wait3A_604 = tpu.memref_slice %arg2[%dma_wait3A_602, %dma_wait3A_603] : memref<10000x128xf32, #tpu.memory_space<hbm>> -> memref<10000x128xf32, #tpu.memory_space<hbm>>
      tpu.wait_indirect_dma semaphore(%arg15 : memref<!tpu.dma_semaphore, #tpu.memory_space<semaphore_mem>>) src(%dma_wait3A_604 : memref<10000x128xf32, #tpu.memory_space<hbm>>) dst(%arg10 : memref<40x128xf32, #tpu.memory_space<vmem>>)
      %mul3A_605 = arith.constant 40 : i32
      %mul3A_606 = arith.muli %add3A_598, %mul3A_605 : i32
      %dma_start3A_607 = tpu.memref_slice %arg6[%mul3A_606] : memref<10000xi32, #tpu.memory_space<vmem>> -> memref<40xi32, #tpu.memory_space<vmem>>
      %dma_start3A_608 = arith.constant 0 : i32
      %dma_start3A_609 = arith.constant 0 : i32
      %dma_start3A_610 = tpu.memref_slice %arg23[%dma_start3A_608, %dma_start3A_609] : memref<10000x128xf32, #tpu.memory_space<vmem_shared>> -> memref<10000x128xf32, #tpu.memory_space<vmem_shared>>
      tpu.enqueue_indirect_dma source(%arg10 : memref<40x128xf32, #tpu.memory_space<vmem>>) target(%dma_start3A_610 : memref<10000x128xf32, #tpu.memory_space<vmem_shared>>) offsets(%dma_start3A_607 : memref<40xi32, #tpu.memory_space<vmem>>) semaphore(%arg20 : memref<!tpu.dma_semaphore, #tpu.memory_space<semaphore_mem>>) {add = true}
      %mul3A_611 = arith.constant 40 : i32
      %mul3A_612 = arith.muli %add3A_598, %mul3A_611 : i32
      %dma_wait3A_613 = tpu.memref_slice %arg6[%mul3A_612] : memref<10000xi32, #tpu.memory_space<vmem>> -> memref<40xi32, #tpu.memory_space<vmem>>
      %dma_wait3A_614 = arith.constant 0 : i32
      %dma_wait3A_615 = arith.constant 0 : i32
      %dma_wait3A_616 = tpu.memref_slice %arg23[%dma_wait3A_614, %dma_wait3A_615] : memref<10000x128xf32, #tpu.memory_space<vmem_shared>> -> memref<10000x128xf32, #tpu.memory_space<vmem_shared>>
      tpu.wait_indirect_dma semaphore(%arg20 : memref<!tpu.dma_semaphore, #tpu.memory_space<semaphore_mem>>) src(%arg10 : memref<40x128xf32, #tpu.memory_space<vmem>>) dst(%dma_wait3A_616 : memref<10000x128xf32, #tpu.memory_space<vmem_shared>>)
      %add3A_617 = arith.constant 5 : i32
      %add3A_618 = arith.addi %add3A_598, %add3A_617 : i32
      %mul3A_619 = arith.constant 40 : i32
      %mul3A_620 = arith.muli %add3A_618, %mul3A_619 : i32
      %dma_start3A_621 = tpu.memref_slice %arg5[%mul3A_620] : memref<10000xi32, #tpu.memory_space<vmem>> -> memref<40xi32, #tpu.memory_space<vmem>>
      %dma_start3A_622 = arith.constant 0 : i32
      %dma_start3A_623 = arith.constant 0 : i32
      %dma_start3A_624 = tpu.memref_slice %arg2[%dma_start3A_622, %dma_start3A_623] : memref<10000x128xf32, #tpu.memory_space<hbm>> -> memref<10000x128xf32, #tpu.memory_space<hbm>>
      tpu.enqueue_indirect_dma source(%dma_start3A_624 : memref<10000x128xf32, #tpu.memory_space<hbm>>) target(%arg10 : memref<40x128xf32, #tpu.memory_space<vmem>>) offsets(%dma_start3A_621 : memref<40xi32, #tpu.memory_space<vmem>>) semaphore(%arg15 : memref<!tpu.dma_semaphore, #tpu.memory_space<semaphore_mem>>)
      %mul3A_625 = arith.constant 5 : i32
      %mul3A_626 = arith.muli %scan3A_504, %mul3A_625 : i32
      %add3A_627 = arith.constant 4 : i32
      %add3A_628 = arith.addi %mul3A_626, %add3A_627 : i32
      %mul3A_629 = arith.constant 40 : i32
      %mul3A_630 = arith.muli %add3A_628, %mul3A_629 : i32
      %dma_wait3A_631 = tpu.memref_slice %arg5[%mul3A_630] : memref<10000xi32, #tpu.memory_space<vmem>> -> memref<40xi32, #tpu.memory_space<vmem>>
      %dma_wait3A_632 = arith.constant 0 : i32
      %dma_wait3A_633 = arith.constant 0 : i32
      %dma_wait3A_634 = tpu.memref_slice %arg2[%dma_wait3A_632, %dma_wait3A_633] : memref<10000x128xf32, #tpu.memory_space<hbm>> -> memref<10000x128xf32, #tpu.memory_space<hbm>>
      tpu.wait_indirect_dma semaphore(%arg16 : memref<!tpu.dma_semaphore, #tpu.memory_space<semaphore_mem>>) src(%dma_wait3A_634 : memref<10000x128xf32, #tpu.memory_space<hbm>>) dst(%arg11 : memref<40x128xf32, #tpu.memory_space<vmem>>)
      %mul3A_635 = arith.constant 40 : i32
      %mul3A_636 = arith.muli %add3A_628, %mul3A_635 : i32
      %dma_start3A_637 = tpu.memref_slice %arg6[%mul3A_636] : memref<10000xi32, #tpu.memory_space<vmem>> -> memref<40xi32, #tpu.memory_space<vmem>>
      %dma_start3A_638 = arith.constant 0 : i32
      %dma_start3A_639 = arith.constant 0 : i32
      %dma_start3A_640 = tpu.memref_slice %arg23[%dma_start3A_638, %dma_start3A_639] : memref<10000x128xf32, #tpu.memory_space<vmem_shared>> -> memref<10000x128xf32, #tpu.memory_space<vmem_shared>>
      tpu.enqueue_indirect_dma source(%arg11 : memref<40x128xf32, #tpu.memory_space<vmem>>) target(%dma_start3A_640 : memref<10000x128xf32, #tpu.memory_space<vmem_shared>>) offsets(%dma_start3A_637 : memref<40xi32, #tpu.memory_space<vmem>>) semaphore(%arg21 : memref<!tpu.dma_semaphore, #tpu.memory_space<semaphore_mem>>) {add = true}
      %mul3A_641 = arith.constant 40 : i32
      %mul3A_642 = arith.muli %add3A_628, %mul3A_641 : i32
      %dma_wait3A_643 = tpu.memref_slice %arg6[%mul3A_642] : memref<10000xi32, #tpu.memory_space<vmem>> -> memref<40xi32, #tpu.memory_space<vmem>>
      %dma_wait3A_644 = arith.constant 0 : i32
      %dma_wait3A_645 = arith.constant 0 : i32
      %dma_wait3A_646 = tpu.memref_slice %arg23[%dma_wait3A_644, %dma_wait3A_645] : memref<10000x128xf32, #tpu.memory_space<vmem_shared>> -> memref<10000x128xf32, #tpu.memory_space<vmem_shared>>
      tpu.wait_indirect_dma semaphore(%arg21 : memref<!tpu.dma_semaphore, #tpu.memory_space<semaphore_mem>>) src(%arg11 : memref<40x128xf32, #tpu.memory_space<vmem>>) dst(%dma_wait3A_646 : memref<10000x128xf32, #tpu.memory_space<vmem_shared>>)
      %add3A_647 = arith.constant 5 : i32
      %add3A_648 = arith.addi %add3A_628, %add3A_647 : i32
      %mul3A_649 = arith.constant 40 : i32
      %mul3A_650 = arith.muli %add3A_648, %mul3A_649 : i32
      %dma_start3A_651 = tpu.memref_slice %arg5[%mul3A_650] : memref<10000xi32, #tpu.memory_space<vmem>> -> memref<40xi32, #tpu.memory_space<vmem>>
      %dma_start3A_652 = arith.constant 0 : i32
      %dma_start3A_653 = arith.constant 0 : i32
      %dma_start3A_654 = tpu.memref_slice %arg2[%dma_start3A_652, %dma_start3A_653] : memref<10000x128xf32, #tpu.memory_space<hbm>> -> memref<10000x128xf32, #tpu.memory_space<hbm>>
      tpu.enqueue_indirect_dma source(%dma_start3A_654 : memref<10000x128xf32, #tpu.memory_space<hbm>>) target(%arg11 : memref<40x128xf32, #tpu.memory_space<vmem>>) offsets(%dma_start3A_651 : memref<40xi32, #tpu.memory_space<vmem>>) semaphore(%arg16 : memref<!tpu.dma_semaphore, #tpu.memory_space<semaphore_mem>>)
    }
    %scan3A_85 = arith.constant 49 : i32
    %dma_wait3A_86 = arith.constant 9800 : i32
    %dma_wait3A_87 = tpu.memref_slice %arg5[%dma_wait3A_86] : memref<10000xi32, #tpu.memory_space<vmem>> -> memref<40xi32, #tpu.memory_space<vmem>>
    %dma_wait3A_88 = arith.constant 0 : i32
    %dma_wait3A_89 = arith.constant 0 : i32
    %dma_wait3A_90 = tpu.memref_slice %arg2[%dma_wait3A_88, %dma_wait3A_89] : memref<10000x128xf32, #tpu.memory_space<hbm>> -> memref<10000x128xf32, #tpu.memory_space<hbm>>
    tpu.wait_indirect_dma semaphore(%arg12 : memref<!tpu.dma_semaphore, #tpu.memory_space<semaphore_mem>>) src(%dma_wait3A_90 : memref<10000x128xf32, #tpu.memory_space<hbm>>) dst(%arg7 : memref<40x128xf32, #tpu.memory_space<vmem>>)
    %dma_start3A_91 = arith.constant 9800 : i32
    %dma_start3A_92 = tpu.memref_slice %arg6[%dma_start3A_91] : memref<10000xi32, #tpu.memory_space<vmem>> -> memref<40xi32, #tpu.memory_space<vmem>>
    %dma_start3A_93 = arith.constant 0 : i32
    %dma_start3A_94 = arith.constant 0 : i32
    %dma_start3A_95 = tpu.memref_slice %arg23[%dma_start3A_93, %dma_start3A_94] : memref<10000x128xf32, #tpu.memory_space<vmem_shared>> -> memref<10000x128xf32, #tpu.memory_space<vmem_shared>>
    tpu.enqueue_indirect_dma source(%arg7 : memref<40x128xf32, #tpu.memory_space<vmem>>) target(%dma_start3A_95 : memref<10000x128xf32, #tpu.memory_space<vmem_shared>>) offsets(%dma_start3A_92 : memref<40xi32, #tpu.memory_space<vmem>>) semaphore(%arg17 : memref<!tpu.dma_semaphore, #tpu.memory_space<semaphore_mem>>) {add = true}
    %dma_wait3A_96 = arith.constant 9800 : i32
    %dma_wait3A_97 = tpu.memref_slice %arg6[%dma_wait3A_96] : memref<10000xi32, #tpu.memory_space<vmem>> -> memref<40xi32, #tpu.memory_space<vmem>>
    %dma_wait3A_98 = arith.constant 0 : i32
    %dma_wait3A_99 = arith.constant 0 : i32
    %dma_wait3A_100 = tpu.memref_slice %arg23[%dma_wait3A_98, %dma_wait3A_99] : memref<10000x128xf32, #tpu.memory_space<vmem_shared>> -> memref<10000x128xf32, #tpu.memory_space<vmem_shared>>
    tpu.wait_indirect_dma semaphore(%arg17 : memref<!tpu.dma_semaphore, #tpu.memory_space<semaphore_mem>>) src(%arg7 : memref<40x128xf32, #tpu.memory_space<vmem>>) dst(%dma_wait3A_100 : memref<10000x128xf32, #tpu.memory_space<vmem_shared>>)
    %dma_wait3A_101 = arith.constant 9840 : i32
    %dma_wait3A_102 = tpu.memref_slice %arg5[%dma_wait3A_101] : memref<10000xi32, #tpu.memory_space<vmem>> -> memref<40xi32, #tpu.memory_space<vmem>>
    %dma_wait3A_103 = arith.constant 0 : i32
    %dma_wait3A_104 = arith.constant 0 : i32
    %dma_wait3A_105 = tpu.memref_slice %arg2[%dma_wait3A_103, %dma_wait3A_104] : memref<10000x128xf32, #tpu.memory_space<hbm>> -> memref<10000x128xf32, #tpu.memory_space<hbm>>
    tpu.wait_indirect_dma semaphore(%arg13 : memref<!tpu.dma_semaphore, #tpu.memory_space<semaphore_mem>>) src(%dma_wait3A_105 : memref<10000x128xf32, #tpu.memory_space<hbm>>) dst(%arg8 : memref<40x128xf32, #tpu.memory_space<vmem>>)
    %dma_start3A_106 = arith.constant 9840 : i32
    %dma_start3A_107 = tpu.memref_slice %arg6[%dma_start3A_106] : memref<10000xi32, #tpu.memory_space<vmem>> -> memref<40xi32, #tpu.memory_space<vmem>>
    %dma_start3A_108 = arith.constant 0 : i32
    %dma_start3A_109 = arith.constant 0 : i32
    %dma_start3A_110 = tpu.memref_slice %arg23[%dma_start3A_108, %dma_start3A_109] : memref<10000x128xf32, #tpu.memory_space<vmem_shared>> -> memref<10000x128xf32, #tpu.memory_space<vmem_shared>>
    tpu.enqueue_indirect_dma source(%arg8 : memref<40x128xf32, #tpu.memory_space<vmem>>) target(%dma_start3A_110 : memref<10000x128xf32, #tpu.memory_space<vmem_shared>>) offsets(%dma_start3A_107 : memref<40xi32, #tpu.memory_space<vmem>>) semaphore(%arg18 : memref<!tpu.dma_semaphore, #tpu.memory_space<semaphore_mem>>) {add = true}
    %dma_wait3A_111 = arith.constant 9840 : i32
    %dma_wait3A_112 = tpu.memref_slice %arg6[%dma_wait3A_111] : memref<10000xi32, #tpu.memory_space<vmem>> -> memref<40xi32, #tpu.memory_space<vmem>>
    %dma_wait3A_113 = arith.constant 0 : i32
    %dma_wait3A_114 = arith.constant 0 : i32
    %dma_wait3A_115 = tpu.memref_slice %arg23[%dma_wait3A_113, %dma_wait3A_114] : memref<10000x128xf32, #tpu.memory_space<vmem_shared>> -> memref<10000x128xf32, #tpu.memory_space<vmem_shared>>
    tpu.wait_indirect_dma semaphore(%arg18 : memref<!tpu.dma_semaphore, #tpu.memory_space<semaphore_mem>>) src(%arg8 : memref<40x128xf32, #tpu.memory_space<vmem>>) dst(%dma_wait3A_115 : memref<10000x128xf32, #tpu.memory_space<vmem_shared>>)
    %dma_wait3A_116 = arith.constant 9880 : i32
    %dma_wait3A_117 = tpu.memref_slice %arg5[%dma_wait3A_116] : memref<10000xi32, #tpu.memory_space<vmem>> -> memref<40xi32, #tpu.memory_space<vmem>>
    %dma_wait3A_118 = arith.constant 0 : i32
    %dma_wait3A_119 = arith.constant 0 : i32
    %dma_wait3A_120 = tpu.memref_slice %arg2[%dma_wait3A_118, %dma_wait3A_119] : memref<10000x128xf32, #tpu.memory_space<hbm>> -> memref<10000x128xf32, #tpu.memory_space<hbm>>
    tpu.wait_indirect_dma semaphore(%arg14 : memref<!tpu.dma_semaphore, #tpu.memory_space<semaphore_mem>>) src(%dma_wait3A_120 : memref<10000x128xf32, #tpu.memory_space<hbm>>) dst(%arg9 : memref<40x128xf32, #tpu.memory_space<vmem>>)
    %dma_start3A_121 = arith.constant 9880 : i32
    %dma_start3A_122 = tpu.memref_slice %arg6[%dma_start3A_121] : memref<10000xi32, #tpu.memory_space<vmem>> -> memref<40xi32, #tpu.memory_space<vmem>>
    %dma_start3A_123 = arith.constant 0 : i32
    %dma_start3A_124 = arith.constant 0 : i32
    %dma_start3A_125 = tpu.memref_slice %arg23[%dma_start3A_123, %dma_start3A_124] : memref<10000x128xf32, #tpu.memory_space<vmem_shared>> -> memref<10000x128xf32, #tpu.memory_space<vmem_shared>>
    tpu.enqueue_indirect_dma source(%arg9 : memref<40x128xf32, #tpu.memory_space<vmem>>) target(%dma_start3A_125 : memref<10000x128xf32, #tpu.memory_space<vmem_shared>>) offsets(%dma_start3A_122 : memref<40xi32, #tpu.memory_space<vmem>>) semaphore(%arg19 : memref<!tpu.dma_semaphore, #tpu.memory_space<semaphore_mem>>) {add = true}
    %dma_wait3A_126 = arith.constant 9880 : i32
    %dma_wait3A_127 = tpu.memref_slice %arg6[%dma_wait3A_126] : memref<10000xi32, #tpu.memory_space<vmem>> -> memref<40xi32, #tpu.memory_space<vmem>>
    %dma_wait3A_128 = arith.constant 0 : i32
    %dma_wait3A_129 = arith.constant 0 : i32
    %dma_wait3A_130 = tpu.memref_slice %arg23[%dma_wait3A_128, %dma_wait3A_129] : memref<10000x128xf32, #tpu.memory_space<vmem_shared>> -> memref<10000x128xf32, #tpu.memory_space<vmem_shared>>
    tpu.wait_indirect_dma semaphore(%arg19 : memref<!tpu.dma_semaphore, #tpu.memory_space<semaphore_mem>>) src(%arg9 : memref<40x128xf32, #tpu.memory_space<vmem>>) dst(%dma_wait3A_130 : memref<10000x128xf32, #tpu.memory_space<vmem_shared>>)
    %dma_wait3A_131 = arith.constant 9920 : i32
    %dma_wait3A_132 = tpu.memref_slice %arg5[%dma_wait3A_131] : memref<10000xi32, #tpu.memory_space<vmem>> -> memref<40xi32, #tpu.memory_space<vmem>>
    %dma_wait3A_133 = arith.constant 0 : i32
    %dma_wait3A_134 = arith.constant 0 : i32
    %dma_wait3A_135 = tpu.memref_slice %arg2[%dma_wait3A_133, %dma_wait3A_134] : memref<10000x128xf32, #tpu.memory_space<hbm>> -> memref<10000x128xf32, #tpu.memory_space<hbm>>
    tpu.wait_indirect_dma semaphore(%arg15 : memref<!tpu.dma_semaphore, #tpu.memory_space<semaphore_mem>>) src(%dma_wait3A_135 : memref<10000x128xf32, #tpu.memory_space<hbm>>) dst(%arg10 : memref<40x128xf32, #tpu.memory_space<vmem>>)
    %dma_start3A_136 = arith.constant 9920 : i32
    %dma_start3A_137 = tpu.memref_slice %arg6[%dma_start3A_136] : memref<10000xi32, #tpu.memory_space<vmem>> -> memref<40xi32, #tpu.memory_space<vmem>>
    %dma_start3A_138 = arith.constant 0 : i32
    %dma_start3A_139 = arith.constant 0 : i32
    %dma_start3A_140 = tpu.memref_slice %arg23[%dma_start3A_138, %dma_start3A_139] : memref<10000x128xf32, #tpu.memory_space<vmem_shared>> -> memref<10000x128xf32, #tpu.memory_space<vmem_shared>>
    tpu.enqueue_indirect_dma source(%arg10 : memref<40x128xf32, #tpu.memory_space<vmem>>) target(%dma_start3A_140 : memref<10000x128xf32, #tpu.memory_space<vmem_shared>>) offsets(%dma_start3A_137 : memref<40xi32, #tpu.memory_space<vmem>>) semaphore(%arg20 : memref<!tpu.dma_semaphore, #tpu.memory_space<semaphore_mem>>) {add = true}
    %dma_wait3A_141 = arith.constant 9920 : i32
    %dma_wait3A_142 = tpu.memref_slice %arg6[%dma_wait3A_141] : memref<10000xi32, #tpu.memory_space<vmem>> -> memref<40xi32, #tpu.memory_space<vmem>>
    %dma_wait3A_143 = arith.constant 0 : i32
    %dma_wait3A_144 = arith.constant 0 : i32
    %dma_wait3A_145 = tpu.memref_slice %arg23[%dma_wait3A_143, %dma_wait3A_144] : memref<10000x128xf32, #tpu.memory_space<vmem_shared>> -> memref<10000x128xf32, #tpu.memory_space<vmem_shared>>
    tpu.wait_indirect_dma semaphore(%arg20 : memref<!tpu.dma_semaphore, #tpu.memory_space<semaphore_mem>>) src(%arg10 : memref<40x128xf32, #tpu.memory_space<vmem>>) dst(%dma_wait3A_145 : memref<10000x128xf32, #tpu.memory_space<vmem_shared>>)
    %dma_wait3A_146 = arith.constant 9960 : i32
    %dma_wait3A_147 = tpu.memref_slice %arg5[%dma_wait3A_146] : memref<10000xi32, #tpu.memory_space<vmem>> -> memref<40xi32, #tpu.memory_space<vmem>>
    %dma_wait3A_148 = arith.constant 0 : i32
    %dma_wait3A_149 = arith.constant 0 : i32
    %dma_wait3A_150 = tpu.memref_slice %arg2[%dma_wait3A_148, %dma_wait3A_149] : memref<10000x128xf32, #tpu.memory_space<hbm>> -> memref<10000x128xf32, #tpu.memory_space<hbm>>
    tpu.wait_indirect_dma semaphore(%arg16 : memref<!tpu.dma_semaphore, #tpu.memory_space<semaphore_mem>>) src(%dma_wait3A_150 : memref<10000x128xf32, #tpu.memory_space<hbm>>) dst(%arg11 : memref<40x128xf32, #tpu.memory_space<vmem>>)
    %dma_start3A_151 = arith.constant 9960 : i32
    %dma_start3A_152 = tpu.memref_slice %arg6[%dma_start3A_151] : memref<10000xi32, #tpu.memory_space<vmem>> -> memref<40xi32, #tpu.memory_space<vmem>>
    %dma_start3A_153 = arith.constant 0 : i32
    %dma_start3A_154 = arith.constant 0 : i32
    %dma_start3A_155 = tpu.memref_slice %arg23[%dma_start3A_153, %dma_start3A_154] : memref<10000x128xf32, #tpu.memory_space<vmem_shared>> -> memref<10000x128xf32, #tpu.memory_space<vmem_shared>>
    tpu.enqueue_indirect_dma source(%arg11 : memref<40x128xf32, #tpu.memory_space<vmem>>) target(%dma_start3A_155 : memref<10000x128xf32, #tpu.memory_space<vmem_shared>>) offsets(%dma_start3A_152 : memref<40xi32, #tpu.memory_space<vmem>>) semaphore(%arg21 : memref<!tpu.dma_semaphore, #tpu.memory_space<semaphore_mem>>) {add = true}
    %dma_wait3A_156 = arith.constant 9960 : i32
    %dma_wait3A_157 = tpu.memref_slice %arg6[%dma_wait3A_156] : memref<10000xi32, #tpu.memory_space<vmem>> -> memref<40xi32, #tpu.memory_space<vmem>>
    %dma_wait3A_158 = arith.constant 0 : i32
    %dma_wait3A_159 = arith.constant 0 : i32
    %dma_wait3A_160 = tpu.memref_slice %arg23[%dma_wait3A_158, %dma_wait3A_159] : memref<10000x128xf32, #tpu.memory_space<vmem_shared>> -> memref<10000x128xf32, #tpu.memory_space<vmem_shared>>
    tpu.wait_indirect_dma semaphore(%arg21 : memref<!tpu.dma_semaphore, #tpu.memory_space<semaphore_mem>>) src(%arg11 : memref<40x128xf32, #tpu.memory_space<vmem>>) dst(%dma_wait3A_160 : memref<10000x128xf32, #tpu.memory_space<vmem_shared>>)
    %barrier3A_161 = arith.constant 0 : index
    tpu.barrier barrier_id(%barrier3A_161)
    %mul3A_162 = arith.constant 10000 : i32
    %mul3A_163 = arith.muli %arg0, %mul3A_162 : i32
    %add3A_164 = arith.addi %mul3A_163, %mul3A_40 : i32
    %add3A_165 = arith.constant 0 : i32
    %add3A_166 = arith.addi %mul3A_40, %add3A_165 : i32
    %dma_start3A_167 = arith.constant 0 : i32
    %dma_start3A_168 = tpu.memref_slice %arg23[%add3A_166, %dma_start3A_167] : memref<10000x128xf32, #tpu.memory_space<vmem_shared>> -> memref<40x128xf32, #tpu.memory_space<vmem_shared>>
    %dma_start3A_169 = arith.constant 0 : i32
    %dma_start3A_170 = tpu.memref_slice %arg23[%add3A_166, %dma_start3A_169] : memref<10000x128xf32, #tpu.memory_space<vmem_shared>> -> memref<40x128xf32, #tpu.memory_space<vmem_shared>>
    tpu.enqueue_dma source(%dma_start3A_170 : memref<40x128xf32, #tpu.memory_space<vmem_shared>>) target(%arg7 : memref<40x128xf32, #tpu.memory_space<vmem>>) target_semaphore(%arg12 : memref<!tpu.dma_semaphore, #tpu.memory_space<semaphore_mem>>)
    %add3A_171 = arith.constant 0 : i32
    %add3A_172 = arith.addi %mul3A_40, %add3A_171 : i32
    %dma_wait3A_173 = arith.constant 0 : i32
    %dma_wait3A_174 = tpu.memref_slice %arg23[%add3A_172, %dma_wait3A_173] : memref<10000x128xf32, #tpu.memory_space<vmem_shared>> -> memref<40x128xf32, #tpu.memory_space<vmem_shared>>
    %dma_wait3A_175 = arith.constant 0 : i32
    %dma_wait3A_176 = tpu.memref_slice %arg23[%add3A_172, %dma_wait3A_175] : memref<10000x128xf32, #tpu.memory_space<vmem_shared>> -> memref<40x128xf32, #tpu.memory_space<vmem_shared>>
    tpu.wait_dma2 semaphore(%arg12 : memref<!tpu.dma_semaphore, #tpu.memory_space<semaphore_mem>>) src(%dma_wait3A_176 : memref<40x128xf32, #tpu.memory_space<vmem_shared>>) dst(%arg7 : memref<40x128xf32, #tpu.memory_space<vmem>>)
    %add3A_177 = arith.constant 0 : i32
    %add3A_178 = arith.addi %add3A_164, %add3A_177 : i32
    %dma_start3A_179 = arith.constant 0 : i32
    %dma_start3A_180 = tpu.memref_slice %arg4[%add3A_178, %dma_start3A_179] : memref<20000x128xf32, #tpu.memory_space<hbm>> -> memref<40x128xf32, #tpu.memory_space<hbm>>
    %dma_start3A_181 = arith.constant 0 : i32
    %dma_start3A_182 = tpu.memref_slice %arg4[%add3A_178, %dma_start3A_181] : memref<20000x128xf32, #tpu.memory_space<hbm>> -> memref<40x128xf32, #tpu.memory_space<hbm>>
    tpu.enqueue_dma source(%arg7 : memref<40x128xf32, #tpu.memory_space<vmem>>) target(%dma_start3A_182 : memref<40x128xf32, #tpu.memory_space<hbm>>) target_semaphore(%arg17 : memref<!tpu.dma_semaphore, #tpu.memory_space<semaphore_mem>>)
    %add3A_183 = arith.constant 40 : i32
    %add3A_184 = arith.addi %mul3A_40, %add3A_183 : i32
    %dma_start3A_185 = arith.constant 0 : i32
    %dma_start3A_186 = tpu.memref_slice %arg23[%add3A_184, %dma_start3A_185] : memref<10000x128xf32, #tpu.memory_space<vmem_shared>> -> memref<40x128xf32, #tpu.memory_space<vmem_shared>>
    %dma_start3A_187 = arith.constant 0 : i32
    %dma_start3A_188 = tpu.memref_slice %arg23[%add3A_184, %dma_start3A_187] : memref<10000x128xf32, #tpu.memory_space<vmem_shared>> -> memref<40x128xf32, #tpu.memory_space<vmem_shared>>
    tpu.enqueue_dma source(%dma_start3A_188 : memref<40x128xf32, #tpu.memory_space<vmem_shared>>) target(%arg8 : memref<40x128xf32, #tpu.memory_space<vmem>>) target_semaphore(%arg13 : memref<!tpu.dma_semaphore, #tpu.memory_space<semaphore_mem>>)
    %add3A_189 = arith.constant 40 : i32
    %add3A_190 = arith.addi %mul3A_40, %add3A_189 : i32
    %dma_wait3A_191 = arith.constant 0 : i32
    %dma_wait3A_192 = tpu.memref_slice %arg23[%add3A_190, %dma_wait3A_191] : memref<10000x128xf32, #tpu.memory_space<vmem_shared>> -> memref<40x128xf32, #tpu.memory_space<vmem_shared>>
    %dma_wait3A_193 = arith.constant 0 : i32
    %dma_wait3A_194 = tpu.memref_slice %arg23[%add3A_190, %dma_wait3A_193] : memref<10000x128xf32, #tpu.memory_space<vmem_shared>> -> memref<40x128xf32, #tpu.memory_space<vmem_shared>>
    tpu.wait_dma2 semaphore(%arg13 : memref<!tpu.dma_semaphore, #tpu.memory_space<semaphore_mem>>) src(%dma_wait3A_194 : memref<40x128xf32, #tpu.memory_space<vmem_shared>>) dst(%arg8 : memref<40x128xf32, #tpu.memory_space<vmem>>)
    %add3A_195 = arith.constant 40 : i32
    %add3A_196 = arith.addi %add3A_164, %add3A_195 : i32
    %dma_start3A_197 = arith.constant 0 : i32
    %dma_start3A_198 = tpu.memref_slice %arg4[%add3A_196, %dma_start3A_197] : memref<20000x128xf32, #tpu.memory_space<hbm>> -> memref<40x128xf32, #tpu.memory_space<hbm>>
    %dma_start3A_199 = arith.constant 0 : i32
    %dma_start3A_200 = tpu.memref_slice %arg4[%add3A_196, %dma_start3A_199] : memref<20000x128xf32, #tpu.memory_space<hbm>> -> memref<40x128xf32, #tpu.memory_space<hbm>>
    tpu.enqueue_dma source(%arg8 : memref<40x128xf32, #tpu.memory_space<vmem>>) target(%dma_start3A_200 : memref<40x128xf32, #tpu.memory_space<hbm>>) target_semaphore(%arg18 : memref<!tpu.dma_semaphore, #tpu.memory_space<semaphore_mem>>)
    %dma_wait3A_201 = arith.constant 0 : i32
    %dma_wait3A_202 = tpu.memref_slice %arg4[%add3A_164, %dma_wait3A_201] : memref<20000x128xf32, #tpu.memory_space<hbm>> -> memref<40x128xf32, #tpu.memory_space<hbm>>
    %dma_wait3A_203 = arith.constant 0 : i32
    %dma_wait3A_204 = tpu.memref_slice %arg4[%add3A_164, %dma_wait3A_203] : memref<20000x128xf32, #tpu.memory_space<hbm>> -> memref<40x128xf32, #tpu.memory_space<hbm>>
    tpu.wait_dma2 semaphore(%arg17 : memref<!tpu.dma_semaphore, #tpu.memory_space<semaphore_mem>>) src(%arg7 : memref<40x128xf32, #tpu.memory_space<vmem>>) dst(%dma_wait3A_204 : memref<40x128xf32, #tpu.memory_space<hbm>>)
    %add3A_205 = arith.constant 80 : i32
    %add3A_206 = arith.addi %mul3A_40, %add3A_205 : i32
    %dma_start3A_207 = arith.constant 0 : i32
    %dma_start3A_208 = tpu.memref_slice %arg23[%add3A_206, %dma_start3A_207] : memref<10000x128xf32, #tpu.memory_space<vmem_shared>> -> memref<40x128xf32, #tpu.memory_space<vmem_shared>>
    %dma_start3A_209 = arith.constant 0 : i32
    %dma_start3A_210 = tpu.memref_slice %arg23[%add3A_206, %dma_start3A_209] : memref<10000x128xf32, #tpu.memory_space<vmem_shared>> -> memref<40x128xf32, #tpu.memory_space<vmem_shared>>
    tpu.enqueue_dma source(%dma_start3A_210 : memref<40x128xf32, #tpu.memory_space<vmem_shared>>) target(%arg7 : memref<40x128xf32, #tpu.memory_space<vmem>>) target_semaphore(%arg12 : memref<!tpu.dma_semaphore, #tpu.memory_space<semaphore_mem>>)
    %add3A_211 = arith.constant 80 : i32
    %add3A_212 = arith.addi %mul3A_40, %add3A_211 : i32
    %dma_wait3A_213 = arith.constant 0 : i32
    %dma_wait3A_214 = tpu.memref_slice %arg23[%add3A_212, %dma_wait3A_213] : memref<10000x128xf32, #tpu.memory_space<vmem_shared>> -> memref<40x128xf32, #tpu.memory_space<vmem_shared>>
    %dma_wait3A_215 = arith.constant 0 : i32
    %dma_wait3A_216 = tpu.memref_slice %arg23[%add3A_212, %dma_wait3A_215] : memref<10000x128xf32, #tpu.memory_space<vmem_shared>> -> memref<40x128xf32, #tpu.memory_space<vmem_shared>>
    tpu.wait_dma2 semaphore(%arg12 : memref<!tpu.dma_semaphore, #tpu.memory_space<semaphore_mem>>) src(%dma_wait3A_216 : memref<40x128xf32, #tpu.memory_space<vmem_shared>>) dst(%arg7 : memref<40x128xf32, #tpu.memory_space<vmem>>)
    %add3A_217 = arith.constant 80 : i32
    %add3A_218 = arith.addi %add3A_164, %add3A_217 : i32
    %dma_start3A_219 = arith.constant 0 : i32
    %dma_start3A_220 = tpu.memref_slice %arg4[%add3A_218, %dma_start3A_219] : memref<20000x128xf32, #tpu.memory_space<hbm>> -> memref<40x128xf32, #tpu.memory_space<hbm>>
    %dma_start3A_221 = arith.constant 0 : i32
    %dma_start3A_222 = tpu.memref_slice %arg4[%add3A_218, %dma_start3A_221] : memref<20000x128xf32, #tpu.memory_space<hbm>> -> memref<40x128xf32, #tpu.memory_space<hbm>>
    tpu.enqueue_dma source(%arg7 : memref<40x128xf32, #tpu.memory_space<vmem>>) target(%dma_start3A_222 : memref<40x128xf32, #tpu.memory_space<hbm>>) target_semaphore(%arg17 : memref<!tpu.dma_semaphore, #tpu.memory_space<semaphore_mem>>)
    %dma_wait3A_223 = arith.constant 0 : i32
    %dma_wait3A_224 = tpu.memref_slice %arg4[%add3A_164, %dma_wait3A_223] : memref<20000x128xf32, #tpu.memory_space<hbm>> -> memref<40x128xf32, #tpu.memory_space<hbm>>
    %dma_wait3A_225 = arith.constant 0 : i32
    %dma_wait3A_226 = tpu.memref_slice %arg4[%add3A_164, %dma_wait3A_225] : memref<20000x128xf32, #tpu.memory_space<hbm>> -> memref<40x128xf32, #tpu.memory_space<hbm>>
    tpu.wait_dma2 semaphore(%arg18 : memref<!tpu.dma_semaphore, #tpu.memory_space<semaphore_mem>>) src(%arg8 : memref<40x128xf32, #tpu.memory_space<vmem>>) dst(%dma_wait3A_226 : memref<40x128xf32, #tpu.memory_space<hbm>>)
    %add3A_227 = arith.constant 120 : i32
    %add3A_228 = arith.addi %mul3A_40, %add3A_227 : i32
    %dma_start3A_229 = arith.constant 0 : i32
    %dma_start3A_230 = tpu.memref_slice %arg23[%add3A_228, %dma_start3A_229] : memref<10000x128xf32, #tpu.memory_space<vmem_shared>> -> memref<40x128xf32, #tpu.memory_space<vmem_shared>>
    %dma_start3A_231 = arith.constant 0 : i32
    %dma_start3A_232 = tpu.memref_slice %arg23[%add3A_228, %dma_start3A_231] : memref<10000x128xf32, #tpu.memory_space<vmem_shared>> -> memref<40x128xf32, #tpu.memory_space<vmem_shared>>
    tpu.enqueue_dma source(%dma_start3A_232 : memref<40x128xf32, #tpu.memory_space<vmem_shared>>) target(%arg8 : memref<40x128xf32, #tpu.memory_space<vmem>>) target_semaphore(%arg13 : memref<!tpu.dma_semaphore, #tpu.memory_space<semaphore_mem>>)
    %add3A_233 = arith.constant 120 : i32
    %add3A_234 = arith.addi %mul3A_40, %add3A_233 : i32
    %dma_wait3A_235 = arith.constant 0 : i32
    %dma_wait3A_236 = tpu.memref_slice %arg23[%add3A_234, %dma_wait3A_235] : memref<10000x128xf32, #tpu.memory_space<vmem_shared>> -> memref<40x128xf32, #tpu.memory_space<vmem_shared>>
    %dma_wait3A_237 = arith.constant 0 : i32
    %dma_wait3A_238 = tpu.memref_slice %arg23[%add3A_234, %dma_wait3A_237] : memref<10000x128xf32, #tpu.memory_space<vmem_shared>> -> memref<40x128xf32, #tpu.memory_space<vmem_shared>>
    tpu.wait_dma2 semaphore(%arg13 : memref<!tpu.dma_semaphore, #tpu.memory_space<semaphore_mem>>) src(%dma_wait3A_238 : memref<40x128xf32, #tpu.memory_space<vmem_shared>>) dst(%arg8 : memref<40x128xf32, #tpu.memory_space<vmem>>)
    %add3A_239 = arith.constant 120 : i32
    %add3A_240 = arith.addi %add3A_164, %add3A_239 : i32
    %dma_start3A_241 = arith.constant 0 : i32
    %dma_start3A_242 = tpu.memref_slice %arg4[%add3A_240, %dma_start3A_241] : memref<20000x128xf32, #tpu.memory_space<hbm>> -> memref<40x128xf32, #tpu.memory_space<hbm>>
    %dma_start3A_243 = arith.constant 0 : i32
    %dma_start3A_244 = tpu.memref_slice %arg4[%add3A_240, %dma_start3A_243] : memref<20000x128xf32, #tpu.memory_space<hbm>> -> memref<40x128xf32, #tpu.memory_space<hbm>>
    tpu.enqueue_dma source(%arg8 : memref<40x128xf32, #tpu.memory_space<vmem>>) target(%dma_start3A_244 : memref<40x128xf32, #tpu.memory_space<hbm>>) target_semaphore(%arg18 : memref<!tpu.dma_semaphore, #tpu.memory_space<semaphore_mem>>)
    %dma_wait3A_245 = arith.constant 0 : i32
    %dma_wait3A_246 = tpu.memref_slice %arg4[%add3A_164, %dma_wait3A_245] : memref<20000x128xf32, #tpu.memory_space<hbm>> -> memref<40x128xf32, #tpu.memory_space<hbm>>
    %dma_wait3A_247 = arith.constant 0 : i32
    %dma_wait3A_248 = tpu.memref_slice %arg4[%add3A_164, %dma_wait3A_247] : memref<20000x128xf32, #tpu.memory_space<hbm>> -> memref<40x128xf32, #tpu.memory_space<hbm>>
    tpu.wait_dma2 semaphore(%arg17 : memref<!tpu.dma_semaphore, #tpu.memory_space<semaphore_mem>>) src(%arg7 : memref<40x128xf32, #tpu.memory_space<vmem>>) dst(%dma_wait3A_248 : memref<40x128xf32, #tpu.memory_space<hbm>>)
    %add3A_249 = arith.constant 160 : i32
    %add3A_250 = arith.addi %mul3A_40, %add3A_249 : i32
    %dma_start3A_251 = arith.constant 0 : i32
    %dma_start3A_252 = tpu.memref_slice %arg23[%add3A_250, %dma_start3A_251] : memref<10000x128xf32, #tpu.memory_space<vmem_shared>> -> memref<40x128xf32, #tpu.memory_space<vmem_shared>>
    %dma_start3A_253 = arith.constant 0 : i32
    %dma_start3A_254 = tpu.memref_slice %arg23[%add3A_250, %dma_start3A_253] : memref<10000x128xf32, #tpu.memory_space<vmem_shared>> -> memref<40x128xf32, #tpu.memory_space<vmem_shared>>
    tpu.enqueue_dma source(%dma_start3A_254 : memref<40x128xf32, #tpu.memory_space<vmem_shared>>) target(%arg7 : memref<40x128xf32, #tpu.memory_space<vmem>>) target_semaphore(%arg12 : memref<!tpu.dma_semaphore, #tpu.memory_space<semaphore_mem>>)
    %add3A_255 = arith.constant 160 : i32
    %add3A_256 = arith.addi %mul3A_40, %add3A_255 : i32
    %dma_wait3A_257 = arith.constant 0 : i32
    %dma_wait3A_258 = tpu.memref_slice %arg23[%add3A_256, %dma_wait3A_257] : memref<10000x128xf32, #tpu.memory_space<vmem_shared>> -> memref<40x128xf32, #tpu.memory_space<vmem_shared>>
    %dma_wait3A_259 = arith.constant 0 : i32
    %dma_wait3A_260 = tpu.memref_slice %arg23[%add3A_256, %dma_wait3A_259] : memref<10000x128xf32, #tpu.memory_space<vmem_shared>> -> memref<40x128xf32, #tpu.memory_space<vmem_shared>>
    tpu.wait_dma2 semaphore(%arg12 : memref<!tpu.dma_semaphore, #tpu.memory_space<semaphore_mem>>) src(%dma_wait3A_260 : memref<40x128xf32, #tpu.memory_space<vmem_shared>>) dst(%arg7 : memref<40x128xf32, #tpu.memory_space<vmem>>)
    %add3A_261 = arith.constant 160 : i32
    %add3A_262 = arith.addi %add3A_164, %add3A_261 : i32
    %dma_start3A_263 = arith.constant 0 : i32
    %dma_start3A_264 = tpu.memref_slice %arg4[%add3A_262, %dma_start3A_263] : memref<20000x128xf32, #tpu.memory_space<hbm>> -> memref<40x128xf32, #tpu.memory_space<hbm>>
    %dma_start3A_265 = arith.constant 0 : i32
    %dma_start3A_266 = tpu.memref_slice %arg4[%add3A_262, %dma_start3A_265] : memref<20000x128xf32, #tpu.memory_space<hbm>> -> memref<40x128xf32, #tpu.memory_space<hbm>>
    tpu.enqueue_dma source(%arg7 : memref<40x128xf32, #tpu.memory_space<vmem>>) target(%dma_start3A_266 : memref<40x128xf32, #tpu.memory_space<hbm>>) target_semaphore(%arg17 : memref<!tpu.dma_semaphore, #tpu.memory_space<semaphore_mem>>)
    %dma_wait3A_267 = arith.constant 0 : i32
    %dma_wait3A_268 = tpu.memref_slice %arg4[%add3A_164, %dma_wait3A_267] : memref<20000x128xf32, #tpu.memory_space<hbm>> -> memref<40x128xf32, #tpu.memory_space<hbm>>
    %dma_wait3A_269 = arith.constant 0 : i32
    %dma_wait3A_270 = tpu.memref_slice %arg4[%add3A_164, %dma_wait3A_269] : memref<20000x128xf32, #tpu.memory_space<hbm>> -> memref<40x128xf32, #tpu.memory_space<hbm>>
    tpu.wait_dma2 semaphore(%arg18 : memref<!tpu.dma_semaphore, #tpu.memory_space<semaphore_mem>>) src(%arg8 : memref<40x128xf32, #tpu.memory_space<vmem>>) dst(%dma_wait3A_270 : memref<40x128xf32, #tpu.memory_space<hbm>>)
    %add3A_271 = arith.constant 200 : i32
    %add3A_272 = arith.addi %mul3A_40, %add3A_271 : i32
    %dma_start3A_273 = arith.constant 0 : i32
    %dma_start3A_274 = tpu.memref_slice %arg23[%add3A_272, %dma_start3A_273] : memref<10000x128xf32, #tpu.memory_space<vmem_shared>> -> memref<40x128xf32, #tpu.memory_space<vmem_shared>>
    %dma_start3A_275 = arith.constant 0 : i32
    %dma_start3A_276 = tpu.memref_slice %arg23[%add3A_272, %dma_start3A_275] : memref<10000x128xf32, #tpu.memory_space<vmem_shared>> -> memref<40x128xf32, #tpu.memory_space<vmem_shared>>
    tpu.enqueue_dma source(%dma_start3A_276 : memref<40x128xf32, #tpu.memory_space<vmem_shared>>) target(%arg8 : memref<40x128xf32, #tpu.memory_space<vmem>>) target_semaphore(%arg13 : memref<!tpu.dma_semaphore, #tpu.memory_space<semaphore_mem>>)
    %add3A_277 = arith.constant 200 : i32
    %add3A_278 = arith.addi %mul3A_40, %add3A_277 : i32
    %dma_wait3A_279 = arith.constant 0 : i32
    %dma_wait3A_280 = tpu.memref_slice %arg23[%add3A_278, %dma_wait3A_279] : memref<10000x128xf32, #tpu.memory_space<vmem_shared>> -> memref<40x128xf32, #tpu.memory_space<vmem_shared>>
    %dma_wait3A_281 = arith.constant 0 : i32
    %dma_wait3A_282 = tpu.memref_slice %arg23[%add3A_278, %dma_wait3A_281] : memref<10000x128xf32, #tpu.memory_space<vmem_shared>> -> memref<40x128xf32, #tpu.memory_space<vmem_shared>>
    tpu.wait_dma2 semaphore(%arg13 : memref<!tpu.dma_semaphore, #tpu.memory_space<semaphore_mem>>) src(%dma_wait3A_282 : memref<40x128xf32, #tpu.memory_space<vmem_shared>>) dst(%arg8 : memref<40x128xf32, #tpu.memory_space<vmem>>)
    %add3A_283 = arith.constant 200 : i32
    %add3A_284 = arith.addi %add3A_164, %add3A_283 : i32
    %dma_start3A_285 = arith.constant 0 : i32
    %dma_start3A_286 = tpu.memref_slice %arg4[%add3A_284, %dma_start3A_285] : memref<20000x128xf32, #tpu.memory_space<hbm>> -> memref<40x128xf32, #tpu.memory_space<hbm>>
    %dma_start3A_287 = arith.constant 0 : i32
    %dma_start3A_288 = tpu.memref_slice %arg4[%add3A_284, %dma_start3A_287] : memref<20000x128xf32, #tpu.memory_space<hbm>> -> memref<40x128xf32, #tpu.memory_space<hbm>>
    tpu.enqueue_dma source(%arg8 : memref<40x128xf32, #tpu.memory_space<vmem>>) target(%dma_start3A_288 : memref<40x128xf32, #tpu.memory_space<hbm>>) target_semaphore(%arg18 : memref<!tpu.dma_semaphore, #tpu.memory_space<semaphore_mem>>)
    %dma_wait3A_289 = arith.constant 0 : i32
    %dma_wait3A_290 = tpu.memref_slice %arg4[%add3A_164, %dma_wait3A_289] : memref<20000x128xf32, #tpu.memory_space<hbm>> -> memref<40x128xf32, #tpu.memory_space<hbm>>
    %dma_wait3A_291 = arith.constant 0 : i32
    %dma_wait3A_292 = tpu.memref_slice %arg4[%add3A_164, %dma_wait3A_291] : memref<20000x128xf32, #tpu.memory_space<hbm>> -> memref<40x128xf32, #tpu.memory_space<hbm>>
    tpu.wait_dma2 semaphore(%arg17 : memref<!tpu.dma_semaphore, #tpu.memory_space<semaphore_mem>>) src(%arg7 : memref<40x128xf32, #tpu.memory_space<vmem>>) dst(%dma_wait3A_292 : memref<40x128xf32, #tpu.memory_space<hbm>>)
    %add3A_293 = arith.constant 240 : i32
    %add3A_294 = arith.addi %mul3A_40, %add3A_293 : i32
    %dma_start3A_295 = arith.constant 0 : i32
    %dma_start3A_296 = tpu.memref_slice %arg23[%add3A_294, %dma_start3A_295] : memref<10000x128xf32, #tpu.memory_space<vmem_shared>> -> memref<40x128xf32, #tpu.memory_space<vmem_shared>>
    %dma_start3A_297 = arith.constant 0 : i32
    %dma_start3A_298 = tpu.memref_slice %arg23[%add3A_294, %dma_start3A_297] : memref<10000x128xf32, #tpu.memory_space<vmem_shared>> -> memref<40x128xf32, #tpu.memory_space<vmem_shared>>
    tpu.enqueue_dma source(%dma_start3A_298 : memref<40x128xf32, #tpu.memory_space<vmem_shared>>) target(%arg7 : memref<40x128xf32, #tpu.memory_space<vmem>>) target_semaphore(%arg12 : memref<!tpu.dma_semaphore, #tpu.memory_space<semaphore_mem>>)
    %add3A_299 = arith.constant 240 : i32
    %add3A_300 = arith.addi %mul3A_40, %add3A_299 : i32
    %dma_wait3A_301 = arith.constant 0 : i32
    %dma_wait3A_302 = tpu.memref_slice %arg23[%add3A_300, %dma_wait3A_301] : memref<10000x128xf32, #tpu.memory_space<vmem_shared>> -> memref<40x128xf32, #tpu.memory_space<vmem_shared>>
    %dma_wait3A_303 = arith.constant 0 : i32
    %dma_wait3A_304 = tpu.memref_slice %arg23[%add3A_300, %dma_wait3A_303] : memref<10000x128xf32, #tpu.memory_space<vmem_shared>> -> memref<40x128xf32, #tpu.memory_space<vmem_shared>>
    tpu.wait_dma2 semaphore(%arg12 : memref<!tpu.dma_semaphore, #tpu.memory_space<semaphore_mem>>) src(%dma_wait3A_304 : memref<40x128xf32, #tpu.memory_space<vmem_shared>>) dst(%arg7 : memref<40x128xf32, #tpu.memory_space<vmem>>)
    %add3A_305 = arith.constant 240 : i32
    %add3A_306 = arith.addi %add3A_164, %add3A_305 : i32
    %dma_start3A_307 = arith.constant 0 : i32
    %dma_start3A_308 = tpu.memref_slice %arg4[%add3A_306, %dma_start3A_307] : memref<20000x128xf32, #tpu.memory_space<hbm>> -> memref<40x128xf32, #tpu.memory_space<hbm>>
    %dma_start3A_309 = arith.constant 0 : i32
    %dma_start3A_310 = tpu.memref_slice %arg4[%add3A_306, %dma_start3A_309] : memref<20000x128xf32, #tpu.memory_space<hbm>> -> memref<40x128xf32, #tpu.memory_space<hbm>>
    tpu.enqueue_dma source(%arg7 : memref<40x128xf32, #tpu.memory_space<vmem>>) target(%dma_start3A_310 : memref<40x128xf32, #tpu.memory_space<hbm>>) target_semaphore(%arg17 : memref<!tpu.dma_semaphore, #tpu.memory_space<semaphore_mem>>)
    %dma_wait3A_311 = arith.constant 0 : i32
    %dma_wait3A_312 = tpu.memref_slice %arg4[%add3A_164, %dma_wait3A_311] : memref<20000x128xf32, #tpu.memory_space<hbm>> -> memref<40x128xf32, #tpu.memory_space<hbm>>
    %dma_wait3A_313 = arith.constant 0 : i32
    %dma_wait3A_314 = tpu.memref_slice %arg4[%add3A_164, %dma_wait3A_313] : memref<20000x128xf32, #tpu.memory_space<hbm>> -> memref<40x128xf32, #tpu.memory_space<hbm>>
    tpu.wait_dma2 semaphore(%arg18 : memref<!tpu.dma_semaphore, #tpu.memory_space<semaphore_mem>>) src(%arg8 : memref<40x128xf32, #tpu.memory_space<vmem>>) dst(%dma_wait3A_314 : memref<40x128xf32, #tpu.memory_space<hbm>>)
    %add3A_315 = arith.constant 280 : i32
    %add3A_316 = arith.addi %mul3A_40, %add3A_315 : i32
    %dma_start3A_317 = arith.constant 0 : i32
    %dma_start3A_318 = tpu.memref_slice %arg23[%add3A_316, %dma_start3A_317] : memref<10000x128xf32, #tpu.memory_space<vmem_shared>> -> memref<40x128xf32, #tpu.memory_space<vmem_shared>>
    %dma_start3A_319 = arith.constant 0 : i32
    %dma_start3A_320 = tpu.memref_slice %arg23[%add3A_316, %dma_start3A_319] : memref<10000x128xf32, #tpu.memory_space<vmem_shared>> -> memref<40x128xf32, #tpu.memory_space<vmem_shared>>
    tpu.enqueue_dma source(%dma_start3A_320 : memref<40x128xf32, #tpu.memory_space<vmem_shared>>) target(%arg8 : memref<40x128xf32, #tpu.memory_space<vmem>>) target_semaphore(%arg13 : memref<!tpu.dma_semaphore, #tpu.memory_space<semaphore_mem>>)
    %add3A_321 = arith.constant 280 : i32
    %add3A_322 = arith.addi %mul3A_40, %add3A_321 : i32
    %dma_wait3A_323 = arith.constant 0 : i32
    %dma_wait3A_324 = tpu.memref_slice %arg23[%add3A_322, %dma_wait3A_323] : memref<10000x128xf32, #tpu.memory_space<vmem_shared>> -> memref<40x128xf32, #tpu.memory_space<vmem_shared>>
    %dma_wait3A_325 = arith.constant 0 : i32
    %dma_wait3A_326 = tpu.memref_slice %arg23[%add3A_322, %dma_wait3A_325] : memref<10000x128xf32, #tpu.memory_space<vmem_shared>> -> memref<40x128xf32, #tpu.memory_space<vmem_shared>>
    tpu.wait_dma2 semaphore(%arg13 : memref<!tpu.dma_semaphore, #tpu.memory_space<semaphore_mem>>) src(%dma_wait3A_326 : memref<40x128xf32, #tpu.memory_space<vmem_shared>>) dst(%arg8 : memref<40x128xf32, #tpu.memory_space<vmem>>)
    %add3A_327 = arith.constant 280 : i32
    %add3A_328 = arith.addi %add3A_164, %add3A_327 : i32
    %dma_start3A_329 = arith.constant 0 : i32
    %dma_start3A_330 = tpu.memref_slice %arg4[%add3A_328, %dma_start3A_329] : memref<20000x128xf32, #tpu.memory_space<hbm>> -> memref<40x128xf32, #tpu.memory_space<hbm>>
    %dma_start3A_331 = arith.constant 0 : i32
    %dma_start3A_332 = tpu.memref_slice %arg4[%add3A_328, %dma_start3A_331] : memref<20000x128xf32, #tpu.memory_space<hbm>> -> memref<40x128xf32, #tpu.memory_space<hbm>>
    tpu.enqueue_dma source(%arg8 : memref<40x128xf32, #tpu.memory_space<vmem>>) target(%dma_start3A_332 : memref<40x128xf32, #tpu.memory_space<hbm>>) target_semaphore(%arg18 : memref<!tpu.dma_semaphore, #tpu.memory_space<semaphore_mem>>)
    %dma_wait3A_333 = arith.constant 0 : i32
    %dma_wait3A_334 = tpu.memref_slice %arg4[%add3A_164, %dma_wait3A_333] : memref<20000x128xf32, #tpu.memory_space<hbm>> -> memref<40x128xf32, #tpu.memory_space<hbm>>
    %dma_wait3A_335 = arith.constant 0 : i32
    %dma_wait3A_336 = tpu.memref_slice %arg4[%add3A_164, %dma_wait3A_335] : memref<20000x128xf32, #tpu.memory_space<hbm>> -> memref<40x128xf32, #tpu.memory_space<hbm>>
    tpu.wait_dma2 semaphore(%arg17 : memref<!tpu.dma_semaphore, #tpu.memory_space<semaphore_mem>>) src(%arg7 : memref<40x128xf32, #tpu.memory_space<vmem>>) dst(%dma_wait3A_336 : memref<40x128xf32, #tpu.memory_space<hbm>>)
    %add3A_337 = arith.constant 320 : i32
    %add3A_338 = arith.addi %mul3A_40, %add3A_337 : i32
    %dma_start3A_339 = arith.constant 0 : i32
    %dma_start3A_340 = tpu.memref_slice %arg23[%add3A_338, %dma_start3A_339] : memref<10000x128xf32, #tpu.memory_space<vmem_shared>> -> memref<40x128xf32, #tpu.memory_space<vmem_shared>>
    %dma_start3A_341 = arith.constant 0 : i32
    %dma_start3A_342 = tpu.memref_slice %arg23[%add3A_338, %dma_start3A_341] : memref<10000x128xf32, #tpu.memory_space<vmem_shared>> -> memref<40x128xf32, #tpu.memory_space<vmem_shared>>
    tpu.enqueue_dma source(%dma_start3A_342 : memref<40x128xf32, #tpu.memory_space<vmem_shared>>) target(%arg7 : memref<40x128xf32, #tpu.memory_space<vmem>>) target_semaphore(%arg12 : memref<!tpu.dma_semaphore, #tpu.memory_space<semaphore_mem>>)
    %add3A_343 = arith.constant 320 : i32
    %add3A_344 = arith.addi %mul3A_40, %add3A_343 : i32
    %dma_wait3A_345 = arith.constant 0 : i32
    %dma_wait3A_346 = tpu.memref_slice %arg23[%add3A_344, %dma_wait3A_345] : memref<10000x128xf32, #tpu.memory_space<vmem_shared>> -> memref<40x128xf32, #tpu.memory_space<vmem_shared>>
    %dma_wait3A_347 = arith.constant 0 : i32
    %dma_wait3A_348 = tpu.memref_slice %arg23[%add3A_344, %dma_wait3A_347] : memref<10000x128xf32, #tpu.memory_space<vmem_shared>> -> memref<40x128xf32, #tpu.memory_space<vmem_shared>>
    tpu.wait_dma2 semaphore(%arg12 : memref<!tpu.dma_semaphore, #tpu.memory_space<semaphore_mem>>) src(%dma_wait3A_348 : memref<40x128xf32, #tpu.memory_space<vmem_shared>>) dst(%arg7 : memref<40x128xf32, #tpu.memory_space<vmem>>)
    %add3A_349 = arith.constant 320 : i32
    %add3A_350 = arith.addi %add3A_164, %add3A_349 : i32
    %dma_start3A_351 = arith.constant 0 : i32
    %dma_start3A_352 = tpu.memref_slice %arg4[%add3A_350, %dma_start3A_351] : memref<20000x128xf32, #tpu.memory_space<hbm>> -> memref<40x128xf32, #tpu.memory_space<hbm>>
    %dma_start3A_353 = arith.constant 0 : i32
    %dma_start3A_354 = tpu.memref_slice %arg4[%add3A_350, %dma_start3A_353] : memref<20000x128xf32, #tpu.memory_space<hbm>> -> memref<40x128xf32, #tpu.memory_space<hbm>>
    tpu.enqueue_dma source(%arg7 : memref<40x128xf32, #tpu.memory_space<vmem>>) target(%dma_start3A_354 : memref<40x128xf32, #tpu.memory_space<hbm>>) target_semaphore(%arg17 : memref<!tpu.dma_semaphore, #tpu.memory_space<semaphore_mem>>)
    %dma_wait3A_355 = arith.constant 0 : i32
    %dma_wait3A_356 = tpu.memref_slice %arg4[%add3A_164, %dma_wait3A_355] : memref<20000x128xf32, #tpu.memory_space<hbm>> -> memref<40x128xf32, #tpu.memory_space<hbm>>
    %dma_wait3A_357 = arith.constant 0 : i32
    %dma_wait3A_358 = tpu.memref_slice %arg4[%add3A_164, %dma_wait3A_357] : memref<20000x128xf32, #tpu.memory_space<hbm>> -> memref<40x128xf32, #tpu.memory_space<hbm>>
    tpu.wait_dma2 semaphore(%arg18 : memref<!tpu.dma_semaphore, #tpu.memory_space<semaphore_mem>>) src(%arg8 : memref<40x128xf32, #tpu.memory_space<vmem>>) dst(%dma_wait3A_358 : memref<40x128xf32, #tpu.memory_space<hbm>>)
    %add3A_359 = arith.constant 360 : i32
    %add3A_360 = arith.addi %mul3A_40, %add3A_359 : i32
    %dma_start3A_361 = arith.constant 0 : i32
    %dma_start3A_362 = tpu.memref_slice %arg23[%add3A_360, %dma_start3A_361] : memref<10000x128xf32, #tpu.memory_space<vmem_shared>> -> memref<40x128xf32, #tpu.memory_space<vmem_shared>>
    %dma_start3A_363 = arith.constant 0 : i32
    %dma_start3A_364 = tpu.memref_slice %arg23[%add3A_360, %dma_start3A_363] : memref<10000x128xf32, #tpu.memory_space<vmem_shared>> -> memref<40x128xf32, #tpu.memory_space<vmem_shared>>
    tpu.enqueue_dma source(%dma_start3A_364 : memref<40x128xf32, #tpu.memory_space<vmem_shared>>) target(%arg8 : memref<40x128xf32, #tpu.memory_space<vmem>>) target_semaphore(%arg13 : memref<!tpu.dma_semaphore, #tpu.memory_space<semaphore_mem>>)
    %add3A_365 = arith.constant 360 : i32
    %add3A_366 = arith.addi %mul3A_40, %add3A_365 : i32
    %dma_wait3A_367 = arith.constant 0 : i32
    %dma_wait3A_368 = tpu.memref_slice %arg23[%add3A_366, %dma_wait3A_367] : memref<10000x128xf32, #tpu.memory_space<vmem_shared>> -> memref<40x128xf32, #tpu.memory_space<vmem_shared>>
    %dma_wait3A_369 = arith.constant 0 : i32
    %dma_wait3A_370 = tpu.memref_slice %arg23[%add3A_366, %dma_wait3A_369] : memref<10000x128xf32, #tpu.memory_space<vmem_shared>> -> memref<40x128xf32, #tpu.memory_space<vmem_shared>>
    tpu.wait_dma2 semaphore(%arg13 : memref<!tpu.dma_semaphore, #tpu.memory_space<semaphore_mem>>) src(%dma_wait3A_370 : memref<40x128xf32, #tpu.memory_space<vmem_shared>>) dst(%arg8 : memref<40x128xf32, #tpu.memory_space<vmem>>)
    %add3A_371 = arith.constant 360 : i32
    %add3A_372 = arith.addi %add3A_164, %add3A_371 : i32
    %dma_start3A_373 = arith.constant 0 : i32
    %dma_start3A_374 = tpu.memref_slice %arg4[%add3A_372, %dma_start3A_373] : memref<20000x128xf32, #tpu.memory_space<hbm>> -> memref<40x128xf32, #tpu.memory_space<hbm>>
    %dma_start3A_375 = arith.constant 0 : i32
    %dma_start3A_376 = tpu.memref_slice %arg4[%add3A_372, %dma_start3A_375] : memref<20000x128xf32, #tpu.memory_space<hbm>> -> memref<40x128xf32, #tpu.memory_space<hbm>>
    tpu.enqueue_dma source(%arg8 : memref<40x128xf32, #tpu.memory_space<vmem>>) target(%dma_start3A_376 : memref<40x128xf32, #tpu.memory_space<hbm>>) target_semaphore(%arg18 : memref<!tpu.dma_semaphore, #tpu.memory_space<semaphore_mem>>)
    %dma_wait3A_377 = arith.constant 0 : i32
    %dma_wait3A_378 = tpu.memref_slice %arg4[%add3A_164, %dma_wait3A_377] : memref<20000x128xf32, #tpu.memory_space<hbm>> -> memref<40x128xf32, #tpu.memory_space<hbm>>
    %dma_wait3A_379 = arith.constant 0 : i32
    %dma_wait3A_380 = tpu.memref_slice %arg4[%add3A_164, %dma_wait3A_379] : memref<20000x128xf32, #tpu.memory_space<hbm>> -> memref<40x128xf32, #tpu.memory_space<hbm>>
    tpu.wait_dma2 semaphore(%arg17 : memref<!tpu.dma_semaphore, #tpu.memory_space<semaphore_mem>>) src(%arg7 : memref<40x128xf32, #tpu.memory_space<vmem>>) dst(%dma_wait3A_380 : memref<40x128xf32, #tpu.memory_space<hbm>>)
    %add3A_381 = arith.constant 400 : i32
    %add3A_382 = arith.addi %mul3A_40, %add3A_381 : i32
    %dma_start3A_383 = arith.constant 0 : i32
    %dma_start3A_384 = tpu.memref_slice %arg23[%add3A_382, %dma_start3A_383] : memref<10000x128xf32, #tpu.memory_space<vmem_shared>> -> memref<40x128xf32, #tpu.memory_space<vmem_shared>>
    %dma_start3A_385 = arith.constant 0 : i32
    %dma_start3A_386 = tpu.memref_slice %arg23[%add3A_382, %dma_start3A_385] : memref<10000x128xf32, #tpu.memory_space<vmem_shared>> -> memref<40x128xf32, #tpu.memory_space<vmem_shared>>
    tpu.enqueue_dma source(%dma_start3A_386 : memref<40x128xf32, #tpu.memory_space<vmem_shared>>) target(%arg7 : memref<40x128xf32, #tpu.memory_space<vmem>>) target_semaphore(%arg12 : memref<!tpu.dma_semaphore, #tpu.memory_space<semaphore_mem>>)
    %add3A_387 = arith.constant 400 : i32
    %add3A_388 = arith.addi %mul3A_40, %add3A_387 : i32
    %dma_wait3A_389 = arith.constant 0 : i32
    %dma_wait3A_390 = tpu.memref_slice %arg23[%add3A_388, %dma_wait3A_389] : memref<10000x128xf32, #tpu.memory_space<vmem_shared>> -> memref<40x128xf32, #tpu.memory_space<vmem_shared>>
    %dma_wait3A_391 = arith.constant 0 : i32
    %dma_wait3A_392 = tpu.memref_slice %arg23[%add3A_388, %dma_wait3A_391] : memref<10000x128xf32, #tpu.memory_space<vmem_shared>> -> memref<40x128xf32, #tpu.memory_space<vmem_shared>>
    tpu.wait_dma2 semaphore(%arg12 : memref<!tpu.dma_semaphore, #tpu.memory_space<semaphore_mem>>) src(%dma_wait3A_392 : memref<40x128xf32, #tpu.memory_space<vmem_shared>>) dst(%arg7 : memref<40x128xf32, #tpu.memory_space<vmem>>)
    %add3A_393 = arith.constant 400 : i32
    %add3A_394 = arith.addi %add3A_164, %add3A_393 : i32
    %dma_start3A_395 = arith.constant 0 : i32
    %dma_start3A_396 = tpu.memref_slice %arg4[%add3A_394, %dma_start3A_395] : memref<20000x128xf32, #tpu.memory_space<hbm>> -> memref<40x128xf32, #tpu.memory_space<hbm>>
    %dma_start3A_397 = arith.constant 0 : i32
    %dma_start3A_398 = tpu.memref_slice %arg4[%add3A_394, %dma_start3A_397] : memref<20000x128xf32, #tpu.memory_space<hbm>> -> memref<40x128xf32, #tpu.memory_space<hbm>>
    tpu.enqueue_dma source(%arg7 : memref<40x128xf32, #tpu.memory_space<vmem>>) target(%dma_start3A_398 : memref<40x128xf32, #tpu.memory_space<hbm>>) target_semaphore(%arg17 : memref<!tpu.dma_semaphore, #tpu.memory_space<semaphore_mem>>)
    %dma_wait3A_399 = arith.constant 0 : i32
    %dma_wait3A_400 = tpu.memref_slice %arg4[%add3A_164, %dma_wait3A_399] : memref<20000x128xf32, #tpu.memory_space<hbm>> -> memref<40x128xf32, #tpu.memory_space<hbm>>
    %dma_wait3A_401 = arith.constant 0 : i32
    %dma_wait3A_402 = tpu.memref_slice %arg4[%add3A_164, %dma_wait3A_401] : memref<20000x128xf32, #tpu.memory_space<hbm>> -> memref<40x128xf32, #tpu.memory_space<hbm>>
    tpu.wait_dma2 semaphore(%arg18 : memref<!tpu.dma_semaphore, #tpu.memory_space<semaphore_mem>>) src(%arg8 : memref<40x128xf32, #tpu.memory_space<vmem>>) dst(%dma_wait3A_402 : memref<40x128xf32, #tpu.memory_space<hbm>>)
    %add3A_403 = arith.constant 440 : i32
    %add3A_404 = arith.addi %mul3A_40, %add3A_403 : i32
    %dma_start3A_405 = arith.constant 0 : i32
    %dma_start3A_406 = tpu.memref_slice %arg23[%add3A_404, %dma_start3A_405] : memref<10000x128xf32, #tpu.memory_space<vmem_shared>> -> memref<40x128xf32, #tpu.memory_space<vmem_shared>>
    %dma_start3A_407 = arith.constant 0 : i32
    %dma_start3A_408 = tpu.memref_slice %arg23[%add3A_404, %dma_start3A_407] : memref<10000x128xf32, #tpu.memory_space<vmem_shared>> -> memref<40x128xf32, #tpu.memory_space<vmem_shared>>
    tpu.enqueue_dma source(%dma_start3A_408 : memref<40x128xf32, #tpu.memory_space<vmem_shared>>) target(%arg8 : memref<40x128xf32, #tpu.memory_space<vmem>>) target_semaphore(%arg13 : memref<!tpu.dma_semaphore, #tpu.memory_space<semaphore_mem>>)
    %add3A_409 = arith.constant 440 : i32
    %add3A_410 = arith.addi %mul3A_40, %add3A_409 : i32
    %dma_wait3A_411 = arith.constant 0 : i32
    %dma_wait3A_412 = tpu.memref_slice %arg23[%add3A_410, %dma_wait3A_411] : memref<10000x128xf32, #tpu.memory_space<vmem_shared>> -> memref<40x128xf32, #tpu.memory_space<vmem_shared>>
    %dma_wait3A_413 = arith.constant 0 : i32
    %dma_wait3A_414 = tpu.memref_slice %arg23[%add3A_410, %dma_wait3A_413] : memref<10000x128xf32, #tpu.memory_space<vmem_shared>> -> memref<40x128xf32, #tpu.memory_space<vmem_shared>>
    tpu.wait_dma2 semaphore(%arg13 : memref<!tpu.dma_semaphore, #tpu.memory_space<semaphore_mem>>) src(%dma_wait3A_414 : memref<40x128xf32, #tpu.memory_space<vmem_shared>>) dst(%arg8 : memref<40x128xf32, #tpu.memory_space<vmem>>)
    %add3A_415 = arith.constant 440 : i32
    %add3A_416 = arith.addi %add3A_164, %add3A_415 : i32
    %dma_start3A_417 = arith.constant 0 : i32
    %dma_start3A_418 = tpu.memref_slice %arg4[%add3A_416, %dma_start3A_417] : memref<20000x128xf32, #tpu.memory_space<hbm>> -> memref<40x128xf32, #tpu.memory_space<hbm>>
    %dma_start3A_419 = arith.constant 0 : i32
    %dma_start3A_420 = tpu.memref_slice %arg4[%add3A_416, %dma_start3A_419] : memref<20000x128xf32, #tpu.memory_space<hbm>> -> memref<40x128xf32, #tpu.memory_space<hbm>>
    tpu.enqueue_dma source(%arg8 : memref<40x128xf32, #tpu.memory_space<vmem>>) target(%dma_start3A_420 : memref<40x128xf32, #tpu.memory_space<hbm>>) target_semaphore(%arg18 : memref<!tpu.dma_semaphore, #tpu.memory_space<semaphore_mem>>)
    %dma_wait3A_421 = arith.constant 0 : i32
    %dma_wait3A_422 = tpu.memref_slice %arg4[%add3A_164, %dma_wait3A_421] : memref<20000x128xf32, #tpu.memory_space<hbm>> -> memref<40x128xf32, #tpu.memory_space<hbm>>
    %dma_wait3A_423 = arith.constant 0 : i32
    %dma_wait3A_424 = tpu.memref_slice %arg4[%add3A_164, %dma_wait3A_423] : memref<20000x128xf32, #tpu.memory_space<hbm>> -> memref<40x128xf32, #tpu.memory_space<hbm>>
    tpu.wait_dma2 semaphore(%arg17 : memref<!tpu.dma_semaphore, #tpu.memory_space<semaphore_mem>>) src(%arg7 : memref<40x128xf32, #tpu.memory_space<vmem>>) dst(%dma_wait3A_424 : memref<40x128xf32, #tpu.memory_space<hbm>>)
    %add3A_425 = arith.constant 480 : i32
    %add3A_426 = arith.addi %mul3A_40, %add3A_425 : i32
    %dma_start3A_427 = arith.constant 0 : i32
    %dma_start3A_428 = tpu.memref_slice %arg23[%add3A_426, %dma_start3A_427] : memref<10000x128xf32, #tpu.memory_space<vmem_shared>> -> memref<40x128xf32, #tpu.memory_space<vmem_shared>>
    %dma_start3A_429 = arith.constant 0 : i32
    %dma_start3A_430 = tpu.memref_slice %arg23[%add3A_426, %dma_start3A_429] : memref<10000x128xf32, #tpu.memory_space<vmem_shared>> -> memref<40x128xf32, #tpu.memory_space<vmem_shared>>
    tpu.enqueue_dma source(%dma_start3A_430 : memref<40x128xf32, #tpu.memory_space<vmem_shared>>) target(%arg7 : memref<40x128xf32, #tpu.memory_space<vmem>>) target_semaphore(%arg12 : memref<!tpu.dma_semaphore, #tpu.memory_space<semaphore_mem>>)
    %add3A_431 = arith.constant 480 : i32
    %add3A_432 = arith.addi %mul3A_40, %add3A_431 : i32
    %dma_wait3A_433 = arith.constant 0 : i32
    %dma_wait3A_434 = tpu.memref_slice %arg23[%add3A_432, %dma_wait3A_433] : memref<10000x128xf32, #tpu.memory_space<vmem_shared>> -> memref<40x128xf32, #tpu.memory_space<vmem_shared>>
    %dma_wait3A_435 = arith.constant 0 : i32
    %dma_wait3A_436 = tpu.memref_slice %arg23[%add3A_432, %dma_wait3A_435] : memref<10000x128xf32, #tpu.memory_space<vmem_shared>> -> memref<40x128xf32, #tpu.memory_space<vmem_shared>>
    tpu.wait_dma2 semaphore(%arg12 : memref<!tpu.dma_semaphore, #tpu.memory_space<semaphore_mem>>) src(%dma_wait3A_436 : memref<40x128xf32, #tpu.memory_space<vmem_shared>>) dst(%arg7 : memref<40x128xf32, #tpu.memory_space<vmem>>)
    %add3A_437 = arith.constant 480 : i32
    %add3A_438 = arith.addi %add3A_164, %add3A_437 : i32
    %dma_start3A_439 = arith.constant 0 : i32
    %dma_start3A_440 = tpu.memref_slice %arg4[%add3A_438, %dma_start3A_439] : memref<20000x128xf32, #tpu.memory_space<hbm>> -> memref<40x128xf32, #tpu.memory_space<hbm>>
    %dma_start3A_441 = arith.constant 0 : i32
    %dma_start3A_442 = tpu.memref_slice %arg4[%add3A_438, %dma_start3A_441] : memref<20000x128xf32, #tpu.memory_space<hbm>> -> memref<40x128xf32, #tpu.memory_space<hbm>>
    tpu.enqueue_dma source(%arg7 : memref<40x128xf32, #tpu.memory_space<vmem>>) target(%dma_start3A_442 : memref<40x128xf32, #tpu.memory_space<hbm>>) target_semaphore(%arg17 : memref<!tpu.dma_semaphore, #tpu.memory_space<semaphore_mem>>)
    %dma_wait3A_443 = arith.constant 0 : i32
    %dma_wait3A_444 = tpu.memref_slice %arg4[%add3A_164, %dma_wait3A_443] : memref<20000x128xf32, #tpu.memory_space<hbm>> -> memref<40x128xf32, #tpu.memory_space<hbm>>
    %dma_wait3A_445 = arith.constant 0 : i32
    %dma_wait3A_446 = tpu.memref_slice %arg4[%add3A_164, %dma_wait3A_445] : memref<20000x128xf32, #tpu.memory_space<hbm>> -> memref<40x128xf32, #tpu.memory_space<hbm>>
    tpu.wait_dma2 semaphore(%arg18 : memref<!tpu.dma_semaphore, #tpu.memory_space<semaphore_mem>>) src(%arg8 : memref<40x128xf32, #tpu.memory_space<vmem>>) dst(%dma_wait3A_446 : memref<40x128xf32, #tpu.memory_space<hbm>>)
    %add3A_447 = arith.constant 520 : i32
    %add3A_448 = arith.addi %mul3A_40, %add3A_447 : i32
    %dma_start3A_449 = arith.constant 0 : i32
    %dma_start3A_450 = tpu.memref_slice %arg23[%add3A_448, %dma_start3A_449] : memref<10000x128xf32, #tpu.memory_space<vmem_shared>> -> memref<40x128xf32, #tpu.memory_space<vmem_shared>>
    %dma_start3A_451 = arith.constant 0 : i32
    %dma_start3A_452 = tpu.memref_slice %arg23[%add3A_448, %dma_start3A_451] : memref<10000x128xf32, #tpu.memory_space<vmem_shared>> -> memref<40x128xf32, #tpu.memory_space<vmem_shared>>
    tpu.enqueue_dma source(%dma_start3A_452 : memref<40x128xf32, #tpu.memory_space<vmem_shared>>) target(%arg8 : memref<40x128xf32, #tpu.memory_space<vmem>>) target_semaphore(%arg13 : memref<!tpu.dma_semaphore, #tpu.memory_space<semaphore_mem>>)
    %add3A_453 = arith.constant 520 : i32
    %add3A_454 = arith.addi %mul3A_40, %add3A_453 : i32
    %dma_wait3A_455 = arith.constant 0 : i32
    %dma_wait3A_456 = tpu.memref_slice %arg23[%add3A_454, %dma_wait3A_455] : memref<10000x128xf32, #tpu.memory_space<vmem_shared>> -> memref<40x128xf32, #tpu.memory_space<vmem_shared>>
    %dma_wait3A_457 = arith.constant 0 : i32
    %dma_wait3A_458 = tpu.memref_slice %arg23[%add3A_454, %dma_wait3A_457] : memref<10000x128xf32, #tpu.memory_space<vmem_shared>> -> memref<40x128xf32, #tpu.memory_space<vmem_shared>>
    tpu.wait_dma2 semaphore(%arg13 : memref<!tpu.dma_semaphore, #tpu.memory_space<semaphore_mem>>) src(%dma_wait3A_458 : memref<40x128xf32, #tpu.memory_space<vmem_shared>>) dst(%arg8 : memref<40x128xf32, #tpu.memory_space<vmem>>)
    %add3A_459 = arith.constant 520 : i32
    %add3A_460 = arith.addi %add3A_164, %add3A_459 : i32
    %dma_start3A_461 = arith.constant 0 : i32
    %dma_start3A_462 = tpu.memref_slice %arg4[%add3A_460, %dma_start3A_461] : memref<20000x128xf32, #tpu.memory_space<hbm>> -> memref<40x128xf32, #tpu.memory_space<hbm>>
    %dma_start3A_463 = arith.constant 0 : i32
    %dma_start3A_464 = tpu.memref_slice %arg4[%add3A_460, %dma_start3A_463] : memref<20000x128xf32, #tpu.memory_space<hbm>> -> memref<40x128xf32, #tpu.memory_space<hbm>>
    tpu.enqueue_dma source(%arg8 : memref<40x128xf32, #tpu.memory_space<vmem>>) target(%dma_start3A_464 : memref<40x128xf32, #tpu.memory_space<hbm>>) target_semaphore(%arg18 : memref<!tpu.dma_semaphore, #tpu.memory_space<semaphore_mem>>)
    %dma_wait3A_465 = arith.constant 0 : i32
    %dma_wait3A_466 = tpu.memref_slice %arg4[%add3A_164, %dma_wait3A_465] : memref<20000x128xf32, #tpu.memory_space<hbm>> -> memref<40x128xf32, #tpu.memory_space<hbm>>
    %dma_wait3A_467 = arith.constant 0 : i32
    %dma_wait3A_468 = tpu.memref_slice %arg4[%add3A_164, %dma_wait3A_467] : memref<20000x128xf32, #tpu.memory_space<hbm>> -> memref<40x128xf32, #tpu.memory_space<hbm>>
    tpu.wait_dma2 semaphore(%arg17 : memref<!tpu.dma_semaphore, #tpu.memory_space<semaphore_mem>>) src(%arg7 : memref<40x128xf32, #tpu.memory_space<vmem>>) dst(%dma_wait3A_468 : memref<40x128xf32, #tpu.memory_space<hbm>>)
    %add3A_469 = arith.constant 560 : i32
    %add3A_470 = arith.addi %mul3A_40, %add3A_469 : i32
    %dma_start3A_471 = arith.constant 0 : i32
    %dma_start3A_472 = tpu.memref_slice %arg23[%add3A_470, %dma_start3A_471] : memref<10000x128xf32, #tpu.memory_space<vmem_shared>> -> memref<40x128xf32, #tpu.memory_space<vmem_shared>>
    %dma_start3A_473 = arith.constant 0 : i32
    %dma_start3A_474 = tpu.memref_slice %arg23[%add3A_470, %dma_start3A_473] : memref<10000x128xf32, #tpu.memory_space<vmem_shared>> -> memref<40x128xf32, #tpu.memory_space<vmem_shared>>
    tpu.enqueue_dma source(%dma_start3A_474 : memref<40x128xf32, #tpu.memory_space<vmem_shared>>) target(%arg7 : memref<40x128xf32, #tpu.memory_space<vmem>>) target_semaphore(%arg12 : memref<!tpu.dma_semaphore, #tpu.memory_space<semaphore_mem>>)
    %add3A_475 = arith.constant 560 : i32
    %add3A_476 = arith.addi %mul3A_40, %add3A_475 : i32
    %dma_wait3A_477 = arith.constant 0 : i32
    %dma_wait3A_478 = tpu.memref_slice %arg23[%add3A_476, %dma_wait3A_477] : memref<10000x128xf32, #tpu.memory_space<vmem_shared>> -> memref<40x128xf32, #tpu.memory_space<vmem_shared>>
    %dma_wait3A_479 = arith.constant 0 : i32
    %dma_wait3A_480 = tpu.memref_slice %arg23[%add3A_476, %dma_wait3A_479] : memref<10000x128xf32, #tpu.memory_space<vmem_shared>> -> memref<40x128xf32, #tpu.memory_space<vmem_shared>>
    tpu.wait_dma2 semaphore(%arg12 : memref<!tpu.dma_semaphore, #tpu.memory_space<semaphore_mem>>) src(%dma_wait3A_480 : memref<40x128xf32, #tpu.memory_space<vmem_shared>>) dst(%arg7 : memref<40x128xf32, #tpu.memory_space<vmem>>)
    %add3A_481 = arith.constant 560 : i32
    %add3A_482 = arith.addi %add3A_164, %add3A_481 : i32
    %dma_start3A_483 = arith.constant 0 : i32
    %dma_start3A_484 = tpu.memref_slice %arg4[%add3A_482, %dma_start3A_483] : memref<20000x128xf32, #tpu.memory_space<hbm>> -> memref<40x128xf32, #tpu.memory_space<hbm>>
    %dma_start3A_485 = arith.constant 0 : i32
    %dma_start3A_486 = tpu.memref_slice %arg4[%add3A_482, %dma_start3A_485] : memref<20000x128xf32, #tpu.memory_space<hbm>> -> memref<40x128xf32, #tpu.memory_space<hbm>>
    tpu.enqueue_dma source(%arg7 : memref<40x128xf32, #tpu.memory_space<vmem>>) target(%dma_start3A_486 : memref<40x128xf32, #tpu.memory_space<hbm>>) target_semaphore(%arg17 : memref<!tpu.dma_semaphore, #tpu.memory_space<semaphore_mem>>)
    %dma_wait3A_487 = arith.constant 0 : i32
    %dma_wait3A_488 = tpu.memref_slice %arg4[%add3A_164, %dma_wait3A_487] : memref<20000x128xf32, #tpu.memory_space<hbm>> -> memref<40x128xf32, #tpu.memory_space<hbm>>
    %dma_wait3A_489 = arith.constant 0 : i32
    %dma_wait3A_490 = tpu.memref_slice %arg4[%add3A_164, %dma_wait3A_489] : memref<20000x128xf32, #tpu.memory_space<hbm>> -> memref<40x128xf32, #tpu.memory_space<hbm>>
    tpu.wait_dma2 semaphore(%arg17 : memref<!tpu.dma_semaphore, #tpu.memory_space<semaphore_mem>>) src(%arg7 : memref<40x128xf32, #tpu.memory_space<vmem>>) dst(%dma_wait3A_490 : memref<40x128xf32, #tpu.memory_space<hbm>>)
    %dma_wait3A_491 = arith.constant 0 : i32
    %dma_wait3A_492 = tpu.memref_slice %arg4[%add3A_164, %dma_wait3A_491] : memref<20000x128xf32, #tpu.memory_space<hbm>> -> memref<40x128xf32, #tpu.memory_space<hbm>>
    %dma_wait3A_493 = arith.constant 0 : i32
    %dma_wait3A_494 = tpu.memref_slice %arg4[%add3A_164, %dma_wait3A_493] : memref<20000x128xf32, #tpu.memory_space<hbm>> -> memref<40x128xf32, #tpu.memory_space<hbm>>
    tpu.wait_dma2 semaphore(%arg18 : memref<!tpu.dma_semaphore, #tpu.memory_space<semaphore_mem>>) src(%arg8 : memref<40x128xf32, #tpu.memory_space<vmem>>) dst(%dma_wait3A_494 : memref<40x128xf32, #tpu.memory_space<hbm>>)
    %add3A_495 = arith.constant 600 : i32
    %add3A_496 = arith.addi %mul3A_40, %add3A_495 : i32
    "tpu.region"() ({
      %run_scoped3A = tpu.sem_alloc : memref<!tpu.dma_semaphore, #tpu.memory_space<semaphore_mem>>
      %dma_start3A_504 = arith.constant 0 : i32
      %dma_start3A_505 = arith.constant 0 : i32
      %dma_start3A_506 = tpu.memref_slice %arg7[%dma_start3A_504, %dma_start3A_505] : memref<40x128xf32, #tpu.memory_space<vmem>> -> memref<24x128xf32, #tpu.memory_space<vmem>>
      %dma_start3A_507 = arith.constant 0 : i32
      %dma_start3A_508 = tpu.memref_slice %arg23[%add3A_496, %dma_start3A_507] : memref<10000x128xf32, #tpu.memory_space<vmem_shared>> -> memref<24x128xf32, #tpu.memory_space<vmem_shared>>
      %dma_start3A_509 = arith.constant 0 : i32
      %dma_start3A_510 = arith.constant 0 : i32
      %dma_start3A_511 = tpu.memref_slice %arg7[%dma_start3A_509, %dma_start3A_510] : memref<40x128xf32, #tpu.memory_space<vmem>> -> memref<24x128xf32, #tpu.memory_space<vmem>>
      %dma_start3A_512 = arith.constant 0 : i32
      %dma_start3A_513 = tpu.memref_slice %arg23[%add3A_496, %dma_start3A_512] : memref<10000x128xf32, #tpu.memory_space<vmem_shared>> -> memref<24x128xf32, #tpu.memory_space<vmem_shared>>
      tpu.enqueue_dma source(%dma_start3A_513 : memref<24x128xf32, #tpu.memory_space<vmem_shared>>) target(%dma_start3A_511 : memref<24x128xf32, #tpu.memory_space<vmem>>) target_semaphore(%run_scoped3A : memref<!tpu.dma_semaphore, #tpu.memory_space<semaphore_mem>>)
      %dma_wait3A_514 = arith.constant 0 : i32
      %dma_wait3A_515 = arith.constant 0 : i32
      %dma_wait3A_516 = tpu.memref_slice %arg7[%dma_wait3A_514, %dma_wait3A_515] : memref<40x128xf32, #tpu.memory_space<vmem>> -> memref<24x128xf32, #tpu.memory_space<vmem>>
      %dma_wait3A_517 = arith.constant 0 : i32
      %dma_wait3A_518 = tpu.memref_slice %arg23[%add3A_496, %dma_wait3A_517] : memref<10000x128xf32, #tpu.memory_space<vmem_shared>> -> memref<24x128xf32, #tpu.memory_space<vmem_shared>>
      %dma_wait3A_519 = arith.constant 0 : i32
      %dma_wait3A_520 = arith.constant 0 : i32
      %dma_wait3A_521 = tpu.memref_slice %arg7[%dma_wait3A_519, %dma_wait3A_520] : memref<40x128xf32, #tpu.memory_space<vmem>> -> memref<24x128xf32, #tpu.memory_space<vmem>>
      %dma_wait3A_522 = arith.constant 0 : i32
      %dma_wait3A_523 = tpu.memref_slice %arg23[%add3A_496, %dma_wait3A_522] : memref<10000x128xf32, #tpu.memory_space<vmem_shared>> -> memref<24x128xf32, #tpu.memory_space<vmem_shared>>
      tpu.wait_dma2 semaphore(%run_scoped3A : memref<!tpu.dma_semaphore, #tpu.memory_space<semaphore_mem>>) src(%dma_wait3A_523 : memref<24x128xf32, #tpu.memory_space<vmem_shared>>) dst(%dma_wait3A_521 : memref<24x128xf32, #tpu.memory_space<vmem>>)
      tpu.yield
    }) : () -> ()
    %add3A_497 = arith.constant 600 : i32
    %add3A_498 = arith.addi %add3A_164, %add3A_497 : i32
    "tpu.region"() ({
      %run_scoped3A = tpu.sem_alloc : memref<!tpu.dma_semaphore, #tpu.memory_space<semaphore_mem>>
      %dma_start3A_504 = arith.constant 0 : i32
      %dma_start3A_505 = arith.constant 0 : i32
      %dma_start3A_506 = tpu.memref_slice %arg7[%dma_start3A_504, %dma_start3A_505] : memref<40x128xf32, #tpu.memory_space<vmem>> -> memref<24x128xf32, #tpu.memory_space<vmem>>
      %dma_start3A_507 = arith.constant 0 : i32
      %dma_start3A_508 = tpu.memref_slice %arg4[%add3A_498, %dma_start3A_507] : memref<20000x128xf32, #tpu.memory_space<hbm>> -> memref<24x128xf32, #tpu.memory_space<hbm>>
      %dma_start3A_509 = arith.constant 0 : i32
      %dma_start3A_510 = tpu.memref_slice %arg4[%add3A_498, %dma_start3A_509] : memref<20000x128xf32, #tpu.memory_space<hbm>> -> memref<24x128xf32, #tpu.memory_space<hbm>>
      %dma_start3A_511 = arith.constant 0 : i32
      %dma_start3A_512 = arith.constant 0 : i32
      %dma_start3A_513 = tpu.memref_slice %arg7[%dma_start3A_511, %dma_start3A_512] : memref<40x128xf32, #tpu.memory_space<vmem>> -> memref<24x128xf32, #tpu.memory_space<vmem>>
      tpu.enqueue_dma source(%dma_start3A_513 : memref<24x128xf32, #tpu.memory_space<vmem>>) target(%dma_start3A_510 : memref<24x128xf32, #tpu.memory_space<hbm>>) target_semaphore(%run_scoped3A : memref<!tpu.dma_semaphore, #tpu.memory_space<semaphore_mem>>)
      %dma_wait3A_514 = arith.constant 0 : i32
      %dma_wait3A_515 = arith.constant 0 : i32
      %dma_wait3A_516 = tpu.memref_slice %arg7[%dma_wait3A_514, %dma_wait3A_515] : memref<40x128xf32, #tpu.memory_space<vmem>> -> memref<24x128xf32, #tpu.memory_space<vmem>>
      %dma_wait3A_517 = arith.constant 0 : i32
      %dma_wait3A_518 = tpu.memref_slice %arg4[%add3A_498, %dma_wait3A_517] : memref<20000x128xf32, #tpu.memory_space<hbm>> -> memref<24x128xf32, #tpu.memory_space<hbm>>
      %dma_wait3A_519 = arith.constant 0 : i32
      %dma_wait3A_520 = tpu.memref_slice %arg4[%add3A_498, %dma_wait3A_519] : memref<20000x128xf32, #tpu.memory_space<hbm>> -> memref<24x128xf32, #tpu.memory_space<hbm>>
      %dma_wait3A_521 = arith.constant 0 : i32
      %dma_wait3A_522 = arith.constant 0 : i32
      %dma_wait3A_523 = tpu.memref_slice %arg7[%dma_wait3A_521, %dma_wait3A_522] : memref<40x128xf32, #tpu.memory_space<vmem>> -> memref<24x128xf32, #tpu.memory_space<vmem>>
      tpu.wait_dma2 semaphore(%run_scoped3A : memref<!tpu.dma_semaphore, #tpu.memory_space<semaphore_mem>>) src(%dma_wait3A_523 : memref<24x128xf32, #tpu.memory_space<vmem>>) dst(%dma_wait3A_520 : memref<24x128xf32, #tpu.memory_space<hbm>>)
      tpu.yield
    }) : () -> ()
    %eq3A_499 = arith.constant 0 : i32
    %eq3A_500 = arith.cmpi eq, %arg1, %eq3A_499 : i32
    %convert_element_type3A_501 = arith.extui %eq3A_500 : i1 to i32
    %cond3A_502 = arith.constant 0 : i32
    %cond3A_503 = arith.cmpi ne, %convert_element_type3A_501, %cond3A_502 : i32
    scf.if %cond3A_503 {
      "tpu.region"() ({
        %run_scoped3A = tpu.sem_alloc : memref<!tpu.dma_semaphore, #tpu.memory_space<semaphore_mem>>
        %dma_start3A_508 = arith.constant 0 : i32
        %dma_start3A_509 = arith.constant 0 : i32
        %dma_start3A_510 = tpu.memref_slice %arg8[%dma_start3A_508, %dma_start3A_509] : memref<40x128xf32, #tpu.memory_space<vmem>> -> memref<16x128xf32, #tpu.memory_space<vmem>>
        %dma_start3A_511 = arith.constant 9984 : i32
        %dma_start3A_512 = arith.constant 0 : i32
        %dma_start3A_513 = tpu.memref_slice %arg23[%dma_start3A_511, %dma_start3A_512] : memref<10000x128xf32, #tpu.memory_space<vmem_shared>> -> memref<16x128xf32, #tpu.memory_space<vmem_shared>>
        %dma_start3A_514 = arith.constant 0 : i32
        %dma_start3A_515 = arith.constant 0 : i32
        %dma_start3A_516 = tpu.memref_slice %arg8[%dma_start3A_514, %dma_start3A_515] : memref<40x128xf32, #tpu.memory_space<vmem>> -> memref<16x128xf32, #tpu.memory_space<vmem>>
        %dma_start3A_517 = arith.constant 9984 : i32
        %dma_start3A_518 = arith.constant 0 : i32
        %dma_start3A_519 = tpu.memref_slice %arg23[%dma_start3A_517, %dma_start3A_518] : memref<10000x128xf32, #tpu.memory_space<vmem_shared>> -> memref<16x128xf32, #tpu.memory_space<vmem_shared>>
        tpu.enqueue_dma source(%dma_start3A_519 : memref<16x128xf32, #tpu.memory_space<vmem_shared>>) target(%dma_start3A_516 : memref<16x128xf32, #tpu.memory_space<vmem>>) target_semaphore(%run_scoped3A : memref<!tpu.dma_semaphore, #tpu.memory_space<semaphore_mem>>)
        %dma_wait3A_520 = arith.constant 0 : i32
        %dma_wait3A_521 = arith.constant 0 : i32
        %dma_wait3A_522 = tpu.memref_slice %arg8[%dma_wait3A_520, %dma_wait3A_521] : memref<40x128xf32, #tpu.memory_space<vmem>> -> memref<16x128xf32, #tpu.memory_space<vmem>>
        %dma_wait3A_523 = arith.constant 9984 : i32
        %dma_wait3A_524 = arith.constant 0 : i32
        %dma_wait3A_525 = tpu.memref_slice %arg23[%dma_wait3A_523, %dma_wait3A_524] : memref<10000x128xf32, #tpu.memory_space<vmem_shared>> -> memref<16x128xf32, #tpu.memory_space<vmem_shared>>
        %dma_wait3A_526 = arith.constant 0 : i32
        %dma_wait3A_527 = arith.constant 0 : i32
        %dma_wait3A_528 = tpu.memref_slice %arg8[%dma_wait3A_526, %dma_wait3A_527] : memref<40x128xf32, #tpu.memory_space<vmem>> -> memref<16x128xf32, #tpu.memory_space<vmem>>
        %dma_wait3A_529 = arith.constant 9984 : i32
        %dma_wait3A_530 = arith.constant 0 : i32
        %dma_wait3A_531 = tpu.memref_slice %arg23[%dma_wait3A_529, %dma_wait3A_530] : memref<10000x128xf32, #tpu.memory_space<vmem_shared>> -> memref<16x128xf32, #tpu.memory_space<vmem_shared>>
        tpu.wait_dma2 semaphore(%run_scoped3A : memref<!tpu.dma_semaphore, #tpu.memory_space<semaphore_mem>>) src(%dma_wait3A_531 : memref<16x128xf32, #tpu.memory_space<vmem_shared>>) dst(%dma_wait3A_528 : memref<16x128xf32, #tpu.memory_space<vmem>>)
        tpu.yield
      }) : () -> ()
      %mul3A_504 = arith.constant 10000 : i32
      %mul3A_505 = arith.muli %arg0, %mul3A_504 : i32
      %add3A_506 = arith.constant 9984 : i32
      %add3A_507 = arith.addi %mul3A_505, %add3A_506 : i32
      "tpu.region"() ({
        %run_scoped3A = tpu.sem_alloc : memref<!tpu.dma_semaphore, #tpu.memory_space<semaphore_mem>>
        %dma_start3A_508 = arith.constant 0 : i32
        %dma_start3A_509 = arith.constant 0 : i32
        %dma_start3A_510 = tpu.memref_slice %arg8[%dma_start3A_508, %dma_start3A_509] : memref<40x128xf32, #tpu.memory_space<vmem>> -> memref<16x128xf32, #tpu.memory_space<vmem>>
        %dma_start3A_511 = arith.constant 0 : i32
        %dma_start3A_512 = tpu.memref_slice %arg4[%add3A_507, %dma_start3A_511] : memref<20000x128xf32, #tpu.memory_space<hbm>> -> memref<16x128xf32, #tpu.memory_space<hbm>>
        %dma_start3A_513 = arith.constant 0 : i32
        %dma_start3A_514 = tpu.memref_slice %arg4[%add3A_507, %dma_start3A_513] : memref<20000x128xf32, #tpu.memory_space<hbm>> -> memref<16x128xf32, #tpu.memory_space<hbm>>
        %dma_start3A_515 = arith.constant 0 : i32
        %dma_start3A_516 = arith.constant 0 : i32
        %dma_start3A_517 = tpu.memref_slice %arg8[%dma_start3A_515, %dma_start3A_516] : memref<40x128xf32, #tpu.memory_space<vmem>> -> memref<16x128xf32, #tpu.memory_space<vmem>>
        tpu.enqueue_dma source(%dma_start3A_517 : memref<16x128xf32, #tpu.memory_space<vmem>>) target(%dma_start3A_514 : memref<16x128xf32, #tpu.memory_space<hbm>>) target_semaphore(%run_scoped3A : memref<!tpu.dma_semaphore, #tpu.memory_space<semaphore_mem>>)
        %dma_wait3A_518 = arith.constant 0 : i32
        %dma_wait3A_519 = arith.constant 0 : i32
        %dma_wait3A_520 = tpu.memref_slice %arg8[%dma_wait3A_518, %dma_wait3A_519] : memref<40x128xf32, #tpu.memory_space<vmem>> -> memref<16x128xf32, #tpu.memory_space<vmem>>
        %dma_wait3A_521 = arith.constant 0 : i32
        %dma_wait3A_522 = tpu.memref_slice %arg4[%add3A_507, %dma_wait3A_521] : memref<20000x128xf32, #tpu.memory_space<hbm>> -> memref<16x128xf32, #tpu.memory_space<hbm>>
        %dma_wait3A_523 = arith.constant 0 : i32
        %dma_wait3A_524 = tpu.memref_slice %arg4[%add3A_507, %dma_wait3A_523] : memref<20000x128xf32, #tpu.memory_space<hbm>> -> memref<16x128xf32, #tpu.memory_space<hbm>>
        %dma_wait3A_525 = arith.constant 0 : i32
        %dma_wait3A_526 = arith.constant 0 : i32
        %dma_wait3A_527 = tpu.memref_slice %arg8[%dma_wait3A_525, %dma_wait3A_526] : memref<40x128xf32, #tpu.memory_space<vmem>> -> memref<16x128xf32, #tpu.memory_space<vmem>>
        tpu.wait_dma2 semaphore(%run_scoped3A : memref<!tpu.dma_semaphore, #tpu.memory_space<semaphore_mem>>) src(%dma_wait3A_527 : memref<16x128xf32, #tpu.memory_space<vmem>>) dst(%dma_wait3A_524 : memref<16x128xf32, #tpu.memory_space<hbm>>)
        tpu.yield
      }) : () -> ()
    } else {
    }
    return
  }
}

module attributes {stable_mosaic.version = 14 : i64} {
  func.func @_cvt_body(%arg0: memref<2x320000xi32, #tpu.memory_space<vmem>>, %arg1: memref<640000xi32, #tpu.memory_space<vmem>>) attributes {dimension_semantics = [], scalar_prefetch = 0 : i64, scratch_operands = 0 : i64, tpu.core_type = #tpu.core_type<tc>} {
    %get3A = arith.constant 0 : index
    %get3A_0 = arith.constant 0 : index
    %get3A_1 = vector.load %arg0[%get3A, %get3A_0] : memref<2x320000xi32, #tpu.memory_space<vmem>>, vector<1x320000xi32>
    %get3A_2 = vector.shape_cast %get3A_1 : vector<1x320000xi32> to vector<320000xi32>
    %swap3A = arith.constant 0 : index
    %swap3A_3 = vector.load %arg1[%swap3A] : memref<640000xi32, #tpu.memory_space<vmem>>, vector<320000xi32>
    tpu.vector_store %arg1[%swap3A], %get3A_2 {strides = array<i32>} : memref<640000xi32, #tpu.memory_space<vmem>>, vector<320000xi32>,
    %get3A_4 = arith.constant 1 : index
    %get3A_5 = arith.constant 0 : index
    %get3A_6 = vector.load %arg0[%get3A_4, %get3A_5] : memref<2x320000xi32, #tpu.memory_space<vmem>>, vector<1x320000xi32>
    %get3A_7 = vector.shape_cast %get3A_6 : vector<1x320000xi32> to vector<320000xi32>
    %swap3A_8 = arith.constant 320000 : index
    %swap3A_9 = vector.load %arg1[%swap3A_8] : memref<640000xi32, #tpu.memory_space<vmem>>, vector<320000xi32>
    tpu.vector_store %arg1[%swap3A_8], %get3A_7 {strides = array<i32>} : memref<640000xi32, #tpu.memory_space<vmem>>, vector<320000xi32>,
    return
  }
}

module attributes {stable_mosaic.version = 14 : i64} {
  func.func @_scale_body(%arg0: memref<20000xf32, #tpu.memory_space<vmem>>, %arg1: memref<10000x128xf32, #tpu.memory_space<vmem>>, %arg2: memref<10000x128xf32, #tpu.memory_space<vmem>>, %arg3: memref<10000xf32, #tpu.memory_space<vmem>>) attributes {dimension_semantics = [], scalar_prefetch = 0 : i64, scratch_operands = 0 : i64, tpu.core_type = #tpu.core_type<tc>} {
    %get3A = arith.constant 0 : index
    %get3A_0 = vector.load %arg0[%get3A] : memref<20000xf32, #tpu.memory_space<vmem>>, vector<10000xf32>
    %get3A_1 = arith.constant 10000 : index
    %get3A_2 = vector.load %arg0[%get3A_1] : memref<20000xf32, #tpu.memory_space<vmem>>, vector<10000xf32>
    %add3A = arith.addf %get3A_0, %get3A_2 : vector<10000xf32>
    %add3A_3 = arith.constant 1.000000e+00 : f32
    %add3A_4 = vector.broadcast %add3A_3 : f32 to vector<10000xf32>
    %add3A_5 = arith.addf %add3A, %add3A_4 : vector<10000xf32>
    %rsqrt3A = math.rsqrt %add3A_5 : vector<10000xf32>
    %swap3A = arith.constant 0 : index
    %swap3A_6 = vector.load %arg3[%swap3A] : memref<10000xf32, #tpu.memory_space<vmem>>, vector<10000xf32>
    tpu.vector_store %arg3[%swap3A], %rsqrt3A {strides = array<i32>} : memref<10000xf32, #tpu.memory_space<vmem>>, vector<10000xf32>,
    %get3A_7 = arith.constant 0 : index
    %get3A_8 = arith.constant 0 : index
    %get3A_9 = vector.load %arg1[%get3A_7, %get3A_8] : memref<10000x128xf32, #tpu.memory_space<vmem>>, vector<10000x128xf32>
    %broadcast_in_dim3A = vector.shape_cast %rsqrt3A : vector<10000xf32> to vector<10000x1xf32>
    %mul3A = vector.broadcast %broadcast_in_dim3A : vector<10000x1xf32> to vector<10000x128xf32>
    %mul3A_10 = arith.mulf %get3A_9, %mul3A : vector<10000x128xf32>
    %swap3A_11 = arith.constant 0 : index
    %swap3A_12 = arith.constant 0 : index
    %swap3A_13 = vector.load %arg2[%swap3A_11, %swap3A_12] : memref<10000x128xf32, #tpu.memory_space<vmem>>, vector<10000x128xf32>
    tpu.vector_store %arg2[%swap3A_11, %swap3A_12], %mul3A_10 {strides = array<i32>} : memref<10000x128xf32, #tpu.memory_space<vmem>>, vector<10000x128xf32>,
    return
  }
}

module attributes {stable_mosaic.version = 14 : i64} {
  func.func @_fin_body(%arg0: memref<20000x128xf32, #tpu.memory_space<vmem>>, %arg1: memref<10000x128xf32, #tpu.memory_space<vmem>>, %arg2: memref<10000xf32, #tpu.memory_space<vmem>>, %arg3: memref<10000x128xf32, #tpu.memory_space<vmem>>) attributes {dimension_semantics = [], scalar_prefetch = 0 : i64, scratch_operands = 0 : i64, tpu.core_type = #tpu.core_type<tc>} {
    %get3A = arith.constant 0 : index
    %get3A_0 = arith.constant 0 : index
    %get3A_1 = vector.load %arg0[%get3A, %get3A_0] : memref<20000x128xf32, #tpu.memory_space<vmem>>, vector<10000x128xf32>
    %get3A_2 = arith.constant 10000 : index
    %get3A_3 = arith.constant 0 : index
    %get3A_4 = vector.load %arg0[%get3A_2, %get3A_3] : memref<20000x128xf32, #tpu.memory_space<vmem>>, vector<10000x128xf32>
    %add3A = arith.addf %get3A_1, %get3A_4 : vector<10000x128xf32>
    %get3A_5 = arith.constant 0 : index
    %get3A_6 = arith.constant 0 : index
    %get3A_7 = vector.load %arg1[%get3A_5, %get3A_6] : memref<10000x128xf32, #tpu.memory_space<vmem>>, vector<10000x128xf32>
    %add3A_8 = arith.addf %add3A, %get3A_7 : vector<10000x128xf32>
    %get3A_9 = arith.constant 0 : index
    %get3A_10 = vector.load %arg2[%get3A_9] : memref<10000xf32, #tpu.memory_space<vmem>>, vector<10000xf32>
    %broadcast_in_dim3A = vector.shape_cast %get3A_10 : vector<10000xf32> to vector<10000x1xf32>
    %mul3A = vector.broadcast %broadcast_in_dim3A : vector<10000x1xf32> to vector<10000x128xf32>
    %mul3A_11 = arith.mulf %add3A_8, %mul3A : vector<10000x128xf32>
    %swap3A = arith.constant 0 : index
    %swap3A_12 = arith.constant 0 : index
    %swap3A_13 = vector.load %arg3[%swap3A, %swap3A_12] : memref<10000x128xf32, #tpu.memory_space<vmem>>, vector<10000x128xf32>
    tpu.vector_store %arg3[%swap3A, %swap3A_12], %mul3A_11 {strides = array<i32>} : memref<10000x128xf32, #tpu.memory_space<vmem>>, vector<10000x128xf32>,
    return
  }
}

module attributes {stable_mosaic.version = 14 : i64} {
  func.func @_mm_body(%arg0: memref<10000x128xf32, #tpu.memory_space<vmem>>, %arg1: memref<128x128xf32, #tpu.memory_space<vmem>>, %arg2: memref<10000x128xf32, #tpu.memory_space<vmem>>) attributes {dimension_semantics = [], scalar_prefetch = 0 : i64, scratch_operands = 0 : i64, tpu.core_type = #tpu.core_type<tc>} {
    %get3A = arith.constant 0 : index
    %get3A_0 = arith.constant 0 : index
    %get3A_1 = vector.load %arg0[%get3A, %get3A_0] : memref<10000x128xf32, #tpu.memory_space<vmem>>, vector<10000x128xf32>
    %get3A_2 = arith.constant 0 : index
    %get3A_3 = arith.constant 0 : index
    %get3A_4 = vector.load %arg1[%get3A_2, %get3A_3] : memref<128x128xf32, #tpu.memory_space<vmem>>, vector<128x128xf32>
    %dot_general3A = arith.constant dense<0.000000e+00> : vector<10000x128xf32>
    %dot_general3A_5 = tpu.matmul %get3A_1, %get3A_4, %dot_general3A {dimension_numbers = #tpu.dot_dimension_numbers<[1], [1], [0], [0], [0, 0, 1, 0], [], []>, transpose_lhs_hint = false} : vector<10000x128xf32>, vector<128x128xf32>, vector<10000x128xf32> -> vector<10000x128xf32>
    %swap3A = arith.constant 0 : index
    %swap3A_6 = arith.constant 0 : index
    %swap3A_7 = vector.load %arg2[%swap3A, %swap3A_6] : memref<10000x128xf32, #tpu.memory_space<vmem>>, vector<10000x128xf32>
    tpu.vector_store %arg2[%swap3A, %swap3A_6], %dot_general3A_5 {strides = array<i32>} : memref<10000x128xf32, #tpu.memory_space<vmem>>, vector<10000x128xf32>,
    return
  }
}

</mosaic_0001>

<sc_bundles>
// kernel: kernel.11.cloned.1.call-start
scs
__scs_entry_jumppad:
0x0: {  	(pc) =	sbr.rel $0x88, $3  }
0x1: {  	(tag) =	ssettag $0x0;
	lr =	simm.s32 $0x1  }
0x2: {  	[smem:$0x3F9E] =	sst lr;
	_ =	strace $0xD0000000  }
0x3: {  	_ = 	snop  }
0x4: {  	_ = 	snop  }
0x5: {  	_ = 	snop  }
0x6: {  	_ = 	snop  }
0x7: {  	_ = 	snop  }
__scs_overlays_trampoline_lowered:
0x8: {  	[smem:$0x3FAD] =	sst s0  }
0x9: {  	[smem:$0x3FAE] =	sst s1  }
0xa: {  	[smem:$0x3FAF] =	sst s2  }
0xb: {  	[smem:$0x3FB0] =	sst s3  }
0xc: {  	[smem:$0x3FB1] =	sst s4  }
0xd: {  	[smem:$0x3FB2] =	sst s5  }
0xe: {  	[smem:$0x3FB3] =	sst s6  }
0xf: {  	[smem:$0x3FB4] =	sst s7  }
0x10: {  	[smem:$0x3FB5] =	sst s8  }
0x11: {  	[smem:$0x3FB6] =	sst s9;
	s0 =	simm.s32 @!p0 $0x0  }
0x12: {  	s1 =	sld [smem:$0x3F9C];
	s0 =	simm.s32 @p0 $0x1  }
0x13: {  	[smem:$0x3FB7] =	sst s0;
	s0 =	simm.s32 @!p1 $0x0  }
0x14: {  	s2 =	sld [smem:$0x3F9B];
	s0 =	simm.s32 @p1 $0x1  }
0x15: {  	[smem:$0x3FB8] =	sst s0;
	s0 =	simm.s32 @!p2 $0x0  }
0x16: {  	s3 =	sld [smem:$0x3FDB];
	s0 =	simm.s32 @p2 $0x1  }
0x17: {  	s4 =	simm.s32 $0x1BF5;
	[smem:$0x3FBA] =	sst s0  }
0x18: {  	s0 =	sld [smem:$0x3F9D];
	_ =	swait.ge [sflag:s4], $0x0  }
0x19: {  	s7 =	sld [smem:$0x3F9E]  }
0x1a: {  	s8 =	sadd.s32 $0xFFFFE003, lr  }
0x1b: {  	s9 =	sadd.s32 $0xFFFFFEF7, lr;
	s5 =	simm.s32 $0xFFFFFFFF;
	p2 =	slt.u32 s8, $0xFFFFF086  }
0x1c: {  	p1 =	slt.u32 s9, $0xF7A;
	s5 =	simm.s32 @!p2 $0x0  }
0x1d: {  	s5 =	simm.s32 @p1 $0x1;
	p0 =	seq.s32 s7, s2  }
0x1e: {  	s7 =	smul.u32 @!p0 $0xF7A, s2;
	p2 =	seq.s32 @!p0 s5, $0x0  }
0x1f: {  	s9 =	smul.u32 $0xF7A, s1;
	s8 =	simm.s32 @!p0 $0x1BF5;
	p2 =	por !p2, p0  }
0x20: {  	[sflag:s8] =	ssyncset.s32 @!p0 $0xFFFFF086;
	s6 =	sadd.s32 @!p0 s3, s7;
	s7 =	simm.s32 @!p0 $0x108  }
0x21: {  	s3 =	sadd.s32 s3, s9;
	s6 =	sadd.s32 @!p0 $0x88, s6;
	s7 =	simm.s32 @p2 $0x1082  }
0x22: {  	[simem:s7], [sflag:s8] =	dma.local @!p0 [hbm:s6], $0xF7A  }
0x23: {  	s9 =	sor.u32 $0xD0000000, s2;
	s6 =	simm.s32 $0x108;
	_ =	swait.ge @!p0 [sflag:s8], $0x0  }
0x24: {  	s3 =	sadd.s32 $0x88, s3;
	s6 =	simm.s32 @!p1 $0x1082;
	[sflag:s4] =	ssyncset.s32 $0xFFFFF086  }
0x25: {  	[simem:s6], [sflag:s4] =	dma.local [hbm:s3], $0xF7A  }
0x26: {  	[smem:$0x3F9E] =	sst s1;
	(tag) =	ssettag s2;
	_ =	strace s9  }
0x27: {  	s1 =	sld [smem:$0x3FAE]  }
0x28: {  	s2 =	sld [smem:$0x3FAF]  }
0x29: {  	s4 =	sld [smem:$0x3FB1]  }
0x2a: {  	p0 =	seq.s32 s5, $0x0;
	s5 =	sld [smem:$0x3FB2]  }
0x2b: {  	s6 =	sld [smem:$0x3FB3]  }
0x2c: {  	s7 =	sld [smem:$0x3FB4]  }
0x2d: {  	s3 =	simm.s32 $0x108;
	s8 =	sld [smem:$0x3FB5]  }
0x2e: {  	s3 =	simm.s32 @!p0 $0x1082;
	s9 =	sld [smem:$0x3FB6]  }
0x2f: {  	lr =	sadd.s32 s0, s3;
	s0 =	sld [smem:$0x3FAD]  }
0x30: {  	s3 =	sld [smem:$0x3FB0]  }
0x31: {  	[smem:$0x3FB9] =	sst s10  }
0x32: {  	s10 =	sld [smem:$0x3FB7];
	_ =	sdelay $0x3  }
0x33: {  	p0 =	seq.s32 s10, $0x1;
	s10 =	sld [smem:$0x3FB9];
	_ =	sdelay $0x3  }
0x34: {  	[smem:$0x3FB9] =	sst s10  }
0x35: {  	s10 =	sld [smem:$0x3FB8];
	_ =	sdelay $0x3  }
0x36: {  	p1 =	seq.s32 s10, $0x1;
	s10 =	sld [smem:$0x3FB9];
	_ =	sdelay $0x3  }
0x37: {  	[smem:$0x3FB9] =	sst s10  }
0x38: {  	s10 =	sld [smem:$0x3FBA]  }
0x39: {  	_ = 	snop;
	(pc) =	sbr.ind lr, $3  }
0x3a: {  	_ = 	snop  }
0x3b: {  	_ = 	snop  }
0x3c: {  	p2 =	seq.s32 s10, $0x1;
	s10 =	sld [smem:$0x3FB9]  }
0x3d: {  	_ =	shalt  }
0x3e: {  	_ =	shalt  }
0x3f: {  	_ =	shalt  }
0x40: {  	_ =	shalt  }
0x41: {  	_ =	shalt  }
0x42: {  	_ =	shalt  }
0x43: {  	_ =	shalt  }
0x44: {  	_ =	shalt  }
0x45: {  	_ =	shalt  }
0x46: {  	_ =	shalt  }
0x47: {  	_ =	shalt  }
0x48: {  	_ =	shalt  }
0x49: {  	_ =	shalt  }
0x4a: {  	_ =	shalt  }
0x4b: {  	_ =	shalt  }
0x4c: {  	_ =	shalt  }
0x4d: {  	_ =	shalt  }
0x4e: {  	_ =	shalt  }
0x4f: {  	_ =	shalt  }
0x50: {  	_ =	shalt  }
0x51: {  	_ =	shalt  }
0x52: {  	_ =	shalt  }
0x53: {  	_ =	shalt  }
0x54: {  	_ =	shalt  }
0x55: {  	_ =	shalt  }
0x56: {  	_ =	shalt  }
0x57: {  	_ =	shalt  }
0x58: {  	_ =	shalt  }
0x59: {  	_ =	shalt  }
0x5a: {  	_ =	shalt  }
0x5b: {  	_ =	shalt  }
0x5c: {  	_ =	shalt  }
0x5d: {  	_ =	shalt  }
0x5e: {  	_ =	shalt  }
0x5f: {  	_ =	shalt  }
0x60: {  	_ =	shalt  }
0x61: {  	_ =	shalt  }
0x62: {  	_ =	shalt  }
0x63: {  	_ =	shalt  }
0x64: {  	_ =	shalt  }
0x65: {  	_ =	shalt  }
0x66: {  	_ =	shalt  }
0x67: {  	_ =	shalt  }
0x68: {  	_ =	shalt  }
0x69: {  	_ =	shalt  }
0x6a: {  	_ =	shalt  }
0x6b: {  	_ =	shalt  }
0x6c: {  	_ =	shalt  }
0x6d: {  	_ =	shalt  }
0x6e: {  	_ =	shalt  }
0x6f: {  	_ =	shalt  }
0x70: {  	_ =	shalt  }
0x71: {  	_ =	shalt  }
0x72: {  	_ =	shalt  }
0x73: {  	_ =	shalt  }
0x74: {  	_ =	shalt  }
0x75: {  	_ =	shalt  }
0x76: {  	_ =	shalt  }
0x77: {  	_ =	shalt  }
0x78: {  	_ =	shalt  }
0x79: {  	_ =	shalt  }
0x7a: {  	_ =	shalt  }
0x7b: {  	_ =	shalt  }
0x7c: {  	_ =	shalt  }
0x7d: {  	_ =	shalt  }
0x7e: {  	_ =	shalt  }
0x7f: {  	_ =	shalt  }
0x80: {  	_ =	shalt  }
0x81: {  	_ =	shalt  }
0x82: {  	_ =	shalt  }
0x83: {  	_ =	shalt  }
0x84: {  	_ =	shalt  }
0x85: {  	_ =	shalt  }
0x86: {  	_ =	shalt  }
0x87: {  	_ =	shalt  }
.Lfunc_end0:
.L_simem_size_0:
called_computation.1_lowered:
.L_overlay_start_0:
0x88: {  	s2 =	sld [smem:$0x3FD9]  }
0x89: {  	s3 =	sld [smem:$0x3FFE];
	_ =	sdelay $0x1  }
0x8a: {  	s1 =	srdreg.scid  }
0x8b: {  	s0 =	sand.u32 $0x1, s1  }
0x8c: {  	s17 =	sshll.u32 s0, $0xA;
	s2 =	sadd.s32 s3, s2  }
0x8d: {  	s2 =	sadd.s32 s2, s17  }
0x8e: {  	[smem:$0x3FC5] =	sst s2  }
0x8f: {  	_ = 	snop  }
0x90: {  	s2 =	sld [smem:$0x3FD0];
	(tm) =	ssettm $0x1  }
0x91: {  	s18 =	sld [smem:$0x3FFB];
	_ =	sdelay $0x3  }
0x92: {  	_ =	strace s18  }
0x93: {  	s3 =	sld [smem:$0x3FFC];
	_ =	sdelay $0x3  }
0x94: {  	_ =	strace s3  }
0x95: {  	s3 =	sld [smem:$0x3FFD];
	_ =	sdelay $0x3  }
0x96: {  	_ =	strace s3  }
0x97: {  	_ =	strace $0x8FFFFFFF  }
0x98: {  	s19 =	sld [smem:$0x3FDB];
	_ =	sdelay $0x1  }
0x99: {  	s4 =	simm.s32 $_scs_section_size  }
0x9a: {  	s5 =	simm.s32 $_size__tile_overlayer_lowered;
	s6 =	simm.s32 $_tile_overlayer_lowered  }
0x9b: {  	s22 =	simm.s32 $0x1BFF;
	s21 =	sshll.u32 s6, $0x1;
	s3 =	sadd.s32 s4, s19  }
0x9c: {  	s7 =	simm.s32 $0x0;
	s20 =	sshll.u32 s5, $0x1;
	s5 =	sadd.s32 s21, s3  }
0x9d: {  	[timem:s7], [sflag:s22] =	dma.local [hbm:s5], s20  }
0x9e: {  	_ =	swait.ge [sflag:s22], s20  }
0x9f: {  	s4 =	ssub.s32 $0x0, s20;
	[sflag:s22] =	ssyncset.done $0x0  }
0xa0: {  	[sflag:s22] =	ssyncadd.s32 s4;
	_ =	sdelay $0x1  }
0xa1: {  	s23 =	simm.s32 $0x1B8B  }
0xa2: {  	_ =	swait.ge [sflag:s23], $0x1  }
0xa3: {  	[sflag:s23] =	ssyncset.done $0x0  }
0xa4: {  	s25 =	simm.s32 $0x1B8E;
	s24 =	sld [smem:$0x3FFE];
	[sflag:s23] =	ssyncadd.s32 $0xFFFFFFFF  }
0xa5: {  	s26 =	simm.s32 $execute0_lowered;
	[smem:$0x3FD2] =	sst s25  }
0xa6: {  	s5 =	sshll.u32 s26, $0x1;
	_ =	strace $0x80000049;
	[dreg:$0x1] =	wrdreg $0xFFFFFFFF  }
0xa7: {  	s28 =	simm.s32 $_size_execute0_lowered;
	s3 =	sadd.s32 s3, s5;
	[dreg:$0x0] =	wrdreg $0x0  }
0xa8: {  	s5 =	sshll.u32 s28, $0x1;
	[dreg:$0x2] =	wrdreg s3  }
0xa9: {  	[dreg:$0x3] =	wrdreg s5  }
0xaa: {  	[dreg:$0x4] =	wrdreg $0xC0  }
0xab: {  	_ =	task [dreg:s7], $0x5FFFF  }
0xac: {  	[dreg:$0x1] =	wrdreg $0xFFFFFFFF  }
0xad: {  	[dreg:$0x0] =	wrdreg $0x60  }
0xae: {  	[dreg:$0x2] =	wrdreg s2  }
0xaf: {  	[dreg:$0x3] =	wrdreg s24  }
0xb0: {  	[dreg:$0x4] =	wrdreg $0xB3000  }
0xb1: {  	[dreg:$0x5] =	wrdreg $0x9  }
0xb2: {  	_ =	task.clear_ibuf [dreg:s7], $0x6FFFF;
	_ =	strace $0x90000049  }
0xb3: {  	s29 =	simm.s32 $0x9;
	_ =	strace $0x8000004B  }
0xb4: {  	_ =	swait.ge [sflag:s29], $0x1  }
0xb5: {  	[sflag:s29] =	ssyncadd.s32 $0xFFFFFFFF  }
0xb6: {  	_ =	strace $0x9000004B  }
0xb7: {  	_ =	sfence  }
0xb8: {  	s30 =	sld [smem:$0x0];
	_ =	sdelay $0x2  }
0xb9: {  	s31 =	sshll.u32 s1, $0xD;
	s1 =	sshrl.u32 s1, $0x2  }
0xba: {  	s3 =	sand.u32 $0x4000, s31;
	s1 =	sadd.s32 s1, s30  }
0xbb: {  	s0 =	sor.u32 s3, s0;
	s1 =	sshll.u32 s1, $0x11  }
0xbc: {  	s0 =	sor.u32 s1, s0  }
0xbd: {  	s0 =	sadd.s32 $0x8F2B, s0  }
0xbe: {  	[sflag:s0] =	ssyncadd.remote.s32 $0x1  }
0xbf: {  	_ =	sfence.sel $0xFFFF  }
0xc0: {  	[dreg:$0x0] =	wrdreg $0xFFFFFFFF;
	(pc) =	sbr.abs _section_cstart, $3  }
0xc1: {  	[dreg:$0x1] =	wrdreg $0xFFFFFFFF  }
0xc2: {  	_ =	task.clear_ibuf [dreg:s7], $0x2FFFF;
	_ =	strace $0x9FFFFFFF  }
0xc3: {  	(tm) =	ssettm $0x7FFFFFFF  }
tec
execute0_lowered:
.L_overlay_start_1:
0x0: {  	(tag) =	ssettag $0x1  }
0x1: {  	s3 =	srdreg.scid;
	s4 =	stileid.u32  }
0x2: {  	s5 =	sand.u32 $0x1, s3;
	s6 =	sshll.u32 s4, $0x1  }
0x3: {  	s0 =	rddreg [dreg:$0x0];
	s6 =	sor.u32 s5, s6  }
0x4: {  	s1 =	rddreg [dreg:$0x1];
	s6 =	smul.u32 $0x2710, s6  }
0x5: {  	s2 =	rddreg [dreg:$0x2]  }
0x6: {  	s3 =	simm.s32 $0x0;
	s8 =	smul.u32 $0x4E000, s4;
	s6 =	sshrl.u32 s6, $0x3  }
0x7: {  	[smem:$0x7FF] =	sst s3;
	s6 =	sadd.s32 s6, s1  }
0x8: {  	s8 =	sshrl.u32 s8, $0x2;
	s14 =	sadd.s32 $0xBC40, s6;
	s6 =	sadd.s32 $0x2000, s6  }
0x9: {  	_ =	strace $0x8000004A;
	[dreg:$0x5] =	wrdreg s6;
	s6 =	sadd.s32 s8, s2  }
0xa: {  	[dreg:$0x4] =	wrdreg s14;
	s8 =	sadd.s32 $0x1400, s6  }
0xb: {  	s16 =	sadd.s32 $0x2800, s6;
	[dreg:$0x6] =	wrdreg s8  }
0xc: {  	s17 =	sadd.s32 $0x3C00, s6;
	[dreg:$0x7] =	wrdreg s16  }
0xd: {  	s18 =	sadd.s32 $0x5000, s6;
	[dreg:$0x8] =	wrdreg s17  }
0xe: {  	s15 =	smul.u32 $0x270, s4;
	s19 =	sadd.s32 $0x6400, s6;
	[dreg:$0x9] =	wrdreg s18  }
0xf: {  	s7 =	ssub.s32 $0x2, s5;
	s20 =	sadd.s32 $0x7800, s6;
	[dreg:$0xa] =	wrdreg s19  }
0x10: {  	s23 =	smul.u32 $0x2710, s5;
	s21 =	sadd.s32 $0x8C00, s6;
	[dreg:$0xb] =	wrdreg s20  }
0x11: {  	s5 =	smul.u32 $0x138800, s5;
	s22 =	sadd.s32 $0xA000, s6;
	[dreg:$0xc] =	wrdreg s21  }
0x12: {  	s9 =	sshrl.u32 s7, $0x1;
	s10 =	sadd.s32 $0xB400, s6;
	[dreg:$0xd] =	wrdreg s22  }
0x13: {  	s7 =	ssub.s32 s7, s9;
	s24 =	sadd.s32 $0xC800, s6;
	[dreg:$0xe] =	wrdreg s10  }
0x14: {  	s5 =	sshrl.u32 s5, $0x3;
	s25 =	sadd.s32 $0xDC00, s6;
	[dreg:$0xf] =	wrdreg s24  }
0x15: {  	s26 =	sadd.s32 $0xF000, s6;
	[dreg:$0x10] =	wrdreg s25;
	s8 =	sadd.s32 s15, s23  }
0x16: {  	s1 =	sadd.s32 $0x15A00, s1;
	[dreg:$0x13] =	wrdreg s26;
	s8 =	sshll.u32 s8, $0x4  }
0x17: {  	s8 =	sadd.s32 s1, s8;
	s1 =	sadd.s32 s1, s5;
	s5 =	smax.u32 s7, $0x1  }
0x18: {  	[dreg:$0x14] =	wrdreg s5  }
0x19: {  	s1 =	sadd.s32 $0x27000, s1;
	[dreg:$0x11] =	wrdreg s8  }
0x1a: {  	s7 =	sadd.s32 $0x280, s8;
	[dreg:$0x12] =	wrdreg s1  }
0x1b: {  	s9 =	sadd.s32 $0x500, s8;
	[dreg:$0x15] =	wrdreg s7  }
0x1c: {  	s10 =	sadd.s32 $0x780, s8;
	[dreg:$0x16] =	wrdreg s9  }
0x1d: {  	s11 =	sadd.s32 $0xA00, s8;
	[dreg:$0x17] =	wrdreg s10  }
0x1e: {  	s12 =	sadd.s32 $0xC80, s8;
	[dreg:$0x18] =	wrdreg s11  }
0x1f: {  	s28 =	simm.s32 $0x9F00;
	s13 =	sadd.s32 $0xF00, s8;
	[dreg:$0x19] =	wrdreg s12  }
0x20: {  	s29 =	simm.s32 $0xC;
	s14 =	sadd.s32 $0x1180, s8;
	[dreg:$0x1a] =	wrdreg s13  }
0x21: {  	s30 =	simm.s32 $0x1;
	s15 =	sadd.s32 $0x1400, s8;
	[dreg:$0x1b] =	wrdreg s14  }
0x22: {  	s31 =	simm.s32 $0x6;
	s16 =	sadd.s32 $0x1680, s8;
	[dreg:$0x1c] =	wrdreg s15  }
0x23: {  	p0 =	sne.s32 s4, $0x0;
	s17 =	sadd.s32 $0x1900, s8;
	[dreg:$0x1d] =	wrdreg s16  }
0x24: {  	s4 =	simm.s32 $0x28;
	s18 =	sadd.s32 $0x1B80, s8;
	[dreg:$0x1e] =	wrdreg s17  }
0x25: {  	s19 =	sadd.s32 $0x10400, s6;
	s21 =	sadd.s32 $0x1E00, s8;
	[dreg:$0x1f] =	wrdreg s18  }
0x26: {  	s20 =	sadd.s32 $0x11800, s6;
	s24 =	sadd.s32 $0x2080, s8;
	[smem:$0x7FA] =	sst s21  }
0x27: {  	s22 =	sadd.s32 $0x12C00, s6;
	s25 =	sadd.s32 $0x2300, s8;
	[smem:$0x7FB] =	sst s24  }
0x28: {  	s23 =	sadd.s32 $0x138000, s2;
	s26 =	sadd.s32 $0x2580, s8;
	[smem:$0x7FC] =	sst s25  }
0x29: {  	s5 =	simm.s32 $0x4F00;
	s8 =	simm.s32 $0x3;
	[smem:$0x7FD] =	sst s26  }
0x2a: {  	s1 =	simm.s32 $0xB;
	s24 =	simm.s32 $0x6300;
	s25 =	simm.s32 $0x7700  }
0x2b: {  	s26 =	simm.s32 $0x8B00;
	s21 =	simm.s32 $0x2;
	s7 =	simm.s32 $0x7  }
0x2c: {  	s9 =	simm.s32 $0x8;
	s10 =	simm.s32 $0x4;
	s11 =	simm.s32 $0x9  }
0x2d: {  	v0 =	vimm.f32 $0.0e+00;
	s12 =	simm.s32 $0x5;
	s13 =	simm.s32 $0xA;
	s14 =	simm.s32 $0x0  }
.LBB2_1:
0x2e: {  	s15 =	rddreg [dreg:$0x4]  }
0x2f: {  	[tilespmem:s3], [sflag:$0xB] =	stream.linear.gather [hbm4b:s15+s3], $0x2710, $0x38;
	[tilespmem:$0x1EB80] =	vst v63  }
0x30: {  	s18 =	rddreg [dreg:$0x5];
	s16 =	simm.s32 $0x2780  }
0x31: {  	[tilespmem:s16], [sflag:$0xB] =	stream.linear.gather [hbm4b:s18+s3], $0x2710, $0x38;
	[tilespmem:$0x1EB80] =	vst v63  }
0x32: {  	s15 =	simm.s32 $0x0;
	s16 =	simm.s32 $0x200  }
.LBB2_2:
0x33: {  	p1 =	sne.s32 s16, $0x4E00;
	[tilespmem:s15+$0x9F70] =	vst v0  }
0x34: {  	[tilespmem:s15+$0x9F00] =	vst v0  }
0x35: {  	[tilespmem:s15+$0x9F10] =	vst v0  }
.Ltmp0:
0x36: {  	[tilespmem:s15+$0x9F20] =	vst v0;
	(pc) =	sbr.rel @p1 .LBB2_2-.Ltmp0, $4  }
0x37: {  	[tilespmem:s15+$0x9F30] =	vst v0  }
0x38: {  	[tilespmem:s15+$0x9F40] =	vst v0  }
0x39: {  	[tilespmem:s15+$0x9F50] =	vst v0  }
0x3a: {  	[tilespmem:s15+$0x9F60] =	vst v0;
	s15 =	sshra.s32 s16, $0x2;
	s16 =	sadd.s32 $0x200, s16  }
0x3b: {  	[tilespmem:s15+$0x9F70] =	vst v0  }
0x3c: {  	[tilespmem:s15+$0x9F00] =	vst v0  }
0x3d: {  	[tilespmem:s15+$0x9F10] =	vst v0  }
0x3e: {  	[tilespmem:s15+$0x9F20] =	vst v0  }
0x3f: {  	[tilespmem:s15+$0x9F30] =	vst v0  }
0x40: {  	[tilespmem:s15+$0x9F40] =	vst v0  }
0x41: {  	[tilespmem:s15+$0x9F50] =	vst v0  }
0x42: {  	[tilespmem:s15+$0x9F60] =	vst v0  }
0x43: {  	_ =	swait.ge [sflag:s1], $0x2710  }
0x44: {  	[sflag:s1] =	ssyncset.done $0x0  }
0x45: {  	[sflag:s1] =	ssyncadd.s32 $0xFFFFD8F0  }
0x46: {  	_ =	swait.ge [sflag:s1], $0x2710  }
0x47: {  	[sflag:s1] =	ssyncset.done $0x0  }
0x48: {  	[sflag:s1] =	ssyncadd.s32 $0xFFFFD8F0  }
0x49: {  	[tilespmem:s5], [sflag:$0x1] =	stream.indirect.gather [hbm4b:s0+s4], $0x80, s3, s4, $0xb8;
	[tilespmem:$0x1EB80] =	vst v63  }
0x4a: {  	_ = 	snop  }
0x4b: {  	[tilespmem:s24], [sflag:$0x2] =	stream.indirect.gather [hbm4b:s0+s4], $0x80, s4, s4, $0xb8;
	[tilespmem:$0x1EB80] =	vst v63  }
0x4c: {  	s16 =	simm.s32 $0x50  }
0x4d: {  	[tilespmem:s25], [sflag:$0x3] =	stream.indirect.gather [hbm4b:s0+s4], $0x80, s16, s4, $0xb8;
	[tilespmem:$0x1EB80] =	vst v63  }
0x4e: {  	s17 =	simm.s32 $0x78  }
0x4f: {  	[tilespmem:s26], [sflag:$0x4] =	stream.indirect.gather [hbm4b:s0+s4], $0x80, s17, s4, $0xb8;
	[tilespmem:$0x1EB80] =	vst v63  }
0x50: {  	_ = 	snop  }
0x51: {  	[spmem:s6] =	stream.linear.scatter [tilespmem:s28], [sflag:$0xC], $0x1400, $0x38;
	[tilespmem:$0x1EB80] =	vst v63  }
0x52: {  	_ =	swait.ge [sflag:s29], $0x1400  }
0x53: {  	[sflag:s29] =	ssyncset.done $0x0  }
0x54: {  	s18 =	rddreg [dreg:$0x6];
	[sflag:s29] =	ssyncadd.s32 $0xFFFFEC00  }
0x55: {  	[spmem:s18] =	stream.linear.scatter [tilespmem:s28], [sflag:$0xC], $0x1400, $0x38;
	[tilespmem:$0x1EB80] =	vst v63  }
0x56: {  	_ =	swait.ge [sflag:s29], $0x1400  }
0x57: {  	[sflag:s29] =	ssyncset.done $0x0  }
0x58: {  	s16 =	rddreg [dreg:$0x7];
	[sflag:s29] =	ssyncadd.s32 $0xFFFFEC00  }
0x59: {  	[spmem:s16] =	stream.linear.scatter [tilespmem:s28], [sflag:$0xC], $0x1400, $0x38;
	[tilespmem:$0x1EB80] =	vst v63  }
0x5a: {  	_ =	swait.ge [sflag:s29], $0x1400  }
0x5b: {  	[sflag:s29] =	ssyncset.done $0x0  }
0x5c: {  	s17 =	rddreg [dreg:$0x8];
	[sflag:s29] =	ssyncadd.s32 $0xFFFFEC00  }
0x5d: {  	[spmem:s17] =	stream.linear.scatter [tilespmem:s28], [sflag:$0xC], $0x1400, $0x38;
	[tilespmem:$0x1EB80] =	vst v63  }
0x5e: {  	_ =	swait.ge [sflag:s29], $0x1400  }
0x5f: {  	[sflag:s29] =	ssyncset.done $0x0  }
0x60: {  	s18 =	rddreg [dreg:$0x9];
	[sflag:s29] =	ssyncadd.s32 $0xFFFFEC00  }
0x61: {  	[spmem:s18] =	stream.linear.scatter [tilespmem:s28], [sflag:$0xC], $0x1400, $0x38;
	[tilespmem:$0x1EB80] =	vst v63  }
0x62: {  	_ =	swait.ge [sflag:s29], $0x1400  }
0x63: {  	[sflag:s29] =	ssyncset.done $0x0  }
0x64: {  	s16 =	rddreg [dreg:$0xa];
	[sflag:s29] =	ssyncadd.s32 $0xFFFFEC00  }
0x65: {  	[spmem:s16] =	stream.linear.scatter [tilespmem:s28], [sflag:$0xC], $0x1400, $0x38;
	[tilespmem:$0x1EB80] =	vst v63  }
0x66: {  	_ =	swait.ge [sflag:s29], $0x1400  }
0x67: {  	[sflag:s29] =	ssyncset.done $0x0  }
0x68: {  	s17 =	rddreg [dreg:$0xb];
	[sflag:s29] =	ssyncadd.s32 $0xFFFFEC00  }
0x69: {  	[spmem:s17] =	stream.linear.scatter [tilespmem:s28], [sflag:$0xC], $0x1400, $0x38;
	[tilespmem:$0x1EB80] =	vst v63  }
0x6a: {  	_ =	swait.ge [sflag:s29], $0x1400  }
0x6b: {  	[sflag:s29] =	ssyncset.done $0x0  }
0x6c: {  	s18 =	rddreg [dreg:$0xc];
	[sflag:s29] =	ssyncadd.s32 $0xFFFFEC00  }
0x6d: {  	[spmem:s18] =	stream.linear.scatter [tilespmem:s28], [sflag:$0xC], $0x1400, $0x38;
	[tilespmem:$0x1EB80] =	vst v63  }
0x6e: {  	_ =	swait.ge [sflag:s29], $0x1400  }
0x6f: {  	[sflag:s29] =	ssyncset.done $0x0  }
0x70: {  	s16 =	rddreg [dreg:$0xd];
	[sflag:s29] =	ssyncadd.s32 $0xFFFFEC00  }
0x71: {  	[spmem:s16] =	stream.linear.scatter [tilespmem:s28], [sflag:$0xC], $0x1400, $0x38;
	[tilespmem:$0x1EB80] =	vst v63  }
0x72: {  	_ =	swait.ge [sflag:s29], $0x1400  }
0x73: {  	[sflag:s29] =	ssyncset.done $0x0  }
0x74: {  	s17 =	rddreg [dreg:$0xe];
	[sflag:s29] =	ssyncadd.s32 $0xFFFFEC00  }
0x75: {  	[spmem:s17] =	stream.linear.scatter [tilespmem:s28], [sflag:$0xC], $0x1400, $0x38;
	[tilespmem:$0x1EB80] =	vst v63  }
0x76: {  	_ =	swait.ge [sflag:s29], $0x1400  }
0x77: {  	[sflag:s29] =	ssyncset.done $0x0  }
0x78: {  	s18 =	rddreg [dreg:$0xf];
	[sflag:s29] =	ssyncadd.s32 $0xFFFFEC00  }
0x79: {  	[spmem:s18] =	stream.linear.scatter [tilespmem:s28], [sflag:$0xC], $0x1400, $0x38;
	[tilespmem:$0x1EB80] =	vst v63  }
0x7a: {  	_ =	swait.ge [sflag:s29], $0x1400  }
0x7b: {  	[sflag:s29] =	ssyncset.done $0x0  }
0x7c: {  	s16 =	rddreg [dreg:$0x10];
	[sflag:s29] =	ssyncadd.s32 $0xFFFFEC00  }
0x7d: {  	[spmem:s16] =	stream.linear.scatter [tilespmem:s28], [sflag:$0xC], $0x1400, $0x38;
	[tilespmem:$0x1EB80] =	vst v63  }
0x7e: {  	_ =	swait.ge [sflag:s29], $0x1400  }
0x7f: {  	[sflag:s29] =	ssyncset.done $0x0  }
0x80: {  	s17 =	rddreg [dreg:$0x13];
	[sflag:s29] =	ssyncadd.s32 $0xFFFFEC00  }
0x81: {  	[spmem:s17] =	stream.linear.scatter [tilespmem:s28], [sflag:$0xC], $0x1400, $0x38;
	[tilespmem:$0x1EB80] =	vst v63  }
0x82: {  	_ =	swait.ge [sflag:s29], $0x1400  }
0x83: {  	[sflag:s29] =	ssyncset.done $0x0  }
0x84: {  	[sflag:s29] =	ssyncadd.s32 $0xFFFFEC00  }
0x85: {  	[spmem:s19] =	stream.linear.scatter [tilespmem:s28], [sflag:$0xC], $0x1400, $0x38;
	[tilespmem:$0x1EB80] =	vst v63  }
0x86: {  	_ =	swait.ge [sflag:s29], $0x1400  }
0x87: {  	[sflag:s29] =	ssyncset.done $0x0  }
0x88: {  	[sflag:s29] =	ssyncadd.s32 $0xFFFFEC00  }
0x89: {  	[spmem:s20] =	stream.linear.scatter [tilespmem:s28], [sflag:$0xC], $0x1400, $0x38;
	[tilespmem:$0x1EB80] =	vst v63  }
0x8a: {  	_ =	swait.ge [sflag:s29], $0x1400  }
0x8b: {  	[sflag:s29] =	ssyncset.done $0x0  }
0x8c: {  	[sflag:s29] =	ssyncadd.s32 $0xFFFFEC00  }
0x8d: {  	[spmem:s22] =	stream.linear.scatter [tilespmem:s28], [sflag:$0xC], $0xC00, $0x38;
	[tilespmem:$0x1EB80] =	vst v63  }
0x8e: {  	_ =	swait.ge [sflag:s29], $0xC00  }
0x8f: {  	[sflag:s29] =	ssyncset.done $0x0  }
0x90: {  	s15 =	simm.s32 @!p0 $0x9F00;
	[sflag:s29] =	ssyncadd.s32 $0xFFFFF400  }
0x91: {  	[spmem:s23] =	stream.linear.scatter @!p0 [tilespmem:s15], [sflag:$0xC], $0x800, $0x38;
	[tilespmem:$0x1EB80] =	vst v63  }
0x92: {  	s15 =	simm.s32 @!p0 $0xC  }
0x93: {  	_ =	swait.ge @!p0 [sflag:s15], $0x800  }
0x94: {  	[sflag:s15] =	ssyncset.done @!p0 $0x0  }
0x95: {  	s18 =	simm.s32 $0xA0;
	[sflag:s15] =	ssyncadd.s32 @!p0 $0xFFFFF800  }
0x96: {  	[tilespmem:s28], [sflag:$0x5] =	stream.indirect.gather [hbm4b:s0+s4], $0x80, s18, s4, $0xb8;
	[tilespmem:$0x1EB80] =	vst v63  }
0x97: {  	[bflag:$0x0] =	sbarrier.arrive $0xFFFF  }
0x98: {  	_ =	swait.ge [sflag:s30], $0x1400  }
0x99: {  	[sflag:s30] =	ssyncset.done $0x0  }
0x9a: {  	s16 =	simm.s32 $0x2780;
	[sflag:s30] =	ssyncadd.s32 $0xFFFFEC00  }
0x9b: {  	[spmem:s2] =	stream.indirect.scatter.add.f32 [tilespmem:s5], [sflag:$0x6], $0x80, s16, s4, $0xb8;
	[tilespmem:$0x1EB80] =	vst v63  }
0x9c: {  	_ =	swait.ge [sflag:s31], $0x1400  }
0x9d: {  	[sflag:s31] =	ssyncset.done $0x0  }
0x9e: {  	s17 =	simm.s32 $0xC8;
	[sflag:s31] =	ssyncadd.s32 $0xFFFFEC00  }
0x9f: {  	[tilespmem:s5], [sflag:$0x1] =	stream.indirect.gather [hbm4b:s0+s4], $0x80, s17, s4, $0xb8;
	[tilespmem:$0x1EB80] =	vst v63  }
0xa0: {  	_ =	swait.ge [sflag:s21], $0x1400  }
0xa1: {  	[sflag:s21] =	ssyncset.done $0x0  }
0xa2: {  	s18 =	simm.s32 $0x27A8;
	[sflag:s21] =	ssyncadd.s32 $0xFFFFEC00  }
0xa3: {  	[spmem:s2] =	stream.indirect.scatter.add.f32 [tilespmem:s24], [sflag:$0x7], $0x80, s18, s4, $0xb8;
	[tilespmem:$0x1EB80] =	vst v63  }
0xa4: {  	_ =	swait.ge [sflag:s7], $0x1400  }
0xa5: {  	[sflag:s7] =	ssyncset.done $0x0  }
0xa6: {  	s16 =	simm.s32 $0xF0;
	[sflag:s7] =	ssyncadd.s32 $0xFFFFEC00  }
0xa7: {  	[tilespmem:s24], [sflag:$0x2] =	stream.indirect.gather [hbm4b:s0+s4], $0x80, s16, s4, $0xb8;
	[tilespmem:$0x1EB80] =	vst v63  }
0xa8: {  	_ =	swait.ge [sflag:s8], $0x1400  }
0xa9: {  	[sflag:s8] =	ssyncset.done $0x0  }
0xaa: {  	s17 =	simm.s32 $0x27D0;
	[sflag:s8] =	ssyncadd.s32 $0xFFFFEC00  }
0xab: {  	[spmem:s2] =	stream.indirect.scatter.add.f32 [tilespmem:s25], [sflag:$0x8], $0x80, s17, s4, $0xb8;
	[tilespmem:$0x1EB80] =	vst v63  }
0xac: {  	_ =	swait.ge [sflag:s9], $0x1400  }
0xad: {  	[sflag:s9] =	ssyncset.done $0x0  }
0xae: {  	s18 =	simm.s32 $0x118;
	[sflag:s9] =	ssyncadd.s32 $0xFFFFEC00  }
0xaf: {  	[tilespmem:s25], [sflag:$0x3] =	stream.indirect.gather [hbm4b:s0+s4], $0x80, s18, s4, $0xb8;
	[tilespmem:$0x1EB80] =	vst v63  }
0xb0: {  	_ =	swait.ge [sflag:s10], $0x1400  }
0xb1: {  	[sflag:s10] =	ssyncset.done $0x0  }
0xb2: {  	s16 =	simm.s32 $0x27F8;
	[sflag:s10] =	ssyncadd.s32 $0xFFFFEC00  }
0xb3: {  	[spmem:s2] =	stream.indirect.scatter.add.f32 [tilespmem:s26], [sflag:$0x9], $0x80, s16, s4, $0xb8;
	[tilespmem:$0x1EB80] =	vst v63  }
0xb4: {  	_ =	swait.ge [sflag:s11], $0x1400  }
0xb5: {  	[sflag:s11] =	ssyncset.done $0x0  }
0xb6: {  	s17 =	simm.s32 $0x140;
	[sflag:s11] =	ssyncadd.s32 $0xFFFFEC00  }
0xb7: {  	[tilespmem:s26], [sflag:$0x4] =	stream.indirect.gather [hbm4b:s0+s4], $0x80, s17, s4, $0xb8;
	[tilespmem:$0x1EB80] =	vst v63  }
0xb8: {  	_ =	swait.ge [sflag:s12], $0x1400  }
0xb9: {  	[sflag:s12] =	ssyncset.done $0x0  }
0xba: {  	s18 =	simm.s32 $0x2820;
	[sflag:s12] =	ssyncadd.s32 $0xFFFFEC00  }
0xbb: {  	[spmem:s2] =	stream.indirect.scatter.add.f32 [tilespmem:s28], [sflag:$0xA], $0x80, s18, s4, $0xb8;
	[tilespmem:$0x1EB80] =	vst v63  }
0xbc: {  	_ =	swait.ge [sflag:s13], $0x1400  }
0xbd: {  	[sflag:s13] =	ssyncset.done $0x0  }
0xbe: {  	s15 =	simm.s32 $0x320;
	s16 =	simm.s32 $0x168;
	[sflag:s13] =	ssyncadd.s32 $0xFFFFEC00  }
.LBB2_4:
0xbf: {  	[tilespmem:s28], [sflag:$0x5] =	stream.indirect.gather [hbm4b:s0+s4], $0x80, s16, s4, $0xb8;
	[tilespmem:$0x1EB80] =	vst v63  }
0xc0: {  	s16 =	smov.u32 s15  }
0xc1: {  	p1 =	sne.s32 s15, $0x9600;
	s15 =	sadd.s32 $0x320, s15;
	_ =	swait.ge [sflag:s30], $0x1400  }
0xc2: {  	s16 =	sshra.s32 s16, $0x2;
	[sflag:s30] =	ssyncset.done $0x0  }
0xc3: {  	s17 =	sadd.s32 $0x2780, s16;
	[sflag:s30] =	ssyncadd.s32 $0xFFFFEC00  }
0xc4: {  	[spmem:s2] =	stream.indirect.scatter.add.f32 [tilespmem:s5], [sflag:$0x6], $0x80, s17, s4, $0xb8;
	[tilespmem:$0x1EB80] =	vst v63  }
0xc5: {  	_ =	swait.ge [sflag:s31], $0x1400  }
0xc6: {  	[sflag:s31] =	ssyncset.done $0x0  }
0xc7: {  	s17 =	sadd.s32 $0xC8, s16;
	[sflag:s31] =	ssyncadd.s32 $0xFFFFEC00  }
0xc8: {  	[tilespmem:s5], [sflag:$0x1] =	stream.indirect.gather [hbm4b:s0+s4], $0x80, s17, s4, $0xb8;
	[tilespmem:$0x1EB80] =	vst v63  }
0xc9: {  	_ =	swait.ge [sflag:s21], $0x1400  }
0xca: {  	[sflag:s21] =	ssyncset.done $0x0  }
0xcb: {  	s17 =	sadd.s32 $0x27A8, s16;
	[sflag:s21] =	ssyncadd.s32 $0xFFFFEC00  }
0xcc: {  	[spmem:s2] =	stream.indirect.scatter.add.f32 [tilespmem:s24], [sflag:$0x7], $0x80, s17, s4, $0xb8;
	[tilespmem:$0x1EB80] =	vst v63  }
0xcd: {  	_ =	swait.ge [sflag:s7], $0x1400  }
0xce: {  	[sflag:s7] =	ssyncset.done $0x0  }
0xcf: {  	s17 =	sadd.s32 $0xF0, s16;
	[sflag:s7] =	ssyncadd.s32 $0xFFFFEC00  }
0xd0: {  	[tilespmem:s24], [sflag:$0x2] =	stream.indirect.gather [hbm4b:s0+s4], $0x80, s17, s4, $0xb8;
	[tilespmem:$0x1EB80] =	vst v63  }
0xd1: {  	_ =	swait.ge [sflag:s8], $0x1400  }
0xd2: {  	[sflag:s8] =	ssyncset.done $0x0  }
0xd3: {  	s17 =	sadd.s32 $0x27D0, s16;
	[sflag:s8] =	ssyncadd.s32 $0xFFFFEC00  }
0xd4: {  	[spmem:s2] =	stream.indirect.scatter.add.f32 [tilespmem:s25], [sflag:$0x8], $0x80, s17, s4, $0xb8;
	[tilespmem:$0x1EB80] =	vst v63  }
0xd5: {  	_ =	swait.ge [sflag:s9], $0x1400  }
0xd6: {  	[sflag:s9] =	ssyncset.done $0x0  }
0xd7: {  	s17 =	sadd.s32 $0x118, s16;
	[sflag:s9] =	ssyncadd.s32 $0xFFFFEC00  }
0xd8: {  	[tilespmem:s25], [sflag:$0x3] =	stream.indirect.gather [hbm4b:s0+s4], $0x80, s17, s4, $0xb8;
	[tilespmem:$0x1EB80] =	vst v63  }
0xd9: {  	_ =	swait.ge [sflag:s10], $0x1400  }
0xda: {  	[sflag:s10] =	ssyncset.done $0x0  }
0xdb: {  	s17 =	sadd.s32 $0x27F8, s16;
	[sflag:s10] =	ssyncadd.s32 $0xFFFFEC00  }
0xdc: {  	[spmem:s2] =	stream.indirect.scatter.add.f32 [tilespmem:s26], [sflag:$0x9], $0x80, s17, s4, $0xb8;
	[tilespmem:$0x1EB80] =	vst v63  }
0xdd: {  	_ =	swait.ge [sflag:s11], $0x1400  }
0xde: {  	[sflag:s11] =	ssyncset.done $0x0  }
0xdf: {  	s17 =	sadd.s32 $0x140, s16;
	[sflag:s11] =	ssyncadd.s32 $0xFFFFEC00  }
0xe0: {  	[tilespmem:s26], [sflag:$0x4] =	stream.indirect.gather [hbm4b:s0+s4], $0x80, s17, s4, $0xb8;
	[tilespmem:$0x1EB80] =	vst v63  }
0xe1: {  	_ =	swait.ge [sflag:s12], $0x1400  }
0xe2: {  	[sflag:s12] =	ssyncset.done $0x0  }
.Ltmp1:
0xe3: {  	s17 =	sadd.s32 $0x2820, s16;
	[sflag:s12] =	ssyncadd.s32 $0xFFFFEC00;
	(pc) =	sbr.rel @p1 .LBB2_4-.Ltmp1, $4  }
0xe4: {  	[spmem:s2] =	stream.indirect.scatter.add.f32 [tilespmem:s28], [sflag:$0xA], $0x80, s17, s4, $0xb8;
	[tilespmem:$0x1EB80] =	vst v63  }
0xe5: {  	_ =	swait.ge [sflag:s13], $0x1400  }
0xe6: {  	[sflag:s13] =	ssyncset.done $0x0  }
0xe7: {  	s16 =	sadd.s32 $0x168, s16;
	[sflag:s13] =	ssyncadd.s32 $0xFFFFEC00  }
0xe8: {  	[tilespmem:s28], [sflag:$0x5] =	stream.indirect.gather [hbm4b:s0+s4], $0x80, s16, s4, $0xb8;
	[tilespmem:$0x1EB80] =	vst v63  }
0xe9: {  	_ =	swait.ge [sflag:s30], $0x1400  }
0xea: {  	[sflag:s30] =	ssyncset.done $0x0  }
0xeb: {  	s15 =	simm.s32 $0x4DC8;
	[sflag:s30] =	ssyncadd.s32 $0xFFFFEC00  }
0xec: {  	[spmem:s2] =	stream.indirect.scatter.add.f32 [tilespmem:s5], [sflag:$0x6], $0x80, s15, s4, $0xb8;
	[tilespmem:$0x1EB80] =	vst v63  }
0xed: {  	_ =	swait.ge [sflag:s31], $0x1400  }
0xee: {  	[sflag:s31] =	ssyncset.done $0x0  }
0xef: {  	[sflag:s31] =	ssyncadd.s32 $0xFFFFEC00  }
0xf0: {  	_ =	swait.ge [sflag:s21], $0x1400  }
0xf1: {  	[sflag:s21] =	ssyncset.done $0x0  }
0xf2: {  	s16 =	simm.s32 $0x4DF0;
	[sflag:s21] =	ssyncadd.s32 $0xFFFFEC00  }
0xf3: {  	[spmem:s2] =	stream.indirect.scatter.add.f32 [tilespmem:s24], [sflag:$0x7], $0x80, s16, s4, $0xb8;
	[tilespmem:$0x1EB80] =	vst v63  }
0xf4: {  	_ =	swait.ge [sflag:s7], $0x1400  }
0xf5: {  	[sflag:s7] =	ssyncset.done $0x0  }
0xf6: {  	[sflag:s7] =	ssyncadd.s32 $0xFFFFEC00  }
0xf7: {  	_ =	swait.ge [sflag:s8], $0x1400  }
0xf8: {  	[sflag:s8] =	ssyncset.done $0x0  }
0xf9: {  	s17 =	simm.s32 $0x4E18;
	[sflag:s8] =	ssyncadd.s32 $0xFFFFEC00  }
0xfa: {  	[spmem:s2] =	stream.indirect.scatter.add.f32 [tilespmem:s25], [sflag:$0x8], $0x80, s17, s4, $0xb8;
	[tilespmem:$0x1EB80] =	vst v63  }
0xfb: {  	_ =	swait.ge [sflag:s9], $0x1400  }
0xfc: {  	[sflag:s9] =	ssyncset.done $0x0  }
0xfd: {  	[sflag:s9] =	ssyncadd.s32 $0xFFFFEC00  }
0xfe: {  	_ =	swait.ge [sflag:s10], $0x1400  }
0xff: {  	[sflag:s10] =	ssyncset.done $0x0  }
0x100: {  	s18 =	simm.s32 $0x4E40;
	[sflag:s10] =	ssyncadd.s32 $0xFFFFEC00  }
0x101: {  	[spmem:s2] =	stream.indirect.scatter.add.f32 [tilespmem:s26], [sflag:$0x9], $0x80, s18, s4, $0xb8;
	[tilespmem:$0x1EB80] =	vst v63  }
0x102: {  	_ =	swait.ge [sflag:s11], $0x1400  }
0x103: {  	[sflag:s11] =	ssyncset.done $0x0  }
0x104: {  	[sflag:s11] =	ssyncadd.s32 $0xFFFFEC00  }
0x105: {  	_ =	swait.ge [sflag:s12], $0x1400  }
0x106: {  	[sflag:s12] =	ssyncset.done $0x0  }
0x107: {  	s16 =	simm.s32 $0x4E68;
	[sflag:s12] =	ssyncadd.s32 $0xFFFFEC00  }
0x108: {  	[spmem:s2] =	stream.indirect.scatter.add.f32 [tilespmem:s28], [sflag:$0xA], $0x80, s16, s4, $0xb8;
	[tilespmem:$0x1EB80] =	vst v63  }
0x109: {  	_ =	swait.ge [sflag:s13], $0x1400  }
0x10a: {  	[sflag:s13] =	ssyncset.done $0x0  }
0x10b: {  	[sflag:s13] =	ssyncadd.s32 $0xFFFFEC00  }
0x10c: {  	[bflag:$0x0] =	sbarrier.arrive $0xFFFF  }
0x10d: {  	[tilespmem:s5], [sflag:$0x1] =	stream.linear.gather [spmem:s6], $0x1400, $0x38;
	[tilespmem:$0x1EB80] =	vst v63  }
0x10e: {  	_ =	swait.ge [sflag:s30], $0x1400  }
0x10f: {  	[sflag:s30] =	ssyncset.done $0x0  }
0x110: {  	s17 =	rddreg [dreg:$0x11];
	[sflag:s30] =	ssyncadd.s32 $0xFFFFEC00  }
0x111: {  	[hbm4b:s17+s3] =	stream.linear.scatter [tilespmem:s5], [sflag:$0x6], $0x1400, $0x38;
	[tilespmem:$0x1EB80] =	vst v63  }
0x112: {  	s18 =	rddreg [dreg:$0x6]  }
0x113: {  	[tilespmem:s24], [sflag:$0x2] =	stream.linear.gather [spmem:s18], $0x1400, $0x38;
	[tilespmem:$0x1EB80] =	vst v63  }
0x114: {  	_ =	swait.ge [sflag:s21], $0x1400  }
0x115: {  	[sflag:s21] =	ssyncset.done $0x0  }
0x116: {  	s16 =	rddreg [dreg:$0x15];
	[sflag:s21] =	ssyncadd.s32 $0xFFFFEC00  }
0x117: {  	[hbm4b:s16+s3] =	stream.linear.scatter [tilespmem:s24], [sflag:$0x7], $0x1400, $0x38;
	[tilespmem:$0x1EB80] =	vst v63  }
0x118: {  	_ =	swait.ge [sflag:s31], $0x1400  }
0x119: {  	[sflag:s31] =	ssyncset.done $0x0  }
0x11a: {  	s17 =	rddreg [dreg:$0x7];
	[sflag:s31] =	ssyncadd.s32 $0xFFFFEC00  }
0x11b: {  	[tilespmem:s5], [sflag:$0x1] =	stream.linear.gather [spmem:s17], $0x1400, $0x38;
	[tilespmem:$0x1EB80] =	vst v63  }
0x11c: {  	_ =	swait.ge [sflag:s30], $0x1400  }
0x11d: {  	[sflag:s30] =	ssyncset.done $0x0  }
0x11e: {  	s18 =	rddreg [dreg:$0x16];
	[sflag:s30] =	ssyncadd.s32 $0xFFFFEC00  }
0x11f: {  	[hbm4b:s18+s3] =	stream.linear.scatter [tilespmem:s5], [sflag:$0x6], $0x1400, $0x38;
	[tilespmem:$0x1EB80] =	vst v63  }
0x120: {  	_ =	swait.ge [sflag:s7], $0x1400  }
0x121: {  	[sflag:s7] =	ssyncset.done $0x0  }
0x122: {  	s16 =	rddreg [dreg:$0x8];
	[sflag:s7] =	ssyncadd.s32 $0xFFFFEC00  }
0x123: {  	[tilespmem:s24], [sflag:$0x2] =	stream.linear.gather [spmem:s16], $0x1400, $0x38;
	[tilespmem:$0x1EB80] =	vst v63  }
0x124: {  	_ =	swait.ge [sflag:s21], $0x1400  }
0x125: {  	[sflag:s21] =	ssyncset.done $0x0  }
0x126: {  	s17 =	rddreg [dreg:$0x17];
	[sflag:s21] =	ssyncadd.s32 $0xFFFFEC00  }
0x127: {  	[hbm4b:s17+s3] =	stream.linear.scatter [tilespmem:s24], [sflag:$0x7], $0x1400, $0x38;
	[tilespmem:$0x1EB80] =	vst v63  }
0x128: {  	_ =	swait.ge [sflag:s31], $0x1400  }
0x129: {  	[sflag:s31] =	ssyncset.done $0x0  }
0x12a: {  	s18 =	rddreg [dreg:$0x9];
	[sflag:s31] =	ssyncadd.s32 $0xFFFFEC00  }
0x12b: {  	[tilespmem:s5], [sflag:$0x1] =	stream.linear.gather [spmem:s18], $0x1400, $0x38;
	[tilespmem:$0x1EB80] =	vst v63  }
0x12c: {  	_ =	swait.ge [sflag:s30], $0x1400  }
0x12d: {  	[sflag:s30] =	ssyncset.done $0x0  }
0x12e: {  	s16 =	rddreg [dreg:$0x18];
	[sflag:s30] =	ssyncadd.s32 $0xFFFFEC00  }
0x12f: {  	[hbm4b:s16+s3] =	stream.linear.scatter [tilespmem:s5], [sflag:$0x6], $0x1400, $0x38;
	[tilespmem:$0x1EB80] =	vst v63  }
0x130: {  	_ =	swait.ge [sflag:s7], $0x1400  }
0x131: {  	[sflag:s7] =	ssyncset.done $0x0  }
0x132: {  	s17 =	rddreg [dreg:$0xa];
	[sflag:s7] =	ssyncadd.s32 $0xFFFFEC00  }
0x133: {  	[tilespmem:s24], [sflag:$0x2] =	stream.linear.gather [spmem:s17], $0x1400, $0x38;
	[tilespmem:$0x1EB80] =	vst v63  }
0x134: {  	_ =	swait.ge [sflag:s21], $0x1400  }
0x135: {  	[sflag:s21] =	ssyncset.done $0x0  }
0x136: {  	s18 =	rddreg [dreg:$0x19];
	[sflag:s21] =	ssyncadd.s32 $0xFFFFEC00  }
0x137: {  	[hbm4b:s18+s3] =	stream.linear.scatter [tilespmem:s24], [sflag:$0x7], $0x1400, $0x38;
	[tilespmem:$0x1EB80] =	vst v63  }
0x138: {  	_ =	swait.ge [sflag:s31], $0x1400  }
0x139: {  	[sflag:s31] =	ssyncset.done $0x0  }
0x13a: {  	s16 =	rddreg [dreg:$0xb];
	[sflag:s31] =	ssyncadd.s32 $0xFFFFEC00  }
0x13b: {  	[tilespmem:s5], [sflag:$0x1] =	stream.linear.gather [spmem:s16], $0x1400, $0x38;
	[tilespmem:$0x1EB80] =	vst v63  }
0x13c: {  	_ =	swait.ge [sflag:s30], $0x1400  }
0x13d: {  	[sflag:s30] =	ssyncset.done $0x0  }
0x13e: {  	s17 =	rddreg [dreg:$0x1a];
	[sflag:s30] =	ssyncadd.s32 $0xFFFFEC00  }
0x13f: {  	[hbm4b:s17+s3] =	stream.linear.scatter [tilespmem:s5], [sflag:$0x6], $0x1400, $0x38;
	[tilespmem:$0x1EB80] =	vst v63  }
0x140: {  	_ =	swait.ge [sflag:s7], $0x1400  }
0x141: {  	[sflag:s7] =	ssyncset.done $0x0  }
0x142: {  	s18 =	rddreg [dreg:$0xc];
	[sflag:s7] =	ssyncadd.s32 $0xFFFFEC00  }
0x143: {  	[tilespmem:s24], [sflag:$0x2] =	stream.linear.gather [spmem:s18], $0x1400, $0x38;
	[tilespmem:$0x1EB80] =	vst v63  }
0x144: {  	_ =	swait.ge [sflag:s21], $0x1400  }
0x145: {  	[sflag:s21] =	ssyncset.done $0x0  }
0x146: {  	s16 =	rddreg [dreg:$0x1b];
	[sflag:s21] =	ssyncadd.s32 $0xFFFFEC00  }
0x147: {  	[hbm4b:s16+s3] =	stream.linear.scatter [tilespmem:s24], [sflag:$0x7], $0x1400, $0x38;
	[tilespmem:$0x1EB80] =	vst v63  }
0x148: {  	_ =	swait.ge [sflag:s31], $0x1400  }
0x149: {  	[sflag:s31] =	ssyncset.done $0x0  }
0x14a: {  	s17 =	rddreg [dreg:$0xd];
	[sflag:s31] =	ssyncadd.s32 $0xFFFFEC00  }
0x14b: {  	[tilespmem:s5], [sflag:$0x1] =	stream.linear.gather [spmem:s17], $0x1400, $0x38;
	[tilespmem:$0x1EB80] =	vst v63  }
0x14c: {  	_ =	swait.ge [sflag:s30], $0x1400  }
0x14d: {  	[sflag:s30] =	ssyncset.done $0x0  }
0x14e: {  	s18 =	rddreg [dreg:$0x1c];
	[sflag:s30] =	ssyncadd.s32 $0xFFFFEC00  }
0x14f: {  	[hbm4b:s18+s3] =	stream.linear.scatter [tilespmem:s5], [sflag:$0x6], $0x1400, $0x38;
	[tilespmem:$0x1EB80] =	vst v63  }
0x150: {  	_ =	swait.ge [sflag:s7], $0x1400  }
0x151: {  	[sflag:s7] =	ssyncset.done $0x0  }
0x152: {  	s16 =	rddreg [dreg:$0xe];
	[sflag:s7] =	ssyncadd.s32 $0xFFFFEC00  }
0x153: {  	[tilespmem:s24], [sflag:$0x2] =	stream.linear.gather [spmem:s16], $0x1400, $0x38;
	[tilespmem:$0x1EB80] =	vst v63  }
0x154: {  	_ =	swait.ge [sflag:s21], $0x1400  }
0x155: {  	[sflag:s21] =	ssyncset.done $0x0  }
0x156: {  	s17 =	rddreg [dreg:$0x1d];
	[sflag:s21] =	ssyncadd.s32 $0xFFFFEC00  }
0x157: {  	[hbm4b:s17+s3] =	stream.linear.scatter [tilespmem:s24], [sflag:$0x7], $0x1400, $0x38;
	[tilespmem:$0x1EB80] =	vst v63  }
0x158: {  	_ =	swait.ge [sflag:s31], $0x1400  }
0x159: {  	[sflag:s31] =	ssyncset.done $0x0  }
0x15a: {  	s18 =	rddreg [dreg:$0xf];
	[sflag:s31] =	ssyncadd.s32 $0xFFFFEC00  }
0x15b: {  	[tilespmem:s5], [sflag:$0x1] =	stream.linear.gather [spmem:s18], $0x1400, $0x38;
	[tilespmem:$0x1EB80] =	vst v63  }
0x15c: {  	_ =	swait.ge [sflag:s30], $0x1400  }
0x15d: {  	[sflag:s30] =	ssyncset.done $0x0  }
0x15e: {  	s16 =	rddreg [dreg:$0x1e];
	[sflag:s30] =	ssyncadd.s32 $0xFFFFEC00  }
0x15f: {  	[hbm4b:s16+s3] =	stream.linear.scatter [tilespmem:s5], [sflag:$0x6], $0x1400, $0x38;
	[tilespmem:$0x1EB80] =	vst v63  }
0x160: {  	_ =	swait.ge [sflag:s7], $0x1400  }
0x161: {  	[sflag:s7] =	ssyncset.done $0x0  }
0x162: {  	s17 =	rddreg [dreg:$0x10];
	[sflag:s7] =	ssyncadd.s32 $0xFFFFEC00  }
0x163: {  	[tilespmem:s24], [sflag:$0x2] =	stream.linear.gather [spmem:s17], $0x1400, $0x38;
	[tilespmem:$0x1EB80] =	vst v63  }
0x164: {  	_ =	swait.ge [sflag:s21], $0x1400  }
0x165: {  	[sflag:s21] =	ssyncset.done $0x0  }
0x166: {  	s18 =	rddreg [dreg:$0x1f];
	[sflag:s21] =	ssyncadd.s32 $0xFFFFEC00  }
0x167: {  	[hbm4b:s18+s3] =	stream.linear.scatter [tilespmem:s24], [sflag:$0x7], $0x1400, $0x38;
	[tilespmem:$0x1EB80] =	vst v63  }
0x168: {  	_ =	swait.ge [sflag:s31], $0x1400  }
0x169: {  	[sflag:s31] =	ssyncset.done $0x0  }
0x16a: {  	s16 =	rddreg [dreg:$0x13];
	[sflag:s31] =	ssyncadd.s32 $0xFFFFEC00  }
0x16b: {  	[tilespmem:s5], [sflag:$0x1] =	stream.linear.gather [spmem:s16], $0x1400, $0x38;
	[tilespmem:$0x1EB80] =	vst v63  }
0x16c: {  	_ =	swait.ge [sflag:s30], $0x1400  }
0x16d: {  	s17 =	sld [smem:$0x7FA]  }
0x16e: {  	[sflag:s30] =	ssyncset.done $0x0  }
0x16f: {  	[sflag:s30] =	ssyncadd.s32 $0xFFFFEC00  }
0x170: {  	[hbm4b:s17+s3] =	stream.linear.scatter [tilespmem:s5], [sflag:$0x6], $0x1400, $0x38;
	[tilespmem:$0x1EB80] =	vst v63  }
0x171: {  	_ =	swait.ge [sflag:s7], $0x1400  }
0x172: {  	[sflag:s7] =	ssyncset.done $0x0  }
0x173: {  	[sflag:s7] =	ssyncadd.s32 $0xFFFFEC00  }
0x174: {  	[tilespmem:s24], [sflag:$0x2] =	stream.linear.gather [spmem:s19], $0x1400, $0x38;
	[tilespmem:$0x1EB80] =	vst v63  }
0x175: {  	_ =	swait.ge [sflag:s21], $0x1400  }
0x176: {  	s18 =	sld [smem:$0x7FB]  }
0x177: {  	[sflag:s21] =	ssyncset.done $0x0  }
0x178: {  	[sflag:s21] =	ssyncadd.s32 $0xFFFFEC00  }
0x179: {  	[hbm4b:s18+s3] =	stream.linear.scatter [tilespmem:s24], [sflag:$0x7], $0x1400, $0x38;
	[tilespmem:$0x1EB80] =	vst v63  }
0x17a: {  	_ =	swait.ge [sflag:s31], $0x1400  }
0x17b: {  	[sflag:s31] =	ssyncset.done $0x0  }
0x17c: {  	[sflag:s31] =	ssyncadd.s32 $0xFFFFEC00  }
0x17d: {  	[tilespmem:s5], [sflag:$0x1] =	stream.linear.gather [spmem:s20], $0x1400, $0x38;
	[tilespmem:$0x1EB80] =	vst v63  }
0x17e: {  	_ =	swait.ge [sflag:s30], $0x1400  }
0x17f: {  	s16 =	sld [smem:$0x7FC]  }
0x180: {  	[sflag:s30] =	ssyncset.done $0x0  }
0x181: {  	[sflag:s30] =	ssyncadd.s32 $0xFFFFEC00  }
0x182: {  	[hbm4b:s16+s3] =	stream.linear.scatter [tilespmem:s5], [sflag:$0x6], $0x1400, $0x38;
	[tilespmem:$0x1EB80] =	vst v63  }
0x183: {  	_ =	swait.ge [sflag:s31], $0x1400  }
0x184: {  	[sflag:s31] =	ssyncset.done $0x0  }
0x185: {  	[sflag:s31] =	ssyncadd.s32 $0xFFFFEC00  }
0x186: {  	_ =	swait.ge [sflag:s7], $0x1400  }
0x187: {  	[sflag:s7] =	ssyncset.done $0x0  }
0x188: {  	[sflag:s7] =	ssyncadd.s32 $0xFFFFEC00  }
0x189: {  	[tilespmem:s5], [sflag:$0xC] =	stream.linear.gather [spmem:s22], $0xC00, $0x38;
	[tilespmem:$0x1EB80] =	vst v63  }
0x18a: {  	_ =	swait.ge [sflag:s29], $0xC00  }
0x18b: {  	s17 =	sld [smem:$0x7FD]  }
0x18c: {  	[sflag:s29] =	ssyncset.done $0x0  }
0x18d: {  	[sflag:s29] =	ssyncadd.s32 $0xFFFFF400  }
0x18e: {  	[hbm4b:s17+s3] =	stream.linear.scatter [tilespmem:s5], [sflag:$0xC], $0xC00, $0x38;
	[tilespmem:$0x1EB80] =	vst v63  }
0x18f: {  	_ =	swait.ge [sflag:s29], $0xC00  }
0x190: {  	[sflag:s29] =	ssyncset.done $0x0  }
0x191: {  	s15 =	simm.s32 @!p0 $0x6300;
	s16 =	simm.s32 @!p0 $0xC;
	[sflag:s29] =	ssyncadd.s32 $0xFFFFF400  }
0x192: {  	[tilespmem:s15], [sflag:$0xC] =	stream.linear.gather @!p0 [spmem:s23], $0x800, $0x38;
	[tilespmem:$0x1EB80] =	vst v63  }
0x193: {  	_ =	swait.ge @!p0 [sflag:s16], $0x800  }
0x194: {  	[sflag:s16] =	ssyncset.done @!p0 $0x0  }
0x195: {  	s17 =	simm.s32 @!p0 $0x0;
	s18 =	rddreg [dreg:$0x12];
	[sflag:s16] =	ssyncadd.s32 @!p0 $0xFFFFF800  }
0x196: {  	[hbm4b:s18+s17] =	stream.linear.scatter @!p0 [tilespmem:s15], [sflag:$0xC], $0x800, $0x38;
	[tilespmem:$0x1EB80] =	vst v63  }
0x197: {  	_ =	swait.ge @!p0 [sflag:s16], $0x800  }
0x198: {  	s14 =	sadd.s32 $0x1, s14;
	s18 =	rddreg [dreg:$0x14]  }
0x199: {  	p1 =	sne.s32 s14, s18  }
.Ltmp2:
0x19a: {  	_ = 	snop;
	(pc) =	sbr.rel @p1 .LBB2_1-.Ltmp2, $3  }
0x19b: {  	_ =	sdelay $0x1  }
0x19c: {  	[sflag:s16] =	ssyncset.done @!p0 $0x0  }
0x19d: {  	[sflag:s16] =	ssyncadd.s32 @!p0 $0xFFFFF800  }
0x19e: {  	_ =	sfence.sel $0x180000  }
0x19f: {  	[bflag:$0x0] =	sbarrier.arrive $0xFFFF  }
0x1a0: {  	_ =	strace $0x9000004A  }
0x1a1: {  	[bflag:$0x2] =	sbarrier.arrive $0xFFFF  }
0x1a2: {  	s0 =	rddreg [dreg:$0x3]  }
0x1a3: {  	s0 =	sadd.s32 @!p0 $0x100000, s0  }
0x1a4: {  	[sflag:s0] =	ssyncadd.tile.s32 @!p0 $0x1;
	_ =	shalt  }
.Lfunc_end2:
_tile_overlayer_lowered:
.L_overlay_start_2:
0x1a5: {  	(tag) =	ssettag $0x2  }
0x1a6: {  	s0 =	rddreg [dreg:$0x0];
	s2 =	stileid.u32  }
0x1a7: {  	s1 =	rddreg [dreg:$0x1];
	p0 =	sne.s32 s2, $0x0  }
0x1a8: {  	s3 =	rddreg [dreg:$0x2];
	[bflag:$0x3] =	sbarrier.arrive $0xFFFF;
	s2 =	simm.s32 @!p0 $0x1C0C  }
0x1a9: {  	[timem:s3], [sflag:s2] =	dma.local @!p0 [hbm:s0], s1  }
0x1aa: {  	s0 =	simm.s32 @!p0 $0xC  }
0x1ab: {  	_ =	swait.ge @!p0 [sflag:s0], s1  }
0x1ac: {  	s1 =	ssub.s32 @!p0 $0x0, s1;
	[sflag:s0] =	ssyncset.done @!p0 $0x0  }
0x1ad: {  	[sflag:s0] =	ssyncadd.s32 @!p0 s1  }
0x1ae: {  	[bflag:$0x3] =	sbarrier.arrive $0xFFFF  }
0x1af: {  	_ =	shalt  }

// kernel: kernel.8.cloned.1.call-start
scs
__scs_entry_jumppad:
0x0: {  	(pc) =	sbr.rel $0x88, $3  }
0x1: {  	(tag) =	ssettag $0x0;
	lr =	simm.s32 $0x1  }
0x2: {  	[smem:$0x3F9E] =	sst lr;
	_ =	strace $0xD0000000  }
0x3: {  	_ = 	snop  }
0x4: {  	_ = 	snop  }
0x5: {  	_ = 	snop  }
0x6: {  	_ = 	snop  }
0x7: {  	_ = 	snop  }
__scs_overlays_trampoline_lowered:
0x8: {  	[smem:$0x3FAD] =	sst s0  }
0x9: {  	[smem:$0x3FAE] =	sst s1  }
0xa: {  	[smem:$0x3FAF] =	sst s2  }
0xb: {  	[smem:$0x3FB0] =	sst s3  }
0xc: {  	[smem:$0x3FB1] =	sst s4  }
0xd: {  	[smem:$0x3FB2] =	sst s5  }
0xe: {  	[smem:$0x3FB3] =	sst s6  }
0xf: {  	[smem:$0x3FB4] =	sst s7  }
0x10: {  	[smem:$0x3FB5] =	sst s8  }
0x11: {  	[smem:$0x3FB6] =	sst s9;
	s0 =	simm.s32 @!p0 $0x0  }
0x12: {  	s1 =	sld [smem:$0x3F9C];
	s0 =	simm.s32 @p0 $0x1  }
0x13: {  	[smem:$0x3FB7] =	sst s0;
	s0 =	simm.s32 @!p1 $0x0  }
0x14: {  	s2 =	sld [smem:$0x3F9B];
	s0 =	simm.s32 @p1 $0x1  }
0x15: {  	[smem:$0x3FB8] =	sst s0;
	s0 =	simm.s32 @!p2 $0x0  }
0x16: {  	s3 =	sld [smem:$0x3FDB];
	s0 =	simm.s32 @p2 $0x1  }
0x17: {  	s4 =	simm.s32 $0x1BF5;
	[smem:$0x3FBA] =	sst s0  }
0x18: {  	s0 =	sld [smem:$0x3F9D];
	_ =	swait.ge [sflag:s4], $0x0  }
0x19: {  	s7 =	sld [smem:$0x3F9E]  }
0x1a: {  	s8 =	sadd.s32 $0xFFFFE003, lr  }
0x1b: {  	s9 =	sadd.s32 $0xFFFFFEF7, lr;
	s5 =	simm.s32 $0xFFFFFFFF;
	p2 =	slt.u32 s8, $0xFFFFF086  }
0x1c: {  	p1 =	slt.u32 s9, $0xF7A;
	s5 =	simm.s32 @!p2 $0x0  }
0x1d: {  	s5 =	simm.s32 @p1 $0x1;
	p0 =	seq.s32 s7, s2  }
0x1e: {  	s7 =	smul.u32 @!p0 $0xF7A, s2;
	p2 =	seq.s32 @!p0 s5, $0x0  }
0x1f: {  	s9 =	smul.u32 $0xF7A, s1;
	s8 =	simm.s32 @!p0 $0x1BF5;
	p2 =	por !p2, p0  }
0x20: {  	[sflag:s8] =	ssyncset.s32 @!p0 $0xFFFFF086;
	s6 =	sadd.s32 @!p0 s3, s7;
	s7 =	simm.s32 @!p0 $0x108  }
0x21: {  	s3 =	sadd.s32 s3, s9;
	s6 =	sadd.s32 @!p0 $0x88, s6;
	s7 =	simm.s32 @p2 $0x1082  }
0x22: {  	[simem:s7], [sflag:s8] =	dma.local @!p0 [hbm:s6], $0xF7A  }
0x23: {  	s9 =	sor.u32 $0xD0000000, s2;
	s6 =	simm.s32 $0x108;
	_ =	swait.ge @!p0 [sflag:s8], $0x0  }
0x24: {  	s3 =	sadd.s32 $0x88, s3;
	s6 =	simm.s32 @!p1 $0x1082;
	[sflag:s4] =	ssyncset.s32 $0xFFFFF086  }
0x25: {  	[simem:s6], [sflag:s4] =	dma.local [hbm:s3], $0xF7A  }
0x26: {  	[smem:$0x3F9E] =	sst s1;
	(tag) =	ssettag s2;
	_ =	strace s9  }
0x27: {  	s1 =	sld [smem:$0x3FAE]  }
0x28: {  	s2 =	sld [smem:$0x3FAF]  }
0x29: {  	s4 =	sld [smem:$0x3FB1]  }
0x2a: {  	p0 =	seq.s32 s5, $0x0;
	s5 =	sld [smem:$0x3FB2]  }
0x2b: {  	s6 =	sld [smem:$0x3FB3]  }
0x2c: {  	s7 =	sld [smem:$0x3FB4]  }
0x2d: {  	s3 =	simm.s32 $0x108;
	s8 =	sld [smem:$0x3FB5]  }
0x2e: {  	s3 =	simm.s32 @!p0 $0x1082;
	s9 =	sld [smem:$0x3FB6]  }
0x2f: {  	lr =	sadd.s32 s0, s3;
	s0 =	sld [smem:$0x3FAD]  }
0x30: {  	s3 =	sld [smem:$0x3FB0]  }
0x31: {  	[smem:$0x3FB9] =	sst s10  }
0x32: {  	s10 =	sld [smem:$0x3FB7];
	_ =	sdelay $0x3  }
0x33: {  	p0 =	seq.s32 s10, $0x1;
	s10 =	sld [smem:$0x3FB9];
	_ =	sdelay $0x3  }
0x34: {  	[smem:$0x3FB9] =	sst s10  }
0x35: {  	s10 =	sld [smem:$0x3FB8];
	_ =	sdelay $0x3  }
0x36: {  	p1 =	seq.s32 s10, $0x1;
	s10 =	sld [smem:$0x3FB9];
	_ =	sdelay $0x3  }
0x37: {  	[smem:$0x3FB9] =	sst s10  }
0x38: {  	s10 =	sld [smem:$0x3FBA]  }
0x39: {  	_ = 	snop;
	(pc) =	sbr.ind lr, $3  }
0x3a: {  	_ = 	snop  }
0x3b: {  	_ = 	snop  }
0x3c: {  	p2 =	seq.s32 s10, $0x1;
	s10 =	sld [smem:$0x3FB9]  }
0x3d: {  	_ =	shalt  }
0x3e: {  	_ =	shalt  }
0x3f: {  	_ =	shalt  }
0x40: {  	_ =	shalt  }
0x41: {  	_ =	shalt  }
0x42: {  	_ =	shalt  }
0x43: {  	_ =	shalt  }
0x44: {  	_ =	shalt  }
0x45: {  	_ =	shalt  }
0x46: {  	_ =	shalt  }
0x47: {  	_ =	shalt  }
0x48: {  	_ =	shalt  }
0x49: {  	_ =	shalt  }
0x4a: {  	_ =	shalt  }
0x4b: {  	_ =	shalt  }
0x4c: {  	_ =	shalt  }
0x4d: {  	_ =	shalt  }
0x4e: {  	_ =	shalt  }
0x4f: {  	_ =	shalt  }
0x50: {  	_ =	shalt  }
0x51: {  	_ =	shalt  }
0x52: {  	_ =	shalt  }
0x53: {  	_ =	shalt  }
0x54: {  	_ =	shalt  }
0x55: {  	_ =	shalt  }
0x56: {  	_ =	shalt  }
0x57: {  	_ =	shalt  }
0x58: {  	_ =	shalt  }
0x59: {  	_ =	shalt  }
0x5a: {  	_ =	shalt  }
0x5b: {  	_ =	shalt  }
0x5c: {  	_ =	shalt  }
0x5d: {  	_ =	shalt  }
0x5e: {  	_ =	shalt  }
0x5f: {  	_ =	shalt  }
0x60: {  	_ =	shalt  }
0x61: {  	_ =	shalt  }
0x62: {  	_ =	shalt  }
0x63: {  	_ =	shalt  }
0x64: {  	_ =	shalt  }
0x65: {  	_ =	shalt  }
0x66: {  	_ =	shalt  }
0x67: {  	_ =	shalt  }
0x68: {  	_ =	shalt  }
0x69: {  	_ =	shalt  }
0x6a: {  	_ =	shalt  }
0x6b: {  	_ =	shalt  }
0x6c: {  	_ =	shalt  }
0x6d: {  	_ =	shalt  }
0x6e: {  	_ =	shalt  }
0x6f: {  	_ =	shalt  }
0x70: {  	_ =	shalt  }
0x71: {  	_ =	shalt  }
0x72: {  	_ =	shalt  }
0x73: {  	_ =	shalt  }
0x74: {  	_ =	shalt  }
0x75: {  	_ =	shalt  }
0x76: {  	_ =	shalt  }
0x77: {  	_ =	shalt  }
0x78: {  	_ =	shalt  }
0x79: {  	_ =	shalt  }
0x7a: {  	_ =	shalt  }
0x7b: {  	_ =	shalt  }
0x7c: {  	_ =	shalt  }
0x7d: {  	_ =	shalt  }
0x7e: {  	_ =	shalt  }
0x7f: {  	_ =	shalt  }
0x80: {  	_ =	shalt  }
0x81: {  	_ =	shalt  }
0x82: {  	_ =	shalt  }
0x83: {  	_ =	shalt  }
0x84: {  	_ =	shalt  }
0x85: {  	_ =	shalt  }
0x86: {  	_ =	shalt  }
0x87: {  	_ =	shalt  }
.Lfunc_end0:
.L_simem_size_0:
called_computation_lowered:
.L_overlay_start_0:
0x88: {  	s2 =	sld [smem:$0x3FD9]  }
0x89: {  	s3 =	sld [smem:$0x3FFE];
	_ =	sdelay $0x1  }
0x8a: {  	s1 =	srdreg.scid  }
0x8b: {  	s0 =	sand.u32 $0x1, s1  }
0x8c: {  	s17 =	sshll.u32 s0, $0xA;
	s2 =	sadd.s32 s3, s2  }
0x8d: {  	s2 =	sadd.s32 s2, s17  }
0x8e: {  	[smem:$0x3FC5] =	sst s2  }
0x8f: {  	_ = 	snop  }
0x90: {  	s2 =	sld [smem:$0x3FD0];
	(tm) =	ssettm $0x1  }
0x91: {  	s18 =	sld [smem:$0x3FFB];
	_ =	sdelay $0x3  }
0x92: {  	_ =	strace s18  }
0x93: {  	s3 =	sld [smem:$0x3FFC];
	_ =	sdelay $0x3  }
0x94: {  	_ =	strace s3  }
0x95: {  	s3 =	sld [smem:$0x3FFD];
	_ =	sdelay $0x3  }
0x96: {  	_ =	strace s3  }
0x97: {  	_ =	strace $0x8FFFFFFF  }
0x98: {  	s19 =	sld [smem:$0x3FDB];
	_ =	sdelay $0x1  }
0x99: {  	s4 =	simm.s32 $_scs_section_size  }
0x9a: {  	s5 =	simm.s32 $_size__tile_overlayer_lowered;
	s6 =	simm.s32 $_tile_overlayer_lowered  }
0x9b: {  	s22 =	simm.s32 $0x1BFF;
	s21 =	sshll.u32 s6, $0x1;
	s3 =	sadd.s32 s4, s19  }
0x9c: {  	s7 =	simm.s32 $0x0;
	s20 =	sshll.u32 s5, $0x1;
	s5 =	sadd.s32 s21, s3  }
0x9d: {  	[timem:s7], [sflag:s22] =	dma.local [hbm:s5], s20  }
0x9e: {  	_ =	swait.ge [sflag:s22], s20  }
0x9f: {  	s4 =	ssub.s32 $0x0, s20;
	[sflag:s22] =	ssyncset.done $0x0  }
0xa0: {  	[sflag:s22] =	ssyncadd.s32 s4;
	_ =	sdelay $0x1  }
0xa1: {  	s23 =	simm.s32 $0x1B8B  }
0xa2: {  	_ =	swait.ge [sflag:s23], $0x1  }
0xa3: {  	[sflag:s23] =	ssyncset.done $0x0  }
0xa4: {  	s25 =	simm.s32 $0x1B8E;
	s24 =	sld [smem:$0x3FFE];
	[sflag:s23] =	ssyncadd.s32 $0xFFFFFFFF  }
0xa5: {  	s26 =	simm.s32 $execute0_lowered;
	[smem:$0x3FD2] =	sst s25  }
0xa6: {  	s5 =	sshll.u32 s26, $0x1;
	_ =	strace $0x80000046;
	[dreg:$0x1] =	wrdreg $0xFFFFFFFF  }
0xa7: {  	s28 =	simm.s32 $_size_execute0_lowered;
	s3 =	sadd.s32 s3, s5;
	[dreg:$0x0] =	wrdreg $0x0  }
0xa8: {  	s5 =	sshll.u32 s28, $0x1;
	[dreg:$0x2] =	wrdreg s3  }
0xa9: {  	[dreg:$0x3] =	wrdreg s5  }
0xaa: {  	[dreg:$0x4] =	wrdreg $0xC0  }
0xab: {  	_ =	task [dreg:s7], $0x5FFFF  }
0xac: {  	[dreg:$0x1] =	wrdreg $0xFFFFFFFF  }
0xad: {  	[dreg:$0x0] =	wrdreg $0x60  }
0xae: {  	[dreg:$0x2] =	wrdreg s24  }
0xaf: {  	[dreg:$0x3] =	wrdreg s2  }
0xb0: {  	[dreg:$0x4] =	wrdreg $0x2B000  }
0xb1: {  	[dreg:$0x5] =	wrdreg $0x9  }
0xb2: {  	_ =	task.clear_ibuf [dreg:s7], $0x6FFFF;
	_ =	strace $0x90000046  }
0xb3: {  	s29 =	simm.s32 $0x9;
	_ =	strace $0x80000048  }
0xb4: {  	_ =	swait.ge [sflag:s29], $0x1  }
0xb5: {  	[sflag:s29] =	ssyncadd.s32 $0xFFFFFFFF  }
0xb6: {  	_ =	strace $0x90000048  }
0xb7: {  	_ =	sfence  }
0xb8: {  	s30 =	sld [smem:$0x0];
	_ =	sdelay $0x2  }
0xb9: {  	s31 =	sshll.u32 s1, $0xD;
	s1 =	sshrl.u32 s1, $0x2  }
0xba: {  	s3 =	sand.u32 $0x4000, s31;
	s1 =	sadd.s32 s1, s30  }
0xbb: {  	s0 =	sor.u32 s3, s0;
	s1 =	sshll.u32 s1, $0x11  }
0xbc: {  	s0 =	sor.u32 s1, s0  }
0xbd: {  	s0 =	sadd.s32 $0x8F2B, s0  }
0xbe: {  	[sflag:s0] =	ssyncadd.remote.s32 $0x1  }
0xbf: {  	_ =	sfence.sel $0xFFFF  }
0xc0: {  	[dreg:$0x0] =	wrdreg $0xFFFFFFFF;
	(pc) =	sbr.abs _section_cstart, $3  }
0xc1: {  	[dreg:$0x1] =	wrdreg $0xFFFFFFFF  }
0xc2: {  	_ =	task.clear_ibuf [dreg:s7], $0x2FFFF;
	_ =	strace $0x9FFFFFFF  }
0xc3: {  	(tm) =	ssettm $0x7FFFFFFF  }
tec
execute0_lowered:
.L_overlay_start_1:
0x0: {  	(tag) =	ssettag $0x1  }
0x1: {  	s3 =	rddreg [dreg:$0x0]  }
0x2: {  	s0 =	srdreg.scid;
	s6 =	rddreg [dreg:$0x1]  }
0x3: {  	s9 =	stileid.u32;
	s1 =	rddreg [dreg:$0x2]  }
0x4: {  	s2 =	simm.s32 $0x0;
	s12 =	simm.s32 $0x10;
	s13 =	simm.s32 $0x2A00  }
0x5: {  	s14 =	simm.s32 $0x2A80;
	s15 =	simm.s32 $0x1;
	s16 =	simm.s32 $0x0  }
0x6: {  	s4 =	sand.u32 $0x1, s0;
	s28 =	sshll.u32 s9, $0x1;
	s0 =	rddreg [dreg:$0x3]  }
0x7: {  	[smem:$0x7FF] =	sst s2;
	s8 =	smul.u32 $0x270, s9;
	p0 =	sne.s32 s9, $0x0  }
0x8: {  	s9 =	simm.s32 $0x300;
	s5 =	sor.u32 s4, s28;
	s7 =	ssub.s32 $0x2, s4  }
0x9: {  	s10 =	smul.u32 $0x2710, s4;
	_ =	strace $0x80000047;
	s29 =	sshrl.u32 s7, $0x1  }
0xa: {  	s5 =	smul.u32 $0x4E2, s5;
	s4 =	sadd.s32 s8, s1;
	s11 =	ssub.s32 s7, s29  }
0xb: {  	s30 =	sadd.s32 s8, s10;
	s31 =	sshrl.u32 s10, $0x3;
	s10 =	simm.s32 $0x2  }
0xc: {  	s3 =	sadd.s32 s5, s3;
	s5 =	sadd.s32 $0x2700, s1;
	s7 =	sshrl.u32 s30, $0x3  }
0xd: {  	s8 =	sadd.s32 s6, s31;
	s3 =	sadd.s32 $0x2000, s3;
	s6 =	sadd.s32 s6, s7  }
0xe: {  	v0 =	vimm.f32 $1.000000000e+00;
	v1 =	vimm.f32 $0.0e+00;
	s7 =	sadd.s32 $0x4E0, s8;
	s8 =	smax.u32 s11, $0x1;
	s11 =	simm.s32 $0x80  }
.LBB2_1:
0xf: {  	[tilespmem:$0x0] =	vst v0  }
0x10: {  	[tilespmem:$0x10] =	vst v0  }
0x11: {  	[tilespmem:$0x20] =	vst v0  }
0x12: {  	[tilespmem:$0x30] =	vst v0  }
0x13: {  	[tilespmem:$0x40] =	vst v0  }
0x14: {  	[tilespmem:$0x50] =	vst v0  }
0x15: {  	[tilespmem:$0x60] =	vst v0  }
0x16: {  	[tilespmem:$0x70] =	vst v0  }
0x17: {  	[tilespmem:$0x2A80] =	vst v0  }
0x18: {  	[tilespmem:$0x80] =	vst v1  }
0x19: {  	[tilespmem:$0x90] =	vst v1  }
0x1a: {  	[tilespmem:$0xA0] =	vst v1  }
0x1b: {  	[tilespmem:$0xB0] =	vst v1  }
0x1c: {  	[tilespmem:$0xC0] =	vst v1  }
0x1d: {  	[tilespmem:$0xD0] =	vst v1  }
0x1e: {  	[tilespmem:$0xE0] =	vst v1  }
0x1f: {  	[tilespmem:$0xF0] =	vst v1  }
0x20: {  	[tilespmem:$0x100] =	vst v1  }
0x21: {  	[tilespmem:$0x110] =	vst v1  }
0x22: {  	[tilespmem:$0x120] =	vst v1  }
0x23: {  	[tilespmem:$0x130] =	vst v1  }
0x24: {  	[tilespmem:$0x140] =	vst v1  }
0x25: {  	[tilespmem:$0x150] =	vst v1  }
0x26: {  	[tilespmem:$0x160] =	vst v1  }
0x27: {  	[tilespmem:$0x170] =	vst v1  }
0x28: {  	[tilespmem:$0x180] =	vst v1  }
0x29: {  	[tilespmem:$0x190] =	vst v1  }
0x2a: {  	[tilespmem:$0x1A0] =	vst v1  }
0x2b: {  	[tilespmem:$0x1B0] =	vst v1  }
0x2c: {  	[tilespmem:$0x1C0] =	vst v1  }
0x2d: {  	[tilespmem:$0x1D0] =	vst v1  }
0x2e: {  	[tilespmem:$0x1E0] =	vst v1  }
0x2f: {  	[tilespmem:$0x1F0] =	vst v1  }
0x30: {  	[tilespmem:$0x200] =	vst v1  }
0x31: {  	[tilespmem:$0x210] =	vst v1  }
0x32: {  	[tilespmem:$0x220] =	vst v1  }
0x33: {  	[tilespmem:$0x230] =	vst v1  }
0x34: {  	[tilespmem:$0x240] =	vst v1  }
0x35: {  	[tilespmem:$0x250] =	vst v1  }
0x36: {  	[tilespmem:$0x260] =	vst v1  }
0x37: {  	[tilespmem:$0x270] =	vst v1  }
0x38: {  	[tilespmem:$0x280] =	vst v1  }
0x39: {  	[tilespmem:$0x290] =	vst v1  }
0x3a: {  	[tilespmem:$0x2A0] =	vst v1  }
0x3b: {  	[tilespmem:$0x2B0] =	vst v1  }
0x3c: {  	[tilespmem:$0x2C0] =	vst v1  }
0x3d: {  	[tilespmem:$0x2D0] =	vst v1  }
0x3e: {  	[tilespmem:$0x2E0] =	vst v1  }
0x3f: {  	[tilespmem:s9], [sflag:$0x2] =	stream.linear.gather [hbm4b:s3+s2], $0x2710, $0x38;
	[tilespmem:$0x2D78] =	vst v63  }
0x40: {  	_ =	swait.ge [sflag:s10], $0x2710  }
0x41: {  	[sflag:s10] =	ssyncset.done $0x0  }
0x42: {  	[sflag:s10] =	ssyncadd.s32 $0xFFFFD8F0  }
0x43: {  	[spmem:s4] =	stream.linear.scatter [tilespmem:s11], [sflag:$0x2], $0x270, $0x38;
	[tilespmem:$0x2D78] =	vst v63  }
0x44: {  	_ =	swait.ge [sflag:s10], $0x270  }
0x45: {  	[sflag:s10] =	ssyncset.done $0x0  }
0x46: {  	s17 =	simm.s32 @!p0 $0x80;
	[sflag:s10] =	ssyncadd.s32 $0xFFFFFD90  }
0x47: {  	[spmem:s5] =	stream.linear.scatter @!p0 [tilespmem:s17], [sflag:$0x2], $0x10, $0x38;
	[tilespmem:$0x2D78] =	vst v63  }
0x48: {  	s17 =	simm.s32 @!p0 $0x2  }
0x49: {  	_ =	swait.ge @!p0 [sflag:s17], $0x10  }
0x4a: {  	[sflag:s17] =	ssyncset.done @!p0 $0x0  }
0x4b: {  	[sflag:s17] =	ssyncadd.s32 @!p0 $0xFFFFFFF0  }
0x4c: {  	s18 =	simm.s32 $0x300;
	s17 =	simm.s32 $0x200;
	[bflag:$0x0] =	sbarrier.arrive $0xFFFF  }
.LBB2_2:
0x4d: {  	[spmem:s1] =	stream.indirect.scatter.add.f32 [tilespmem:s2], [sflag:$0x1], $0x1, s18, s11, $0xb8;
	[tilespmem:$0x2D78] =	vst v63  }
0x4e: {  	s18 =	smov.u32 s17;
	p1 =	sne.s32 s17, $0x9A00  }
.Ltmp0:
0x4f: {  	s17 =	sadd.s32 $0x200, s17;
	(pc) =	sbr.rel @p1 .LBB2_2-.Ltmp0, $3  }
0x50: {  	_ =	sdelay $0x1  }
0x51: {  	s18 =	sshra.s32 s18, $0x2  }
0x52: {  	s18 =	sadd.s32 $0x300, s18  }
0x53: {  	[spmem:s1] =	stream.indirect.scatter.add.f32 [tilespmem:s2], [sflag:$0x1], $0x1, s18, s11, $0xb8;
	[tilespmem:$0x2D78] =	vst v63  }
0x54: {  	_ = 	snop  }
0x55: {  	[spmem:s1] =	stream.indirect.scatter.add.f32 [tilespmem:s14], [sflag:$0x2], $0x1, s13, s12, $0xb8;
	[tilespmem:$0x2D78] =	vst v63  }
0x56: {  	_ =	swait.ge [sflag:s10], $0x10  }
0x57: {  	[sflag:s10] =	ssyncset.done $0x0  }
0x58: {  	[sflag:s10] =	ssyncadd.s32 $0xFFFFFFF0  }
0x59: {  	_ =	swait.ge [sflag:s15], $0x80  }
0x5a: {  	s17 =	simm.s32 $0x4D;
	[sflag:s15] =	ssyncset.done $0x0  }
.LBB2_4:
0x5b: {  	p1 =	sne.s32 s17, $0x1;
	s17 =	sadd.s32 $0xFFFFFFFF, s17;
	[sflag:s15] =	ssyncadd.s32 $0xFFFFFF80  }
.Ltmp1:
0x5c: {  	(pc) =	sbr.rel @p1 .LBB2_4-.Ltmp1, $3  }
0x5d: {  	_ =	sdelay $0x1  }
0x5e: {  	_ =	swait.ge [sflag:s15], $0x80  }
0x5f: {  	[sflag:s15] =	ssyncset.done $0x0  }
0x60: {  	[sflag:s15] =	ssyncadd.s32 $0xFFFFFF80  }
0x61: {  	[bflag:$0x0] =	sbarrier.arrive $0xFFFF  }
0x62: {  	[tilespmem:s11], [sflag:$0x2] =	stream.linear.gather [spmem:s4], $0x270, $0x38;
	[tilespmem:$0x2D78] =	vst v63  }
0x63: {  	_ =	swait.ge [sflag:s10], $0x270  }
0x64: {  	[sflag:s10] =	ssyncset.done $0x0  }
0x65: {  	[sflag:s10] =	ssyncadd.s32 $0xFFFFFD90  }
0x66: {  	[hbm4b:s6+s2] =	stream.linear.scatter [tilespmem:s11], [sflag:$0x2], $0x270, $0x38;
	[tilespmem:$0x2D78] =	vst v63  }
0x67: {  	_ =	swait.ge [sflag:s10], $0x270  }
0x68: {  	[sflag:s10] =	ssyncset.done $0x0  }
0x69: {  	s17 =	simm.s32 @!p0 $0x2A80;
	s18 =	simm.s32 @!p0 $0x2;
	[sflag:s10] =	ssyncadd.s32 $0xFFFFFD90  }
0x6a: {  	[tilespmem:s17], [sflag:$0x2] =	stream.linear.gather @!p0 [spmem:s5], $0x10, $0x38;
	[tilespmem:$0x2D78] =	vst v63  }
0x6b: {  	s16 =	sadd.s32 $0x1, s16;
	_ =	swait.ge @!p0 [sflag:s18], $0x10  }
0x6c: {  	p1 =	sne.s32 s16, s8;
	[sflag:s18] =	ssyncset.done @!p0 $0x0  }
.Ltmp2:
0x6d: {  	s19 =	simm.s32 @!p0 $0x0;
	[sflag:s18] =	ssyncadd.s32 @!p0 $0xFFFFFFF0;
	(pc) =	sbr.rel @p1 .LBB2_1-.Ltmp2, $4  }
0x6e: {  	[hbm4b:s7+s19] =	stream.linear.scatter @!p0 [tilespmem:s17], [sflag:$0x2], $0x10, $0x38;
	[tilespmem:$0x2D78] =	vst v63  }
0x6f: {  	_ =	swait.ge @!p0 [sflag:s18], $0x10  }
0x70: {  	[sflag:s18] =	ssyncset.done @!p0 $0x0  }
0x71: {  	[sflag:s18] =	ssyncadd.s32 @!p0 $0xFFFFFFF0  }
0x72: {  	_ =	sfence.sel $0x180000  }
0x73: {  	[bflag:$0x0] =	sbarrier.arrive $0xFFFF  }
0x74: {  	_ =	strace $0x90000047  }
0x75: {  	s0 =	sadd.s32 @!p0 $0x100000, s0;
	[bflag:$0x2] =	sbarrier.arrive $0xFFFF  }
0x76: {  	[sflag:s0] =	ssyncadd.tile.s32 @!p0 $0x1;
	_ =	shalt  }
.Lfunc_end2:
_tile_overlayer_lowered:
.L_overlay_start_2:
0x77: {  	(tag) =	ssettag $0x2  }
0x78: {  	s0 =	rddreg [dreg:$0x0];
	s2 =	stileid.u32  }
0x79: {  	s1 =	rddreg [dreg:$0x1];
	p0 =	sne.s32 s2, $0x0  }
0x7a: {  	s3 =	rddreg [dreg:$0x2];
	[bflag:$0x3] =	sbarrier.arrive $0xFFFF;
	s2 =	simm.s32 @!p0 $0x1C02  }
0x7b: {  	[timem:s3], [sflag:s2] =	dma.local @!p0 [hbm:s0], s1  }
0x7c: {  	s0 =	simm.s32 @!p0 $0x2  }
0x7d: {  	_ =	swait.ge @!p0 [sflag:s0], s1  }
0x7e: {  	s1 =	ssub.s32 @!p0 $0x0, s1;
	[sflag:s0] =	ssyncset.done @!p0 $0x0  }
0x7f: {  	[sflag:s0] =	ssyncadd.s32 @!p0 s1  }
0x80: {  	[bflag:$0x3] =	sbarrier.arrive $0xFFFF  }
0x81: {  	_ =	shalt  }

</sc_bundles>
